<compile_context>
chip_gen: v7x
topology: tpu7x:2x2x1
jax: 0.10.2.dev20260603
libtpu: 0.0.44.dev20260713+nightly
codegen_flags: <defaults>
</compile_context>

<pallas_src>
import functools

import jax
import jax.numpy as jnp
from jax import lax
from jax.experimental import pallas as pl
from jax.experimental.pallas import tpu as pltpu
from jax.experimental.pallas import tpu_sc as plsc

N = 10000
E = 320000
G = 512
D = 128
NC = 2
NS = 16
NW = NC * NS

CH = 80
EPT = E // NW
NCH = EPT // CH
RCH = N // CH
ZR = 80
ZCH = N // ZR
GPT = G // NS

_mesh = plsc.VectorSubcoreMesh(core_axis_name="c", subcore_axis_name="s")
NB = 2
BCH = 25
NBLK = NCH // BCH


def _seg_body(h_hbm, src4_hbm, dst4_hbm, g_hbm, z_hbm,
              m_out, p_out,
              idx_src, idx_dst, idx_g, rows,
              gsem0, gsem1,
              acc_m, acc_p):
    cid = lax.axis_index("c")
    sid = lax.axis_index("s")
    wid = sid * NC + cid
    gsems = (gsem0, gsem1)

    def zero_body(k, _):
        c = sid + k * NS

        @pl.when(c < ZCH)
        def _():
            pltpu.sync_copy(z_hbm, acc_m.at[pl.ds(c * ZR, ZR), :])

        return 0

    lax.fori_loop(0, (ZCH + NS - 1) // NS, zero_body, 0)
    pltpu.sync_copy(z_hbm.at[pl.ds(0, GPT), :], acc_p.at[pl.ds(sid * GPT, GPT), :])
    plsc.subcore_barrier()

    def g_start(j, b):
        pltpu.make_async_copy(h_hbm.at[idx_src.at[j]], rows.at[b], gsems[b]).start()

    def g_wait(j, b):
        pltpu.make_async_copy(h_hbm.at[idx_src.at[j]], rows.at[b], gsems[b]).wait()

    def edge_block(bo, _):
        pltpu.sync_copy(src4_hbm.at[wid, bo], idx_src)
        pltpu.sync_copy(dst4_hbm.at[wid, bo], idx_dst)
        for b in range(NB):
            g_start(b, b)

        def edge_inner(t, _):
            for b in range(NB):
                j = t * NB + b

                def step(jj=j, bb=b):
                    g_wait(jj, bb)
                    pltpu.sync_copy(rows.at[bb], acc_m.at[idx_dst.at[jj]], add=True)

                    @pl.when(jj + NB < BCH)
                    def _():
                        g_start(jj + NB, bb)

                pl.when(j < BCH)(step)
            return 0

        lax.fori_loop(0, (BCH + NB - 1) // NB, edge_inner, 0)
        return 0

    lax.fori_loop(0, NBLK, edge_block, 0)

    def pool_body(k, _):
        c = wid + k * NW

        @pl.when(c < RCH)
        def _():
            pltpu.sync_copy(g_hbm.at[pl.ds(c * CH, CH)], idx_g)
            pltpu.sync_copy(h_hbm.at[pl.ds(c * CH, CH), :], rows.at[0])
            pltpu.sync_copy(rows.at[0], acc_p.at[idx_g], add=True)

        return 0

    lax.fori_loop(0, (RCH + NW - 1) // NW, pool_body, 0)

    plsc.subcore_barrier()

    def wr_body(k, _):
        c = sid + k * NS

        @pl.when(c < ZCH)
        def _():
            r0 = c * ZR
            pltpu.sync_copy(acc_m.at[pl.ds(r0, ZR), :], m_out.at[cid, pl.ds(r0, ZR), :])

        return 0

    lax.fori_loop(0, (ZCH + NS - 1) // NS, wr_body, 0)
    pltpu.sync_copy(acc_p.at[pl.ds(sid * GPT, GPT), :], p_out.at[cid, pl.ds(sid * GPT, GPT), :])


_seg_call = pl.kernel(
    _seg_body,
    out_type=(
        jax.ShapeDtypeStruct((NC, N, D), jnp.float32),
        jax.ShapeDtypeStruct((NC, G, D), jnp.float32),
    ),
    mesh=_mesh,
    scratch_types=[
        pltpu.VMEM((BCH, CH), jnp.int32),
        pltpu.VMEM((BCH, CH), jnp.int32),
        pltpu.VMEM((CH,), jnp.int32),
        pltpu.VMEM((NB, CH, D), jnp.float32),
        pltpu.SemaphoreType.DMA,
        pltpu.SemaphoreType.DMA,
        pltpu.VMEM_SHARED((N, D), jnp.float32),
        pltpu.VMEM_SHARED((G, D), jnp.float32),
    ],
)


def _pool_body(h_hbm, g_hbm, z_hbm, p_out, idx_g, rows, acc_p):
    cid = lax.axis_index("c")
    sid = lax.axis_index("s")
    wid = sid * NC + cid

    pltpu.sync_copy(z_hbm.at[pl.ds(0, GPT), :], acc_p.at[pl.ds(sid * GPT, GPT), :])
    plsc.subcore_barrier()

    def pool_body(k, _):
        c = wid + k * NW

        @pl.when(c < RCH)
        def _():
            pltpu.sync_copy(g_hbm.at[pl.ds(c * CH, CH)], idx_g)
            pltpu.sync_copy(h_hbm.at[pl.ds(c * CH, CH), :], rows)
            pltpu.sync_copy(rows, acc_p.at[idx_g], add=True)

        return 0

    lax.fori_loop(0, (RCH + NW - 1) // NW, pool_body, 0)
    plsc.subcore_barrier()
    pltpu.sync_copy(acc_p.at[pl.ds(sid * GPT, GPT), :], p_out.at[cid, pl.ds(sid * GPT, GPT), :])


_pool_call = pl.kernel(
    _pool_body,
    out_type=jax.ShapeDtypeStruct((NC, G, D), jnp.float32),
    mesh=_mesh,
    scratch_types=[
        pltpu.VMEM((CH,), jnp.int32),
        pltpu.VMEM((CH, D), jnp.float32),
        pltpu.VMEM_SHARED((G, D), jnp.float32),
    ],
)



def _silu_tc_body(x_ref, o_ref):
    x = x_ref[...]
    o_ref[...] = x * jax.nn.sigmoid(x)


def _silu_tc(x):
    bn = 2000
    return pl.pallas_call(
        _silu_tc_body,
        out_shape=jax.ShapeDtypeStruct((N, D), jnp.float32),
        grid=(N // bn,),
        in_specs=[pl.BlockSpec((bn, D), lambda i: (i, 0))],
        out_specs=pl.BlockSpec((bn, D), lambda i: (i, 0)),
    )(x)


def _mm_tc_body(m_ref, w_ref, b_ref, o_ref):
    x = m_ref[0] + m_ref[1]
    y = jnp.dot(x, w_ref[...], preferred_element_type=jnp.float32) + b_ref[...]
    o_ref[...] = y * jax.nn.sigmoid(y)


def _mm_tc(m_parts, w, b):
    bn = 2000
    return pl.pallas_call(
        _mm_tc_body,
        out_shape=jax.ShapeDtypeStruct((N, D), jnp.float32),
        grid=(N // bn,),
        in_specs=[
            pl.BlockSpec((NC, bn, D), lambda i: (0, i, 0)),
            pl.BlockSpec((D, D), lambda i: (0, 0)),
            pl.BlockSpec((1, D), lambda i: (0, 0)),
        ],
        out_specs=pl.BlockSpec((bn, D), lambda i: (i, 0)),
    )(m_parts, w, b.reshape(1, D))


def _final_tc_body(p1_ref, p2_ref, p3_ref, p4_ref, ws1_ref, bs1_ref,
                   ws2_ref, bs2_ref, o_ref):
    t = bs1_ref[...]
    for l, ref in enumerate((p1_ref, p2_ref, p3_ref, p4_ref)):
        p = ref[0] + ref[1]
        t = t + jnp.dot(p, ws1_ref[l * D:(l + 1) * D, :],
                        preferred_element_type=jnp.float32)
    u = t * jax.nn.sigmoid(t)
    o_ref[...] = jnp.dot(u, ws2_ref[...],
                         preferred_element_type=jnp.float32) + bs2_ref[...]


def _final_tc(p1, p2, p3, p4, ws1, bs1, ws2, bs2):
    full = lambda s: pl.BlockSpec(s, lambda: tuple(0 for _ in s))
    return pl.pallas_call(
        _final_tc_body,
        out_shape=jax.ShapeDtypeStruct((G, D), jnp.float32),
        in_specs=[
            full((NC, G, D)), full((NC, G, D)), full((NC, G, D)), full((NC, G, D)),
            full((4 * D, D)), full((1, D)), full((D, D)), full((1, D)),
        ],
        out_specs=full((G, D)),
    )(p1, p2, p3, p4, ws1, bs1.reshape(1, D), ws2, bs2.reshape(1, D))


def kernel(feat, src12, dst12, src23, dst23, src34, dst34, g1, g2, g3, g4,
           W2, b2, W3, b3, W4, b4, Ws1, bs1, Ws2, bs2):
    z = jnp.zeros((ZR, D), jnp.float32)
    r3 = lambda a: a.reshape(NW, NBLK, BCH, CH)
    h1 = _silu_tc(feat)
    m2p, p1p = _seg_call(h1, r3(src12), r3(dst12), g1, z)
    h2 = _mm_tc(m2p, W2, b2)
    m3p, p2p = _seg_call(h2, r3(src23), r3(dst23), g2, z)
    h3 = _mm_tc(m3p, W3, b3)
    m4p, p3p = _seg_call(h3, r3(src34), r3(dst34), g3, z)
    h4 = _mm_tc(m4p, W4, b4)
    p4p = _pool_call(h4, g4, z)
    return _final_tc(p1p, p2p, p3p, p4p, Ws1, bs1, Ws2, bs2)

# --- scband reference (transcript-rebuilt; emitter-appended) ---
"""Pipeline reference for scband-graph-readout-24017457119532 (READ-ONLY COPY).

The authoritative reference and input builder live on the scoring server;
editing this copy changes nothing except your own understanding.
"""

import jax, jax.numpy as jnp
import numpy as np

N = 10000      # nodes per hierarchy level (n1..n4)
E = 320000     # upward edges between consecutive levels
G = 512        # number of graphs in the batch
D_IN = 128
D_HID = 128
D_OUT = 128
MAX_LEVEL = 4


def silu(x):
    return x * jax.nn.sigmoid(x)


def _linear_params(key, fan_in, fan_out):
    k1, k2 = jax.random.split(key)
    s = 1.0 / np.sqrt(fan_in)
    W = jax.random.uniform(k1, (fan_in, fan_out), jnp.float32, -s, s)
    b = jax.random.uniform(k2, (fan_out,), jnp.float32, -s, s)
    return W, b


def setup_inputs(seed: int = 0) -> dict:
    key = jax.random.key(seed)
    ks = jax.random.split(key, 20)
    inp = {}
    inp["feat"] = jax.random.normal(ks[0], (N, D_IN), dtype=jnp.float32)

    def rint(k, n, hi):
        return jax.random.randint(k, (n,), 0, hi, dtype=jnp.int32)

    # upward message-passing edges between hierarchy levels (src in lower level, dst in upper level)
    inp["src12"] = rint(ks[1], E, N)
    inp["dst12"] = rint(ks[2], E, N)
    inp["src23"] = rint(ks[3], E, N)
    inp["dst23"] = rint(ks[4], E, N)
    inp["src34"] = rint(ks[5], E, N)
    inp["dst34"] = rint(ks[6], E, N)
    # graph membership for each level's nodes ('n{l}_in_g' readout edges)
    inp["g1"] = rint(ks[7], N, G)
    inp["g2"] = rint(ks[8], N, G)
    inp["g3"] = rint(ks[9], N, G)
    inp["g4"] = rint(ks[10], N, G)

    # upward HierarchicalPathNetworkLayer weights (down layers are Identity in GraphReadout)
    inp["W2"], inp["b2"] = _linear_params(ks[11], D_IN, D_HID)
    inp["W3"], inp["b3"] = _linear_params(ks[12], D_HID, D_HID)
    inp["W4"], inp["b4"] = _linear_params(ks[13], D_HID, D_HID)
    # summarize_layer: Linear(in + (max_level-1)*hidden, hidden) -> SiLU -> Linear(hidden, out)
    inp["Ws1"], inp["bs1"] = _linear_params(ks[14], D_IN + (MAX_LEVEL - 1) * D_HID, D_HID)
    inp["Ws2"], inp["bs2"] = _linear_params(ks[15], D_HID, D_OUT)
    return inp


def reference(feat, src12, dst12, src23, dst23, src34, dst34, g1, g2, g3, g4,
              W2, b2, W3, b3, W4, b4, Ws1, bs1, Ws2, bs2):
    # feat = activation(feat)
    h1 = silu(feat)
    # upward pass: copy_src -> sum scatter -> linear + activation at each level
    m2 = jax.ops.segment_sum(h1[src12], dst12, num_segments=N)
    h2 = silu(m2 @ W2 + b2)
    m3 = jax.ops.segment_sum(h2[src23], dst23, num_segments=N)
    h3 = silu(m3 @ W3 + b3)
    m4 = jax.ops.segment_sum(h3[src34], dst34, num_segments=N)
    h4 = silu(m4 @ W4 + b4)
    # multi_update_all over 'n{l}_in_g': copy_src + sum reduce into graph nodes
    p1 = jax.ops.segment_sum(h1, g1, num_segments=G)
    p2 = jax.ops.segment_sum(h2, g2, num_segments=G)
    p3 = jax.ops.segment_sum(h3, g3, num_segments=G)
    p4 = jax.ops.segment_sum(h4, g4, num_segments=G)
    # summarize_layer(cat([h1..h4], -1)) on graph nodes
    hcat = jnp.concatenate([p1, p2, p3, p4], axis=-1)
    out = silu(hcat @ Ws1 + bs1) @ Ws2 + bs2
    return out

if __name__ == "__main__":
    import jax
    _d = setup_inputs()
    print(jax.jit(kernel)(*tuple(_d.values())))

</pallas_src>

<mosaic_0001>
#map = affine_map<(d0, d1) -> (0, 0)>
#map1 = affine_map<(d0, d1) -> (0, 0, 0, 0)>
#map2 = affine_map<(d0, d1) -> (0)>
#map3 = affine_map<(d0, d1) -> (0, 0, 0)>
module attributes {stable_mosaic.version = 14 : i64} {
  func.func @_seg_body(%arg0: i32, %arg1: i32, %arg2: memref<10000x128xf32, #tpu.memory_space<hbm>>, %arg3: memref<32x5x25x80xi32, #tpu.memory_space<hbm>>, %arg4: memref<32x5x25x80xi32, #tpu.memory_space<hbm>>, %arg5: memref<10000xi32, #tpu.memory_space<hbm>>, %arg6: memref<80x128xf32, #tpu.memory_space<hbm>>, %arg7: memref<2x10000x128xf32, #tpu.memory_space<hbm>>, %arg8: memref<2x512x128xf32, #tpu.memory_space<hbm>>, %arg9: memref<25x80xi32, #tpu.memory_space<vmem>>, %arg10: memref<25x80xi32, #tpu.memory_space<vmem>>, %arg11: memref<80xi32, #tpu.memory_space<vmem>>, %arg12: memref<2x80x128xf32, #tpu.memory_space<vmem>>, %arg13: memref<!tpu.dma_semaphore, #tpu.memory_space<semaphore_mem>>, %arg14: memref<!tpu.dma_semaphore, #tpu.memory_space<semaphore_mem>>, %arg15: memref<10000x128xf32, #tpu.memory_space<vmem_shared>>, %arg16: memref<512x128xf32, #tpu.memory_space<vmem_shared>>) attributes {dimension_semantics = [#tpu.dimension_semantics<core_parallel>, #tpu.dimension_semantics<subcore_parallel>], iteration_bounds = array<i64: 2, 16>, scalar_prefetch = 0 : i64, scratch_operands = 8 : i64, tpu.core_type = #tpu.core_type<sc_vector_subcore>, window_params = [{transform_indices = #map}, {transform_indices = #map1}, {transform_indices = #map1}, {transform_indices = #map2}, {transform_indices = #map}, {transform_indices = #map3}, {transform_indices = #map3}]} {
    %mul3A = arith.constant 2 : i32
    %mul3A_0 = arith.muli %arg1, %mul3A : i32
    %add3A = arith.addi %mul3A_0, %arg0 : i32
    %scan3A = arith.constant 0 : i32
    %scan3A_1 = arith.constant 0 : i32
    %scan3A_2 = arith.constant 8 : i32
    %scan3A_3 = arith.addi %scan3A_1, %scan3A_2 : i32
    %scan3A_4 = arith.constant 1 : i32
    %scan3A_5 = scf.for %scan3A_35 = %scan3A_1 to %scan3A_3 step %scan3A_4 iter_args(%scan3A_36 = %scan3A) -> (i32)  : i32 {
      %mul3A_37 = arith.constant 16 : i32
      %mul3A_38 = arith.muli %scan3A_35, %mul3A_37 : i32
      %add3A_39 = arith.addi %arg1, %mul3A_38 : i32
      %lt3A = arith.constant 125 : i32
      %lt3A_40 = arith.cmpi slt, %add3A_39, %lt3A : i32
      %convert_element_type3A = arith.extui %lt3A_40 : i1 to i32
      %cond3A = arith.constant 0 : i32
      %cond3A_41 = arith.cmpi ne, %convert_element_type3A, %cond3A : i32
      scf.if %cond3A_41 {
        %mul3A_43 = arith.constant 80 : i32
        %mul3A_44 = arith.muli %add3A_39, %mul3A_43 : i32
        "tpu.region"() ({
          %run_scoped3A = tpu.sem_alloc : memref<!tpu.dma_semaphore, #tpu.memory_space<semaphore_mem>>
          %dma_start3A = arith.constant 0 : i32
          %dma_start3A_45 = tpu.memref_slice %arg15[%mul3A_44, %dma_start3A] : memref<10000x128xf32, #tpu.memory_space<vmem_shared>> -> memref<80x128xf32, #tpu.memory_space<vmem_shared>>
          tpu.enqueue_dma source(%arg6 : memref<80x128xf32, #tpu.memory_space<hbm>>) target(%dma_start3A_45 : memref<80x128xf32, #tpu.memory_space<vmem_shared>>) target_semaphore(%run_scoped3A : memref<!tpu.dma_semaphore, #tpu.memory_space<semaphore_mem>>)
          %dma_wait3A = arith.constant 0 : i32
          %dma_wait3A_46 = tpu.memref_slice %arg15[%mul3A_44, %dma_wait3A] : memref<10000x128xf32, #tpu.memory_space<vmem_shared>> -> memref<80x128xf32, #tpu.memory_space<vmem_shared>>
          tpu.wait_dma2 semaphore(%run_scoped3A : memref<!tpu.dma_semaphore, #tpu.memory_space<semaphore_mem>>) src(%arg6 : memref<80x128xf32, #tpu.memory_space<hbm>>) dst(%dma_wait3A_46 : memref<80x128xf32, #tpu.memory_space<vmem_shared>>)
          tpu.yield
        }) : () -> ()
      } else {
      }
      %scan3A_42 = arith.constant 0 : i32
      scf.yield %scan3A_42 : i32
    }
    %scan3A_6 = arith.constant 8 : i32
    %mul3A_7 = arith.constant 32 : i32
    %mul3A_8 = arith.muli %arg1, %mul3A_7 : i32
    "tpu.region"() ({
      %run_scoped3A = tpu.sem_alloc : memref<!tpu.dma_semaphore, #tpu.memory_space<semaphore_mem>>
      %dma_start3A = arith.constant 0 : i32
      %dma_start3A_35 = tpu.memref_slice %arg16[%mul3A_8, %dma_start3A] : memref<512x128xf32, #tpu.memory_space<vmem_shared>> -> memref<32x128xf32, #tpu.memory_space<vmem_shared>>
      %dma_start3A_36 = arith.constant 0 : i32
      %dma_start3A_37 = arith.constant 0 : i32
      %dma_start3A_38 = tpu.memref_slice %arg6[%dma_start3A_36, %dma_start3A_37] : memref<80x128xf32, #tpu.memory_space<hbm>> -> memref<32x128xf32, #tpu.memory_space<hbm>>
      tpu.enqueue_dma source(%dma_start3A_38 : memref<32x128xf32, #tpu.memory_space<hbm>>) target(%dma_start3A_35 : memref<32x128xf32, #tpu.memory_space<vmem_shared>>) target_semaphore(%run_scoped3A : memref<!tpu.dma_semaphore, #tpu.memory_space<semaphore_mem>>)
      %dma_wait3A = arith.constant 0 : i32
      %dma_wait3A_39 = tpu.memref_slice %arg16[%mul3A_8, %dma_wait3A] : memref<512x128xf32, #tpu.memory_space<vmem_shared>> -> memref<32x128xf32, #tpu.memory_space<vmem_shared>>
      %dma_wait3A_40 = arith.constant 0 : i32
      %dma_wait3A_41 = arith.constant 0 : i32
      %dma_wait3A_42 = tpu.memref_slice %arg6[%dma_wait3A_40, %dma_wait3A_41] : memref<80x128xf32, #tpu.memory_space<hbm>> -> memref<32x128xf32, #tpu.memory_space<hbm>>
      tpu.wait_dma2 semaphore(%run_scoped3A : memref<!tpu.dma_semaphore, #tpu.memory_space<semaphore_mem>>) src(%dma_wait3A_42 : memref<32x128xf32, #tpu.memory_space<hbm>>) dst(%dma_wait3A_39 : memref<32x128xf32, #tpu.memory_space<vmem_shared>>)
      tpu.yield
    }) : () -> ()
    %barrier3A = arith.constant 0 : index
    tpu.barrier barrier_id(%barrier3A)
    %scan3A_9 = arith.constant 0 : i32
    %scan3A_10 = arith.constant 0 : i32
    %scan3A_11 = arith.constant 5 : i32
    %scan3A_12 = arith.addi %scan3A_10, %scan3A_11 : i32
    %scan3A_13 = arith.constant 1 : i32
    %scan3A_14 = scf.for %scan3A_35 = %scan3A_10 to %scan3A_12 step %scan3A_13 iter_args(%scan3A_36 = %scan3A_9) -> (i32)  : i32 {
      "tpu.region"() ({
        %run_scoped3A = tpu.sem_alloc : memref<!tpu.dma_semaphore, #tpu.memory_space<semaphore_mem>>
        %dma_start3A_68 = arith.constant 0 : i32
        %dma_start3A_69 = arith.constant 0 : i32
        %dma_start3A_70 = tpu.memref_slice %arg3[%add3A, %scan3A_35, %dma_start3A_68, %dma_start3A_69] : memref<32x5x25x80xi32, #tpu.memory_space<hbm>> -> memref<1x1x25x80xi32, #tpu.memory_space<hbm>>
        %dma_start3A_71 = tpu.memref_squeeze %dma_start3A_70 : memref<1x1x25x80xi32, #tpu.memory_space<hbm>> -> memref<25x80xi32, #tpu.memory_space<hbm>>
        %dma_start3A_72 = arith.constant 0 : i32
        %dma_start3A_73 = arith.constant 0 : i32
        %dma_start3A_74 = tpu.memref_slice %arg3[%add3A, %scan3A_35, %dma_start3A_72, %dma_start3A_73] : memref<32x5x25x80xi32, #tpu.memory_space<hbm>> -> memref<1x1x25x80xi32, #tpu.memory_space<hbm>>
        %dma_start3A_75 = tpu.memref_squeeze %dma_start3A_74 : memref<1x1x25x80xi32, #tpu.memory_space<hbm>> -> memref<25x80xi32, #tpu.memory_space<hbm>>
        tpu.enqueue_dma source(%dma_start3A_75 : memref<25x80xi32, #tpu.memory_space<hbm>>) target(%arg9 : memref<25x80xi32, #tpu.memory_space<vmem>>) target_semaphore(%run_scoped3A : memref<!tpu.dma_semaphore, #tpu.memory_space<semaphore_mem>>)
        %dma_wait3A = arith.constant 0 : i32
        %dma_wait3A_76 = arith.constant 0 : i32
        %dma_wait3A_77 = tpu.memref_slice %arg3[%add3A, %scan3A_35, %dma_wait3A, %dma_wait3A_76] : memref<32x5x25x80xi32, #tpu.memory_space<hbm>> -> memref<1x1x25x80xi32, #tpu.memory_space<hbm>>
        %dma_wait3A_78 = tpu.memref_squeeze %dma_wait3A_77 : memref<1x1x25x80xi32, #tpu.memory_space<hbm>> -> memref<25x80xi32, #tpu.memory_space<hbm>>
        %dma_wait3A_79 = arith.constant 0 : i32
        %dma_wait3A_80 = arith.constant 0 : i32
        %dma_wait3A_81 = tpu.memref_slice %arg3[%add3A, %scan3A_35, %dma_wait3A_79, %dma_wait3A_80] : memref<32x5x25x80xi32, #tpu.memory_space<hbm>> -> memref<1x1x25x80xi32, #tpu.memory_space<hbm>>
        %dma_wait3A_82 = tpu.memref_squeeze %dma_wait3A_81 : memref<1x1x25x80xi32, #tpu.memory_space<hbm>> -> memref<25x80xi32, #tpu.memory_space<hbm>>
        tpu.wait_dma2 semaphore(%run_scoped3A : memref<!tpu.dma_semaphore, #tpu.memory_space<semaphore_mem>>) src(%dma_wait3A_82 : memref<25x80xi32, #tpu.memory_space<hbm>>) dst(%arg9 : memref<25x80xi32, #tpu.memory_space<vmem>>)
        tpu.yield
      }) : () -> ()
      "tpu.region"() ({
        %run_scoped3A = tpu.sem_alloc : memref<!tpu.dma_semaphore, #tpu.memory_space<semaphore_mem>>
        %dma_start3A_68 = arith.constant 0 : i32
        %dma_start3A_69 = arith.constant 0 : i32
        %dma_start3A_70 = tpu.memref_slice %arg4[%add3A, %scan3A_35, %dma_start3A_68, %dma_start3A_69] : memref<32x5x25x80xi32, #tpu.memory_space<hbm>> -> memref<1x1x25x80xi32, #tpu.memory_space<hbm>>
        %dma_start3A_71 = tpu.memref_squeeze %dma_start3A_70 : memref<1x1x25x80xi32, #tpu.memory_space<hbm>> -> memref<25x80xi32, #tpu.memory_space<hbm>>
        %dma_start3A_72 = arith.constant 0 : i32
        %dma_start3A_73 = arith.constant 0 : i32
        %dma_start3A_74 = tpu.memref_slice %arg4[%add3A, %scan3A_35, %dma_start3A_72, %dma_start3A_73] : memref<32x5x25x80xi32, #tpu.memory_space<hbm>> -> memref<1x1x25x80xi32, #tpu.memory_space<hbm>>
        %dma_start3A_75 = tpu.memref_squeeze %dma_start3A_74 : memref<1x1x25x80xi32, #tpu.memory_space<hbm>> -> memref<25x80xi32, #tpu.memory_space<hbm>>
        tpu.enqueue_dma source(%dma_start3A_75 : memref<25x80xi32, #tpu.memory_space<hbm>>) target(%arg10 : memref<25x80xi32, #tpu.memory_space<vmem>>) target_semaphore(%run_scoped3A : memref<!tpu.dma_semaphore, #tpu.memory_space<semaphore_mem>>)
        %dma_wait3A = arith.constant 0 : i32
        %dma_wait3A_76 = arith.constant 0 : i32
        %dma_wait3A_77 = tpu.memref_slice %arg4[%add3A, %scan3A_35, %dma_wait3A, %dma_wait3A_76] : memref<32x5x25x80xi32, #tpu.memory_space<hbm>> -> memref<1x1x25x80xi32, #tpu.memory_space<hbm>>
        %dma_wait3A_78 = tpu.memref_squeeze %dma_wait3A_77 : memref<1x1x25x80xi32, #tpu.memory_space<hbm>> -> memref<25x80xi32, #tpu.memory_space<hbm>>
        %dma_wait3A_79 = arith.constant 0 : i32
        %dma_wait3A_80 = arith.constant 0 : i32
        %dma_wait3A_81 = tpu.memref_slice %arg4[%add3A, %scan3A_35, %dma_wait3A_79, %dma_wait3A_80] : memref<32x5x25x80xi32, #tpu.memory_space<hbm>> -> memref<1x1x25x80xi32, #tpu.memory_space<hbm>>
        %dma_wait3A_82 = tpu.memref_squeeze %dma_wait3A_81 : memref<1x1x25x80xi32, #tpu.memory_space<hbm>> -> memref<25x80xi32, #tpu.memory_space<hbm>>
        tpu.wait_dma2 semaphore(%run_scoped3A : memref<!tpu.dma_semaphore, #tpu.memory_space<semaphore_mem>>) src(%dma_wait3A_82 : memref<25x80xi32, #tpu.memory_space<hbm>>) dst(%arg10 : memref<25x80xi32, #tpu.memory_space<vmem>>)
        tpu.yield
      }) : () -> ()
      %dma_start3A = arith.constant 0 : i32
      %dma_start3A_37 = arith.constant 0 : i32
      %dma_start3A_38 = arith.constant 0 : i32
      %dma_start3A_39 = arith.constant 0 : i32
      %dma_start3A_40 = tpu.memref_slice %arg12[%dma_start3A_37, %dma_start3A_38, %dma_start3A_39] : memref<2x80x128xf32, #tpu.memory_space<vmem>> -> memref<1x80x128xf32, #tpu.memory_space<vmem>>
      %dma_start3A_41 = tpu.memref_squeeze %dma_start3A_40 : memref<1x80x128xf32, #tpu.memory_space<vmem>> -> memref<80x128xf32, #tpu.memory_space<vmem>>
      %dma_start3A_42 = arith.constant 0 : i32
      %dma_start3A_43 = tpu.memref_slice %arg9[%dma_start3A, %dma_start3A_42] : memref<25x80xi32, #tpu.memory_space<vmem>> -> memref<1x80xi32, #tpu.memory_space<vmem>>
      %dma_start3A_44 = tpu.memref_squeeze %dma_start3A_43 : memref<1x80xi32, #tpu.memory_space<vmem>> -> memref<80xi32, #tpu.memory_space<vmem>>
      %dma_start3A_45 = arith.constant 0 : i32
      %dma_start3A_46 = arith.constant 0 : i32
      %dma_start3A_47 = tpu.memref_slice %arg2[%dma_start3A_45, %dma_start3A_46] : memref<10000x128xf32, #tpu.memory_space<hbm>> -> memref<10000x128xf32, #tpu.memory_space<hbm>>
      tpu.enqueue_indirect_dma source(%dma_start3A_47 : memref<10000x128xf32, #tpu.memory_space<hbm>>) target(%dma_start3A_41 : memref<80x128xf32, #tpu.memory_space<vmem>>) offsets(%dma_start3A_44 : memref<80xi32, #tpu.memory_space<vmem>>) semaphore(%arg13 : memref<!tpu.dma_semaphore, #tpu.memory_space<semaphore_mem>>)
      %dma_start3A_48 = arith.constant 1 : i32
      %dma_start3A_49 = arith.constant 1 : i32
      %dma_start3A_50 = arith.constant 0 : i32
      %dma_start3A_51 = arith.constant 0 : i32
      %dma_start3A_52 = tpu.memref_slice %arg12[%dma_start3A_49, %dma_start3A_50, %dma_start3A_51] : memref<2x80x128xf32, #tpu.memory_space<vmem>> -> memref<1x80x128xf32, #tpu.memory_space<vmem>>
      %dma_start3A_53 = tpu.memref_squeeze %dma_start3A_52 : memref<1x80x128xf32, #tpu.memory_space<vmem>> -> memref<80x128xf32, #tpu.memory_space<vmem>>
      %dma_start3A_54 = arith.constant 0 : i32
      %dma_start3A_55 = tpu.memref_slice %arg9[%dma_start3A_48, %dma_start3A_54] : memref<25x80xi32, #tpu.memory_space<vmem>> -> memref<1x80xi32, #tpu.memory_space<vmem>>
      %dma_start3A_56 = tpu.memref_squeeze %dma_start3A_55 : memref<1x80xi32, #tpu.memory_space<vmem>> -> memref<80xi32, #tpu.memory_space<vmem>>
      %dma_start3A_57 = arith.constant 0 : i32
      %dma_start3A_58 = arith.constant 0 : i32
      %dma_start3A_59 = tpu.memref_slice %arg2[%dma_start3A_57, %dma_start3A_58] : memref<10000x128xf32, #tpu.memory_space<hbm>> -> memref<10000x128xf32, #tpu.memory_space<hbm>>
      tpu.enqueue_indirect_dma source(%dma_start3A_59 : memref<10000x128xf32, #tpu.memory_space<hbm>>) target(%dma_start3A_53 : memref<80x128xf32, #tpu.memory_space<vmem>>) offsets(%dma_start3A_56 : memref<80xi32, #tpu.memory_space<vmem>>) semaphore(%arg14 : memref<!tpu.dma_semaphore, #tpu.memory_space<semaphore_mem>>)
      %scan3A_60 = arith.constant 0 : i32
      %scan3A_61 = arith.constant 0 : i32
      %scan3A_62 = arith.constant 13 : i32
      %scan3A_63 = arith.addi %scan3A_61, %scan3A_62 : i32
      %scan3A_64 = arith.constant 1 : i32
      %scan3A_65 = scf.for %scan3A_68 = %scan3A_61 to %scan3A_63 step %scan3A_64 iter_args(%scan3A_69 = %scan3A_60) -> (i32)  : i32 {
        %mul3A_70 = arith.constant 2 : i32
        %mul3A_71 = arith.muli %scan3A_68, %mul3A_70 : i32
        %add3A_72 = arith.constant 0 : i32
        %add3A_73 = arith.addi %mul3A_71, %add3A_72 : i32
        %lt3A = arith.constant 25 : i32
        %lt3A_74 = arith.cmpi slt, %add3A_73, %lt3A : i32
        %convert_element_type3A = arith.extui %lt3A_74 : i1 to i32
        %cond3A = arith.constant 0 : i32
        %cond3A_75 = arith.cmpi ne, %convert_element_type3A, %cond3A : i32
        scf.if %cond3A_75 {
          %dma_wait3A = arith.constant 0 : i32
          %dma_wait3A_86 = arith.constant 0 : i32
          %dma_wait3A_87 = arith.constant 0 : i32
          %dma_wait3A_88 = tpu.memref_slice %arg12[%dma_wait3A, %dma_wait3A_86, %dma_wait3A_87] : memref<2x80x128xf32, #tpu.memory_space<vmem>> -> memref<1x80x128xf32, #tpu.memory_space<vmem>>
          %dma_wait3A_89 = tpu.memref_squeeze %dma_wait3A_88 : memref<1x80x128xf32, #tpu.memory_space<vmem>> -> memref<80x128xf32, #tpu.memory_space<vmem>>
          %dma_wait3A_90 = arith.constant 0 : i32
          %dma_wait3A_91 = tpu.memref_slice %arg9[%add3A_73, %dma_wait3A_90] : memref<25x80xi32, #tpu.memory_space<vmem>> -> memref<1x80xi32, #tpu.memory_space<vmem>>
          %dma_wait3A_92 = tpu.memref_squeeze %dma_wait3A_91 : memref<1x80xi32, #tpu.memory_space<vmem>> -> memref<80xi32, #tpu.memory_space<vmem>>
          %dma_wait3A_93 = arith.constant 0 : i32
          %dma_wait3A_94 = arith.constant 0 : i32
          %dma_wait3A_95 = tpu.memref_slice %arg2[%dma_wait3A_93, %dma_wait3A_94] : memref<10000x128xf32, #tpu.memory_space<hbm>> -> memref<10000x128xf32, #tpu.memory_space<hbm>>
          tpu.wait_indirect_dma semaphore(%arg13 : memref<!tpu.dma_semaphore, #tpu.memory_space<semaphore_mem>>) src(%dma_wait3A_95 : memref<10000x128xf32, #tpu.memory_space<hbm>>) dst(%dma_wait3A_89 : memref<80x128xf32, #tpu.memory_space<vmem>>)
          %run_scoped3A = arith.constant 0 : i32
          "tpu.region"() ({
            %run_scoped3A_103 = tpu.sem_alloc : memref<!tpu.dma_semaphore, #tpu.memory_space<semaphore_mem>>
            %dma_start3A_104 = arith.constant 0 : i32
            %dma_start3A_105 = arith.constant 0 : i32
            %dma_start3A_106 = tpu.memref_slice %arg12[%run_scoped3A, %dma_start3A_104, %dma_start3A_105] : memref<2x80x128xf32, #tpu.memory_space<vmem>> -> memref<1x80x128xf32, #tpu.memory_space<vmem>>
            %dma_start3A_107 = tpu.memref_squeeze %dma_start3A_106 : memref<1x80x128xf32, #tpu.memory_space<vmem>> -> memref<80x128xf32, #tpu.memory_space<vmem>>
            %dma_start3A_108 = arith.constant 0 : i32
            %dma_start3A_109 = tpu.memref_slice %arg10[%add3A_73, %dma_start3A_108] : memref<25x80xi32, #tpu.memory_space<vmem>> -> memref<1x80xi32, #tpu.memory_space<vmem>>
            %dma_start3A_110 = tpu.memref_squeeze %dma_start3A_109 : memref<1x80xi32, #tpu.memory_space<vmem>> -> memref<80xi32, #tpu.memory_space<vmem>>
            %dma_start3A_111 = arith.constant 0 : i32
            %dma_start3A_112 = arith.constant 0 : i32
            %dma_start3A_113 = tpu.memref_slice %arg15[%dma_start3A_111, %dma_start3A_112] : memref<10000x128xf32, #tpu.memory_space<vmem_shared>> -> memref<10000x128xf32, #tpu.memory_space<vmem_shared>>
            tpu.enqueue_indirect_dma source(%dma_start3A_107 : memref<80x128xf32, #tpu.memory_space<vmem>>) target(%dma_start3A_113 : memref<10000x128xf32, #tpu.memory_space<vmem_shared>>) offsets(%dma_start3A_110 : memref<80xi32, #tpu.memory_space<vmem>>) semaphore(%run_scoped3A_103 : memref<!tpu.dma_semaphore, #tpu.memory_space<semaphore_mem>>) {add = true}
            %dma_wait3A_114 = arith.constant 0 : i32
            %dma_wait3A_115 = arith.constant 0 : i32
            %dma_wait3A_116 = tpu.memref_slice %arg12[%run_scoped3A, %dma_wait3A_114, %dma_wait3A_115] : memref<2x80x128xf32, #tpu.memory_space<vmem>> -> memref<1x80x128xf32, #tpu.memory_space<vmem>>
            %dma_wait3A_117 = tpu.memref_squeeze %dma_wait3A_116 : memref<1x80x128xf32, #tpu.memory_space<vmem>> -> memref<80x128xf32, #tpu.memory_space<vmem>>
            %dma_wait3A_118 = arith.constant 0 : i32
            %dma_wait3A_119 = tpu.memref_slice %arg10[%add3A_73, %dma_wait3A_118] : memref<25x80xi32, #tpu.memory_space<vmem>> -> memref<1x80xi32, #tpu.memory_space<vmem>>
            %dma_wait3A_120 = tpu.memref_squeeze %dma_wait3A_119 : memref<1x80xi32, #tpu.memory_space<vmem>> -> memref<80xi32, #tpu.memory_space<vmem>>
            %dma_wait3A_121 = arith.constant 0 : i32
            %dma_wait3A_122 = arith.constant 0 : i32
            %dma_wait3A_123 = tpu.memref_slice %arg15[%dma_wait3A_121, %dma_wait3A_122] : memref<10000x128xf32, #tpu.memory_space<vmem_shared>> -> memref<10000x128xf32, #tpu.memory_space<vmem_shared>>
            tpu.wait_indirect_dma semaphore(%run_scoped3A_103 : memref<!tpu.dma_semaphore, #tpu.memory_space<semaphore_mem>>) src(%dma_wait3A_117 : memref<80x128xf32, #tpu.memory_space<vmem>>) dst(%dma_wait3A_123 : memref<10000x128xf32, #tpu.memory_space<vmem_shared>>)
            tpu.yield
          }) : () -> ()
          %add3A_96 = arith.constant 2 : i32
          %add3A_97 = arith.addi %add3A_73, %add3A_96 : i32
          %lt3A_98 = arith.constant 25 : i32
          %lt3A_99 = arith.cmpi slt, %add3A_97, %lt3A_98 : i32
          %convert_element_type3A_100 = arith.extui %lt3A_99 : i1 to i32
          %cond3A_101 = arith.constant 0 : i32
          %cond3A_102 = arith.cmpi ne, %convert_element_type3A_100, %cond3A_101 : i32
          scf.if %cond3A_102 {
            %add3A_103 = arith.constant 2 : i32
            %add3A_104 = arith.addi %add3A_73, %add3A_103 : i32
            %dma_start3A_105 = arith.constant 0 : i32
            %dma_start3A_106 = arith.constant 0 : i32
            %dma_start3A_107 = arith.constant 0 : i32
            %dma_start3A_108 = tpu.memref_slice %arg12[%dma_start3A_105, %dma_start3A_106, %dma_start3A_107] : memref<2x80x128xf32, #tpu.memory_space<vmem>> -> memref<1x80x128xf32, #tpu.memory_space<vmem>>
            %dma_start3A_109 = tpu.memref_squeeze %dma_start3A_108 : memref<1x80x128xf32, #tpu.memory_space<vmem>> -> memref<80x128xf32, #tpu.memory_space<vmem>>
            %dma_start3A_110 = arith.constant 0 : i32
            %dma_start3A_111 = tpu.memref_slice %arg9[%add3A_104, %dma_start3A_110] : memref<25x80xi32, #tpu.memory_space<vmem>> -> memref<1x80xi32, #tpu.memory_space<vmem>>
            %dma_start3A_112 = tpu.memref_squeeze %dma_start3A_111 : memref<1x80xi32, #tpu.memory_space<vmem>> -> memref<80xi32, #tpu.memory_space<vmem>>
            %dma_start3A_113 = arith.constant 0 : i32
            %dma_start3A_114 = arith.constant 0 : i32
            %dma_start3A_115 = tpu.memref_slice %arg2[%dma_start3A_113, %dma_start3A_114] : memref<10000x128xf32, #tpu.memory_space<hbm>> -> memref<10000x128xf32, #tpu.memory_space<hbm>>
            tpu.enqueue_indirect_dma source(%dma_start3A_115 : memref<10000x128xf32, #tpu.memory_space<hbm>>) target(%dma_start3A_109 : memref<80x128xf32, #tpu.memory_space<vmem>>) offsets(%dma_start3A_112 : memref<80xi32, #tpu.memory_space<vmem>>) semaphore(%arg13 : memref<!tpu.dma_semaphore, #tpu.memory_space<semaphore_mem>>)
          } else {
          }
        } else {
        }
        %mul3A_76 = arith.constant 2 : i32
        %mul3A_77 = arith.muli %scan3A_68, %mul3A_76 : i32
        %add3A_78 = arith.constant 1 : i32
        %add3A_79 = arith.addi %mul3A_77, %add3A_78 : i32
        %lt3A_80 = arith.constant 25 : i32
        %lt3A_81 = arith.cmpi slt, %add3A_79, %lt3A_80 : i32
        %convert_element_type3A_82 = arith.extui %lt3A_81 : i1 to i32
        %cond3A_83 = arith.constant 0 : i32
        %cond3A_84 = arith.cmpi ne, %convert_element_type3A_82, %cond3A_83 : i32
        scf.if %cond3A_84 {
          %dma_wait3A = arith.constant 1 : i32
          %dma_wait3A_86 = arith.constant 0 : i32
          %dma_wait3A_87 = arith.constant 0 : i32
          %dma_wait3A_88 = tpu.memref_slice %arg12[%dma_wait3A, %dma_wait3A_86, %dma_wait3A_87] : memref<2x80x128xf32, #tpu.memory_space<vmem>> -> memref<1x80x128xf32, #tpu.memory_space<vmem>>
          %dma_wait3A_89 = tpu.memref_squeeze %dma_wait3A_88 : memref<1x80x128xf32, #tpu.memory_space<vmem>> -> memref<80x128xf32, #tpu.memory_space<vmem>>
          %dma_wait3A_90 = arith.constant 0 : i32
          %dma_wait3A_91 = tpu.memref_slice %arg9[%add3A_79, %dma_wait3A_90] : memref<25x80xi32, #tpu.memory_space<vmem>> -> memref<1x80xi32, #tpu.memory_space<vmem>>
          %dma_wait3A_92 = tpu.memref_squeeze %dma_wait3A_91 : memref<1x80xi32, #tpu.memory_space<vmem>> -> memref<80xi32, #tpu.memory_space<vmem>>
          %dma_wait3A_93 = arith.constant 0 : i32
          %dma_wait3A_94 = arith.constant 0 : i32
          %dma_wait3A_95 = tpu.memref_slice %arg2[%dma_wait3A_93, %dma_wait3A_94] : memref<10000x128xf32, #tpu.memory_space<hbm>> -> memref<10000x128xf32, #tpu.memory_space<hbm>>
          tpu.wait_indirect_dma semaphore(%arg14 : memref<!tpu.dma_semaphore, #tpu.memory_space<semaphore_mem>>) src(%dma_wait3A_95 : memref<10000x128xf32, #tpu.memory_space<hbm>>) dst(%dma_wait3A_89 : memref<80x128xf32, #tpu.memory_space<vmem>>)
          %run_scoped3A = arith.constant 1 : i32
          "tpu.region"() ({
            %run_scoped3A_103 = tpu.sem_alloc : memref<!tpu.dma_semaphore, #tpu.memory_space<semaphore_mem>>
            %dma_start3A_104 = arith.constant 0 : i32
            %dma_start3A_105 = arith.constant 0 : i32
            %dma_start3A_106 = tpu.memref_slice %arg12[%run_scoped3A, %dma_start3A_104, %dma_start3A_105] : memref<2x80x128xf32, #tpu.memory_space<vmem>> -> memref<1x80x128xf32, #tpu.memory_space<vmem>>
            %dma_start3A_107 = tpu.memref_squeeze %dma_start3A_106 : memref<1x80x128xf32, #tpu.memory_space<vmem>> -> memref<80x128xf32, #tpu.memory_space<vmem>>
            %dma_start3A_108 = arith.constant 0 : i32
            %dma_start3A_109 = tpu.memref_slice %arg10[%add3A_79, %dma_start3A_108] : memref<25x80xi32, #tpu.memory_space<vmem>> -> memref<1x80xi32, #tpu.memory_space<vmem>>
            %dma_start3A_110 = tpu.memref_squeeze %dma_start3A_109 : memref<1x80xi32, #tpu.memory_space<vmem>> -> memref<80xi32, #tpu.memory_space<vmem>>
            %dma_start3A_111 = arith.constant 0 : i32
            %dma_start3A_112 = arith.constant 0 : i32
            %dma_start3A_113 = tpu.memref_slice %arg15[%dma_start3A_111, %dma_start3A_112] : memref<10000x128xf32, #tpu.memory_space<vmem_shared>> -> memref<10000x128xf32, #tpu.memory_space<vmem_shared>>
            tpu.enqueue_indirect_dma source(%dma_start3A_107 : memref<80x128xf32, #tpu.memory_space<vmem>>) target(%dma_start3A_113 : memref<10000x128xf32, #tpu.memory_space<vmem_shared>>) offsets(%dma_start3A_110 : memref<80xi32, #tpu.memory_space<vmem>>) semaphore(%run_scoped3A_103 : memref<!tpu.dma_semaphore, #tpu.memory_space<semaphore_mem>>) {add = true}
            %dma_wait3A_114 = arith.constant 0 : i32
            %dma_wait3A_115 = arith.constant 0 : i32
            %dma_wait3A_116 = tpu.memref_slice %arg12[%run_scoped3A, %dma_wait3A_114, %dma_wait3A_115] : memref<2x80x128xf32, #tpu.memory_space<vmem>> -> memref<1x80x128xf32, #tpu.memory_space<vmem>>
            %dma_wait3A_117 = tpu.memref_squeeze %dma_wait3A_116 : memref<1x80x128xf32, #tpu.memory_space<vmem>> -> memref<80x128xf32, #tpu.memory_space<vmem>>
            %dma_wait3A_118 = arith.constant 0 : i32
            %dma_wait3A_119 = tpu.memref_slice %arg10[%add3A_79, %dma_wait3A_118] : memref<25x80xi32, #tpu.memory_space<vmem>> -> memref<1x80xi32, #tpu.memory_space<vmem>>
            %dma_wait3A_120 = tpu.memref_squeeze %dma_wait3A_119 : memref<1x80xi32, #tpu.memory_space<vmem>> -> memref<80xi32, #tpu.memory_space<vmem>>
            %dma_wait3A_121 = arith.constant 0 : i32
            %dma_wait3A_122 = arith.constant 0 : i32
            %dma_wait3A_123 = tpu.memref_slice %arg15[%dma_wait3A_121, %dma_wait3A_122] : memref<10000x128xf32, #tpu.memory_space<vmem_shared>> -> memref<10000x128xf32, #tpu.memory_space<vmem_shared>>
            tpu.wait_indirect_dma semaphore(%run_scoped3A_103 : memref<!tpu.dma_semaphore, #tpu.memory_space<semaphore_mem>>) src(%dma_wait3A_117 : memref<80x128xf32, #tpu.memory_space<vmem>>) dst(%dma_wait3A_123 : memref<10000x128xf32, #tpu.memory_space<vmem_shared>>)
            tpu.yield
          }) : () -> ()
          %add3A_96 = arith.constant 2 : i32
          %add3A_97 = arith.addi %add3A_79, %add3A_96 : i32
          %lt3A_98 = arith.constant 25 : i32
          %lt3A_99 = arith.cmpi slt, %add3A_97, %lt3A_98 : i32
          %convert_element_type3A_100 = arith.extui %lt3A_99 : i1 to i32
          %cond3A_101 = arith.constant 0 : i32
          %cond3A_102 = arith.cmpi ne, %convert_element_type3A_100, %cond3A_101 : i32
          scf.if %cond3A_102 {
            %add3A_103 = arith.constant 2 : i32
            %add3A_104 = arith.addi %add3A_79, %add3A_103 : i32
            %dma_start3A_105 = arith.constant 1 : i32
            %dma_start3A_106 = arith.constant 0 : i32
            %dma_start3A_107 = arith.constant 0 : i32
            %dma_start3A_108 = tpu.memref_slice %arg12[%dma_start3A_105, %dma_start3A_106, %dma_start3A_107] : memref<2x80x128xf32, #tpu.memory_space<vmem>> -> memref<1x80x128xf32, #tpu.memory_space<vmem>>
            %dma_start3A_109 = tpu.memref_squeeze %dma_start3A_108 : memref<1x80x128xf32, #tpu.memory_space<vmem>> -> memref<80x128xf32, #tpu.memory_space<vmem>>
            %dma_start3A_110 = arith.constant 0 : i32
            %dma_start3A_111 = tpu.memref_slice %arg9[%add3A_104, %dma_start3A_110] : memref<25x80xi32, #tpu.memory_space<vmem>> -> memref<1x80xi32, #tpu.memory_space<vmem>>
            %dma_start3A_112 = tpu.memref_squeeze %dma_start3A_111 : memref<1x80xi32, #tpu.memory_space<vmem>> -> memref<80xi32, #tpu.memory_space<vmem>>
            %dma_start3A_113 = arith.constant 0 : i32
            %dma_start3A_114 = arith.constant 0 : i32
            %dma_start3A_115 = tpu.memref_slice %arg2[%dma_start3A_113, %dma_start3A_114] : memref<10000x128xf32, #tpu.memory_space<hbm>> -> memref<10000x128xf32, #tpu.memory_space<hbm>>
            tpu.enqueue_indirect_dma source(%dma_start3A_115 : memref<10000x128xf32, #tpu.memory_space<hbm>>) target(%dma_start3A_109 : memref<80x128xf32, #tpu.memory_space<vmem>>) offsets(%dma_start3A_112 : memref<80xi32, #tpu.memory_space<vmem>>) semaphore(%arg14 : memref<!tpu.dma_semaphore, #tpu.memory_space<semaphore_mem>>)
          } else {
          }
        } else {
        }
        %scan3A_85 = arith.constant 0 : i32
        scf.yield %scan3A_85 : i32
      }
      %scan3A_66 = arith.constant 13 : i32
      %scan3A_67 = arith.constant 0 : i32
      scf.yield %scan3A_67 : i32
    }
    %scan3A_15 = arith.constant 5 : i32
    %scan3A_16 = arith.constant 0 : i32
    %scan3A_17 = arith.constant 0 : i32
    %scan3A_18 = arith.constant 4 : i32
    %scan3A_19 = arith.addi %scan3A_17, %scan3A_18 : i32
    %scan3A_20 = arith.constant 1 : i32
    %scan3A_21 = scf.for %scan3A_35 = %scan3A_17 to %scan3A_19 step %scan3A_20 iter_args(%scan3A_36 = %scan3A_16) -> (i32)  : i32 {
      %mul3A_37 = arith.constant 32 : i32
      %mul3A_38 = arith.muli %scan3A_35, %mul3A_37 : i32
      %add3A_39 = arith.addi %add3A, %mul3A_38 : i32
      %lt3A = arith.constant 125 : i32
      %lt3A_40 = arith.cmpi slt, %add3A_39, %lt3A : i32
      %convert_element_type3A = arith.extui %lt3A_40 : i1 to i32
      %cond3A = arith.constant 0 : i32
      %cond3A_41 = arith.cmpi ne, %convert_element_type3A, %cond3A : i32
      scf.if %cond3A_41 {
        %mul3A_43 = arith.constant 80 : i32
        %mul3A_44 = arith.muli %add3A_39, %mul3A_43 : i32
        "tpu.region"() ({
          %run_scoped3A_48 = tpu.sem_alloc : memref<!tpu.dma_semaphore, #tpu.memory_space<semaphore_mem>>
          %dma_start3A = tpu.memref_slice %arg5[%mul3A_44] : memref<10000xi32, #tpu.memory_space<hbm>> -> memref<80xi32, #tpu.memory_space<hbm>>
          %dma_start3A_49 = tpu.memref_slice %arg5[%mul3A_44] : memref<10000xi32, #tpu.memory_space<hbm>> -> memref<80xi32, #tpu.memory_space<hbm>>
          tpu.enqueue_dma source(%dma_start3A_49 : memref<80xi32, #tpu.memory_space<hbm>>) target(%arg11 : memref<80xi32, #tpu.memory_space<vmem>>) target_semaphore(%run_scoped3A_48 : memref<!tpu.dma_semaphore, #tpu.memory_space<semaphore_mem>>)
          %dma_wait3A = tpu.memref_slice %arg5[%mul3A_44] : memref<10000xi32, #tpu.memory_space<hbm>> -> memref<80xi32, #tpu.memory_space<hbm>>
          %dma_wait3A_50 = tpu.memref_slice %arg5[%mul3A_44] : memref<10000xi32, #tpu.memory_space<hbm>> -> memref<80xi32, #tpu.memory_space<hbm>>
          tpu.wait_dma2 semaphore(%run_scoped3A_48 : memref<!tpu.dma_semaphore, #tpu.memory_space<semaphore_mem>>) src(%dma_wait3A_50 : memref<80xi32, #tpu.memory_space<hbm>>) dst(%arg11 : memref<80xi32, #tpu.memory_space<vmem>>)
          tpu.yield
        }) : () -> ()
        %mul3A_45 = arith.constant 80 : i32
        %mul3A_46 = arith.muli %add3A_39, %mul3A_45 : i32
        %run_scoped3A = arith.constant 0 : i32
        "tpu.region"() ({
          %run_scoped3A_48 = tpu.sem_alloc : memref<!tpu.dma_semaphore, #tpu.memory_space<semaphore_mem>>
          %dma_start3A = arith.constant 0 : i32
          %dma_start3A_49 = arith.constant 0 : i32
          %dma_start3A_50 = tpu.memref_slice %arg12[%run_scoped3A, %dma_start3A, %dma_start3A_49] : memref<2x80x128xf32, #tpu.memory_space<vmem>> -> memref<1x80x128xf32, #tpu.memory_space<vmem>>
          %dma_start3A_51 = tpu.memref_squeeze %dma_start3A_50 : memref<1x80x128xf32, #tpu.memory_space<vmem>> -> memref<80x128xf32, #tpu.memory_space<vmem>>
          %dma_start3A_52 = arith.constant 0 : i32
          %dma_start3A_53 = tpu.memref_slice %arg2[%mul3A_46, %dma_start3A_52] : memref<10000x128xf32, #tpu.memory_space<hbm>> -> memref<80x128xf32, #tpu.memory_space<hbm>>
          %dma_start3A_54 = arith.constant 0 : i32
          %dma_start3A_55 = arith.constant 0 : i32
          %dma_start3A_56 = tpu.memref_slice %arg12[%run_scoped3A, %dma_start3A_54, %dma_start3A_55] : memref<2x80x128xf32, #tpu.memory_space<vmem>> -> memref<1x80x128xf32, #tpu.memory_space<vmem>>
          %dma_start3A_57 = tpu.memref_squeeze %dma_start3A_56 : memref<1x80x128xf32, #tpu.memory_space<vmem>> -> memref<80x128xf32, #tpu.memory_space<vmem>>
          %dma_start3A_58 = arith.constant 0 : i32
          %dma_start3A_59 = tpu.memref_slice %arg2[%mul3A_46, %dma_start3A_58] : memref<10000x128xf32, #tpu.memory_space<hbm>> -> memref<80x128xf32, #tpu.memory_space<hbm>>
          tpu.enqueue_dma source(%dma_start3A_59 : memref<80x128xf32, #tpu.memory_space<hbm>>) target(%dma_start3A_57 : memref<80x128xf32, #tpu.memory_space<vmem>>) target_semaphore(%run_scoped3A_48 : memref<!tpu.dma_semaphore, #tpu.memory_space<semaphore_mem>>)
          %dma_wait3A = arith.constant 0 : i32
          %dma_wait3A_60 = arith.constant 0 : i32
          %dma_wait3A_61 = tpu.memref_slice %arg12[%run_scoped3A, %dma_wait3A, %dma_wait3A_60] : memref<2x80x128xf32, #tpu.memory_space<vmem>> -> memref<1x80x128xf32, #tpu.memory_space<vmem>>
          %dma_wait3A_62 = tpu.memref_squeeze %dma_wait3A_61 : memref<1x80x128xf32, #tpu.memory_space<vmem>> -> memref<80x128xf32, #tpu.memory_space<vmem>>
          %dma_wait3A_63 = arith.constant 0 : i32
          %dma_wait3A_64 = tpu.memref_slice %arg2[%mul3A_46, %dma_wait3A_63] : memref<10000x128xf32, #tpu.memory_space<hbm>> -> memref<80x128xf32, #tpu.memory_space<hbm>>
          %dma_wait3A_65 = arith.constant 0 : i32
          %dma_wait3A_66 = arith.constant 0 : i32
          %dma_wait3A_67 = tpu.memref_slice %arg12[%run_scoped3A, %dma_wait3A_65, %dma_wait3A_66] : memref<2x80x128xf32, #tpu.memory_space<vmem>> -> memref<1x80x128xf32, #tpu.memory_space<vmem>>
          %dma_wait3A_68 = tpu.memref_squeeze %dma_wait3A_67 : memref<1x80x128xf32, #tpu.memory_space<vmem>> -> memref<80x128xf32, #tpu.memory_space<vmem>>
          %dma_wait3A_69 = arith.constant 0 : i32
          %dma_wait3A_70 = tpu.memref_slice %arg2[%mul3A_46, %dma_wait3A_69] : memref<10000x128xf32, #tpu.memory_space<hbm>> -> memref<80x128xf32, #tpu.memory_space<hbm>>
          tpu.wait_dma2 semaphore(%run_scoped3A_48 : memref<!tpu.dma_semaphore, #tpu.memory_space<semaphore_mem>>) src(%dma_wait3A_70 : memref<80x128xf32, #tpu.memory_space<hbm>>) dst(%dma_wait3A_68 : memref<80x128xf32, #tpu.memory_space<vmem>>)
          tpu.yield
        }) : () -> ()
        %run_scoped3A_47 = arith.constant 0 : i32
        "tpu.region"() ({
          %run_scoped3A_48 = tpu.sem_alloc : memref<!tpu.dma_semaphore, #tpu.memory_space<semaphore_mem>>
          %dma_start3A = arith.constant 0 : i32
          %dma_start3A_49 = arith.constant 0 : i32
          %dma_start3A_50 = tpu.memref_slice %arg12[%run_scoped3A_47, %dma_start3A, %dma_start3A_49] : memref<2x80x128xf32, #tpu.memory_space<vmem>> -> memref<1x80x128xf32, #tpu.memory_space<vmem>>
          %dma_start3A_51 = tpu.memref_squeeze %dma_start3A_50 : memref<1x80x128xf32, #tpu.memory_space<vmem>> -> memref<80x128xf32, #tpu.memory_space<vmem>>
          %dma_start3A_52 = arith.constant 0 : i32
          %dma_start3A_53 = arith.constant 0 : i32
          %dma_start3A_54 = tpu.memref_slice %arg16[%dma_start3A_52, %dma_start3A_53] : memref<512x128xf32, #tpu.memory_space<vmem_shared>> -> memref<512x128xf32, #tpu.memory_space<vmem_shared>>
          tpu.enqueue_indirect_dma source(%dma_start3A_51 : memref<80x128xf32, #tpu.memory_space<vmem>>) target(%dma_start3A_54 : memref<512x128xf32, #tpu.memory_space<vmem_shared>>) offsets(%arg11 : memref<80xi32, #tpu.memory_space<vmem>>) semaphore(%run_scoped3A_48 : memref<!tpu.dma_semaphore, #tpu.memory_space<semaphore_mem>>) {add = true}
          %dma_wait3A = arith.constant 0 : i32
          %dma_wait3A_55 = arith.constant 0 : i32
          %dma_wait3A_56 = tpu.memref_slice %arg12[%run_scoped3A_47, %dma_wait3A, %dma_wait3A_55] : memref<2x80x128xf32, #tpu.memory_space<vmem>> -> memref<1x80x128xf32, #tpu.memory_space<vmem>>
          %dma_wait3A_57 = tpu.memref_squeeze %dma_wait3A_56 : memref<1x80x128xf32, #tpu.memory_space<vmem>> -> memref<80x128xf32, #tpu.memory_space<vmem>>
          %dma_wait3A_58 = arith.constant 0 : i32
          %dma_wait3A_59 = arith.constant 0 : i32
          %dma_wait3A_60 = tpu.memref_slice %arg16[%dma_wait3A_58, %dma_wait3A_59] : memref<512x128xf32, #tpu.memory_space<vmem_shared>> -> memref<512x128xf32, #tpu.memory_space<vmem_shared>>
          tpu.wait_indirect_dma semaphore(%run_scoped3A_48 : memref<!tpu.dma_semaphore, #tpu.memory_space<semaphore_mem>>) src(%dma_wait3A_57 : memref<80x128xf32, #tpu.memory_space<vmem>>) dst(%dma_wait3A_60 : memref<512x128xf32, #tpu.memory_space<vmem_shared>>)
          tpu.yield
        }) : () -> ()
      } else {
      }
      %scan3A_42 = arith.constant 0 : i32
      scf.yield %scan3A_42 : i32
    }
    %scan3A_22 = arith.constant 4 : i32
    %barrier3A_23 = arith.constant 0 : index
    tpu.barrier barrier_id(%barrier3A_23)
    %scan3A_24 = arith.constant 0 : i32
    %scan3A_25 = arith.constant 0 : i32
    %scan3A_26 = arith.constant 8 : i32
    %scan3A_27 = arith.addi %scan3A_25, %scan3A_26 : i32
    %scan3A_28 = arith.constant 1 : i32
    %scan3A_29 = scf.for %scan3A_35 = %scan3A_25 to %scan3A_27 step %scan3A_28 iter_args(%scan3A_36 = %scan3A_24) -> (i32)  : i32 {
      %mul3A_37 = arith.constant 16 : i32
      %mul3A_38 = arith.muli %scan3A_35, %mul3A_37 : i32
      %add3A_39 = arith.addi %arg1, %mul3A_38 : i32
      %lt3A = arith.constant 125 : i32
      %lt3A_40 = arith.cmpi slt, %add3A_39, %lt3A : i32
      %convert_element_type3A = arith.extui %lt3A_40 : i1 to i32
      %cond3A = arith.constant 0 : i32
      %cond3A_41 = arith.cmpi ne, %convert_element_type3A, %cond3A : i32
      scf.if %cond3A_41 {
        %mul3A_43 = arith.constant 80 : i32
        %mul3A_44 = arith.muli %add3A_39, %mul3A_43 : i32
        "tpu.region"() ({
          %run_scoped3A = tpu.sem_alloc : memref<!tpu.dma_semaphore, #tpu.memory_space<semaphore_mem>>
          %dma_start3A = arith.constant 0 : i32
          %dma_start3A_45 = tpu.memref_slice %arg7[%arg0, %mul3A_44, %dma_start3A] : memref<2x10000x128xf32, #tpu.memory_space<hbm>> -> memref<1x80x128xf32, #tpu.memory_space<hbm>>
          %dma_start3A_46 = tpu.memref_squeeze %dma_start3A_45 : memref<1x80x128xf32, #tpu.memory_space<hbm>> -> memref<80x128xf32, #tpu.memory_space<hbm>>
          %dma_start3A_47 = arith.constant 0 : i32
          %dma_start3A_48 = tpu.memref_slice %arg15[%mul3A_44, %dma_start3A_47] : memref<10000x128xf32, #tpu.memory_space<vmem_shared>> -> memref<80x128xf32, #tpu.memory_space<vmem_shared>>
          tpu.enqueue_dma source(%dma_start3A_48 : memref<80x128xf32, #tpu.memory_space<vmem_shared>>) target(%dma_start3A_46 : memref<80x128xf32, #tpu.memory_space<hbm>>) target_semaphore(%run_scoped3A : memref<!tpu.dma_semaphore, #tpu.memory_space<semaphore_mem>>)
          %dma_wait3A = arith.constant 0 : i32
          %dma_wait3A_49 = tpu.memref_slice %arg7[%arg0, %mul3A_44, %dma_wait3A] : memref<2x10000x128xf32, #tpu.memory_space<hbm>> -> memref<1x80x128xf32, #tpu.memory_space<hbm>>
          %dma_wait3A_50 = tpu.memref_squeeze %dma_wait3A_49 : memref<1x80x128xf32, #tpu.memory_space<hbm>> -> memref<80x128xf32, #tpu.memory_space<hbm>>
          %dma_wait3A_51 = arith.constant 0 : i32
          %dma_wait3A_52 = tpu.memref_slice %arg15[%mul3A_44, %dma_wait3A_51] : memref<10000x128xf32, #tpu.memory_space<vmem_shared>> -> memref<80x128xf32, #tpu.memory_space<vmem_shared>>
          tpu.wait_dma2 semaphore(%run_scoped3A : memref<!tpu.dma_semaphore, #tpu.memory_space<semaphore_mem>>) src(%dma_wait3A_52 : memref<80x128xf32, #tpu.memory_space<vmem_shared>>) dst(%dma_wait3A_50 : memref<80x128xf32, #tpu.memory_space<hbm>>)
          tpu.yield
        }) : () -> ()
      } else {
      }
      %scan3A_42 = arith.constant 0 : i32
      scf.yield %scan3A_42 : i32
    }
    %scan3A_30 = arith.constant 8 : i32
    %mul3A_31 = arith.constant 32 : i32
    %mul3A_32 = arith.muli %arg1, %mul3A_31 : i32
    %mul3A_33 = arith.constant 32 : i32
    %mul3A_34 = arith.muli %arg1, %mul3A_33 : i32
    "tpu.region"() ({
      %run_scoped3A = tpu.sem_alloc : memref<!tpu.dma_semaphore, #tpu.memory_space<semaphore_mem>>
      %dma_start3A = arith.constant 0 : i32
      %dma_start3A_35 = tpu.memref_slice %arg8[%arg0, %mul3A_34, %dma_start3A] : memref<2x512x128xf32, #tpu.memory_space<hbm>> -> memref<1x32x128xf32, #tpu.memory_space<hbm>>
      %dma_start3A_36 = tpu.memref_squeeze %dma_start3A_35 : memref<1x32x128xf32, #tpu.memory_space<hbm>> -> memref<32x128xf32, #tpu.memory_space<hbm>>
      %dma_start3A_37 = arith.constant 0 : i32
      %dma_start3A_38 = tpu.memref_slice %arg16[%mul3A_32, %dma_start3A_37] : memref<512x128xf32, #tpu.memory_space<vmem_shared>> -> memref<32x128xf32, #tpu.memory_space<vmem_shared>>
      tpu.enqueue_dma source(%dma_start3A_38 : memref<32x128xf32, #tpu.memory_space<vmem_shared>>) target(%dma_start3A_36 : memref<32x128xf32, #tpu.memory_space<hbm>>) target_semaphore(%run_scoped3A : memref<!tpu.dma_semaphore, #tpu.memory_space<semaphore_mem>>)
      %dma_wait3A = arith.constant 0 : i32
      %dma_wait3A_39 = tpu.memref_slice %arg8[%arg0, %mul3A_34, %dma_wait3A] : memref<2x512x128xf32, #tpu.memory_space<hbm>> -> memref<1x32x128xf32, #tpu.memory_space<hbm>>
      %dma_wait3A_40 = tpu.memref_squeeze %dma_wait3A_39 : memref<1x32x128xf32, #tpu.memory_space<hbm>> -> memref<32x128xf32, #tpu.memory_space<hbm>>
      %dma_wait3A_41 = arith.constant 0 : i32
      %dma_wait3A_42 = tpu.memref_slice %arg16[%mul3A_32, %dma_wait3A_41] : memref<512x128xf32, #tpu.memory_space<vmem_shared>> -> memref<32x128xf32, #tpu.memory_space<vmem_shared>>
      tpu.wait_dma2 semaphore(%run_scoped3A : memref<!tpu.dma_semaphore, #tpu.memory_space<semaphore_mem>>) src(%dma_wait3A_42 : memref<32x128xf32, #tpu.memory_space<vmem_shared>>) dst(%dma_wait3A_40 : memref<32x128xf32, #tpu.memory_space<hbm>>)
      tpu.yield
    }) : () -> ()
    return
  }
}

#map = affine_map<(d0, d1) -> (0, 0)>
#map1 = affine_map<(d0, d1) -> (0, 0, 0, 0)>
#map2 = affine_map<(d0, d1) -> (0)>
#map3 = affine_map<(d0, d1) -> (0, 0, 0)>
module attributes {stable_mosaic.version = 14 : i64} {
  func.func @_seg_body(%arg0: i32, %arg1: i32, %arg2: memref<10000x128xf32, #tpu.memory_space<hbm>>, %arg3: memref<32x5x25x80xi32, #tpu.memory_space<hbm>>, %arg4: memref<32x5x25x80xi32, #tpu.memory_space<hbm>>, %arg5: memref<10000xi32, #tpu.memory_space<hbm>>, %arg6: memref<80x128xf32, #tpu.memory_space<hbm>>, %arg7: memref<2x10000x128xf32, #tpu.memory_space<hbm>>, %arg8: memref<2x512x128xf32, #tpu.memory_space<hbm>>, %arg9: memref<25x80xi32, #tpu.memory_space<vmem>>, %arg10: memref<25x80xi32, #tpu.memory_space<vmem>>, %arg11: memref<80xi32, #tpu.memory_space<vmem>>, %arg12: memref<2x80x128xf32, #tpu.memory_space<vmem>>, %arg13: memref<!tpu.dma_semaphore, #tpu.memory_space<semaphore_mem>>, %arg14: memref<!tpu.dma_semaphore, #tpu.memory_space<semaphore_mem>>, %arg15: memref<10000x128xf32, #tpu.memory_space<vmem_shared>>, %arg16: memref<512x128xf32, #tpu.memory_space<vmem_shared>>) attributes {dimension_semantics = [#tpu.dimension_semantics<core_parallel>, #tpu.dimension_semantics<subcore_parallel>], iteration_bounds = array<i64: 2, 16>, scalar_prefetch = 0 : i64, scratch_operands = 8 : i64, tpu.core_type = #tpu.core_type<sc_vector_subcore>, window_params = [{transform_indices = #map}, {transform_indices = #map1}, {transform_indices = #map1}, {transform_indices = #map2}, {transform_indices = #map}, {transform_indices = #map3}, {transform_indices = #map3}]} {
    %mul3A = arith.constant 2 : i32
    %mul3A_0 = arith.muli %arg1, %mul3A : i32
    %add3A = arith.addi %mul3A_0, %arg0 : i32
    %scan3A = arith.constant 0 : i32
    %scan3A_1 = arith.constant 0 : i32
    %scan3A_2 = arith.constant 8 : i32
    %scan3A_3 = arith.addi %scan3A_1, %scan3A_2 : i32
    %scan3A_4 = arith.constant 1 : i32
    %scan3A_5 = scf.for %scan3A_35 = %scan3A_1 to %scan3A_3 step %scan3A_4 iter_args(%scan3A_36 = %scan3A) -> (i32)  : i32 {
      %mul3A_37 = arith.constant 16 : i32
      %mul3A_38 = arith.muli %scan3A_35, %mul3A_37 : i32
      %add3A_39 = arith.addi %arg1, %mul3A_38 : i32
      %lt3A = arith.constant 125 : i32
      %lt3A_40 = arith.cmpi slt, %add3A_39, %lt3A : i32
      %convert_element_type3A = arith.extui %lt3A_40 : i1 to i32
      %cond3A = arith.constant 0 : i32
      %cond3A_41 = arith.cmpi ne, %convert_element_type3A, %cond3A : i32
      scf.if %cond3A_41 {
        %mul3A_43 = arith.constant 80 : i32
        %mul3A_44 = arith.muli %add3A_39, %mul3A_43 : i32
        "tpu.region"() ({
          %run_scoped3A = tpu.sem_alloc : memref<!tpu.dma_semaphore, #tpu.memory_space<semaphore_mem>>
          %dma_start3A = arith.constant 0 : i32
          %dma_start3A_45 = tpu.memref_slice %arg15[%mul3A_44, %dma_start3A] : memref<10000x128xf32, #tpu.memory_space<vmem_shared>> -> memref<80x128xf32, #tpu.memory_space<vmem_shared>>
          tpu.enqueue_dma source(%arg6 : memref<80x128xf32, #tpu.memory_space<hbm>>) target(%dma_start3A_45 : memref<80x128xf32, #tpu.memory_space<vmem_shared>>) target_semaphore(%run_scoped3A : memref<!tpu.dma_semaphore, #tpu.memory_space<semaphore_mem>>)
          %dma_wait3A = arith.constant 0 : i32
          %dma_wait3A_46 = tpu.memref_slice %arg15[%mul3A_44, %dma_wait3A] : memref<10000x128xf32, #tpu.memory_space<vmem_shared>> -> memref<80x128xf32, #tpu.memory_space<vmem_shared>>
          tpu.wait_dma2 semaphore(%run_scoped3A : memref<!tpu.dma_semaphore, #tpu.memory_space<semaphore_mem>>) src(%arg6 : memref<80x128xf32, #tpu.memory_space<hbm>>) dst(%dma_wait3A_46 : memref<80x128xf32, #tpu.memory_space<vmem_shared>>)
          tpu.yield
        }) : () -> ()
      } else {
      }
      %scan3A_42 = arith.constant 0 : i32
      scf.yield %scan3A_42 : i32
    }
    %scan3A_6 = arith.constant 8 : i32
    %mul3A_7 = arith.constant 32 : i32
    %mul3A_8 = arith.muli %arg1, %mul3A_7 : i32
    "tpu.region"() ({
      %run_scoped3A = tpu.sem_alloc : memref<!tpu.dma_semaphore, #tpu.memory_space<semaphore_mem>>
      %dma_start3A = arith.constant 0 : i32
      %dma_start3A_35 = tpu.memref_slice %arg16[%mul3A_8, %dma_start3A] : memref<512x128xf32, #tpu.memory_space<vmem_shared>> -> memref<32x128xf32, #tpu.memory_space<vmem_shared>>
      %dma_start3A_36 = arith.constant 0 : i32
      %dma_start3A_37 = arith.constant 0 : i32
      %dma_start3A_38 = tpu.memref_slice %arg6[%dma_start3A_36, %dma_start3A_37] : memref<80x128xf32, #tpu.memory_space<hbm>> -> memref<32x128xf32, #tpu.memory_space<hbm>>
      tpu.enqueue_dma source(%dma_start3A_38 : memref<32x128xf32, #tpu.memory_space<hbm>>) target(%dma_start3A_35 : memref<32x128xf32, #tpu.memory_space<vmem_shared>>) target_semaphore(%run_scoped3A : memref<!tpu.dma_semaphore, #tpu.memory_space<semaphore_mem>>)
      %dma_wait3A = arith.constant 0 : i32
      %dma_wait3A_39 = tpu.memref_slice %arg16[%mul3A_8, %dma_wait3A] : memref<512x128xf32, #tpu.memory_space<vmem_shared>> -> memref<32x128xf32, #tpu.memory_space<vmem_shared>>
      %dma_wait3A_40 = arith.constant 0 : i32
      %dma_wait3A_41 = arith.constant 0 : i32
      %dma_wait3A_42 = tpu.memref_slice %arg6[%dma_wait3A_40, %dma_wait3A_41] : memref<80x128xf32, #tpu.memory_space<hbm>> -> memref<32x128xf32, #tpu.memory_space<hbm>>
      tpu.wait_dma2 semaphore(%run_scoped3A : memref<!tpu.dma_semaphore, #tpu.memory_space<semaphore_mem>>) src(%dma_wait3A_42 : memref<32x128xf32, #tpu.memory_space<hbm>>) dst(%dma_wait3A_39 : memref<32x128xf32, #tpu.memory_space<vmem_shared>>)
      tpu.yield
    }) : () -> ()
    %barrier3A = arith.constant 0 : index
    tpu.barrier barrier_id(%barrier3A)
    %scan3A_9 = arith.constant 0 : i32
    %scan3A_10 = arith.constant 0 : i32
    %scan3A_11 = arith.constant 5 : i32
    %scan3A_12 = arith.addi %scan3A_10, %scan3A_11 : i32
    %scan3A_13 = arith.constant 1 : i32
    %scan3A_14 = scf.for %scan3A_35 = %scan3A_10 to %scan3A_12 step %scan3A_13 iter_args(%scan3A_36 = %scan3A_9) -> (i32)  : i32 {
      "tpu.region"() ({
        %run_scoped3A = tpu.sem_alloc : memref<!tpu.dma_semaphore, #tpu.memory_space<semaphore_mem>>
        %dma_start3A_68 = arith.constant 0 : i32
        %dma_start3A_69 = arith.constant 0 : i32
        %dma_start3A_70 = tpu.memref_slice %arg3[%add3A, %scan3A_35, %dma_start3A_68, %dma_start3A_69] : memref<32x5x25x80xi32, #tpu.memory_space<hbm>> -> memref<1x1x25x80xi32, #tpu.memory_space<hbm>>
        %dma_start3A_71 = tpu.memref_squeeze %dma_start3A_70 : memref<1x1x25x80xi32, #tpu.memory_space<hbm>> -> memref<25x80xi32, #tpu.memory_space<hbm>>
        %dma_start3A_72 = arith.constant 0 : i32
        %dma_start3A_73 = arith.constant 0 : i32
        %dma_start3A_74 = tpu.memref_slice %arg3[%add3A, %scan3A_35, %dma_start3A_72, %dma_start3A_73] : memref<32x5x25x80xi32, #tpu.memory_space<hbm>> -> memref<1x1x25x80xi32, #tpu.memory_space<hbm>>
        %dma_start3A_75 = tpu.memref_squeeze %dma_start3A_74 : memref<1x1x25x80xi32, #tpu.memory_space<hbm>> -> memref<25x80xi32, #tpu.memory_space<hbm>>
        tpu.enqueue_dma source(%dma_start3A_75 : memref<25x80xi32, #tpu.memory_space<hbm>>) target(%arg9 : memref<25x80xi32, #tpu.memory_space<vmem>>) target_semaphore(%run_scoped3A : memref<!tpu.dma_semaphore, #tpu.memory_space<semaphore_mem>>)
        %dma_wait3A = arith.constant 0 : i32
        %dma_wait3A_76 = arith.constant 0 : i32
        %dma_wait3A_77 = tpu.memref_slice %arg3[%add3A, %scan3A_35, %dma_wait3A, %dma_wait3A_76] : memref<32x5x25x80xi32, #tpu.memory_space<hbm>> -> memref<1x1x25x80xi32, #tpu.memory_space<hbm>>
        %dma_wait3A_78 = tpu.memref_squeeze %dma_wait3A_77 : memref<1x1x25x80xi32, #tpu.memory_space<hbm>> -> memref<25x80xi32, #tpu.memory_space<hbm>>
        %dma_wait3A_79 = arith.constant 0 : i32
        %dma_wait3A_80 = arith.constant 0 : i32
        %dma_wait3A_81 = tpu.memref_slice %arg3[%add3A, %scan3A_35, %dma_wait3A_79, %dma_wait3A_80] : memref<32x5x25x80xi32, #tpu.memory_space<hbm>> -> memref<1x1x25x80xi32, #tpu.memory_space<hbm>>
        %dma_wait3A_82 = tpu.memref_squeeze %dma_wait3A_81 : memref<1x1x25x80xi32, #tpu.memory_space<hbm>> -> memref<25x80xi32, #tpu.memory_space<hbm>>
        tpu.wait_dma2 semaphore(%run_scoped3A : memref<!tpu.dma_semaphore, #tpu.memory_space<semaphore_mem>>) src(%dma_wait3A_82 : memref<25x80xi32, #tpu.memory_space<hbm>>) dst(%arg9 : memref<25x80xi32, #tpu.memory_space<vmem>>)
        tpu.yield
      }) : () -> ()
      "tpu.region"() ({
        %run_scoped3A = tpu.sem_alloc : memref<!tpu.dma_semaphore, #tpu.memory_space<semaphore_mem>>
        %dma_start3A_68 = arith.constant 0 : i32
        %dma_start3A_69 = arith.constant 0 : i32
        %dma_start3A_70 = tpu.memref_slice %arg4[%add3A, %scan3A_35, %dma_start3A_68, %dma_start3A_69] : memref<32x5x25x80xi32, #tpu.memory_space<hbm>> -> memref<1x1x25x80xi32, #tpu.memory_space<hbm>>
        %dma_start3A_71 = tpu.memref_squeeze %dma_start3A_70 : memref<1x1x25x80xi32, #tpu.memory_space<hbm>> -> memref<25x80xi32, #tpu.memory_space<hbm>>
        %dma_start3A_72 = arith.constant 0 : i32
        %dma_start3A_73 = arith.constant 0 : i32
        %dma_start3A_74 = tpu.memref_slice %arg4[%add3A, %scan3A_35, %dma_start3A_72, %dma_start3A_73] : memref<32x5x25x80xi32, #tpu.memory_space<hbm>> -> memref<1x1x25x80xi32, #tpu.memory_space<hbm>>
        %dma_start3A_75 = tpu.memref_squeeze %dma_start3A_74 : memref<1x1x25x80xi32, #tpu.memory_space<hbm>> -> memref<25x80xi32, #tpu.memory_space<hbm>>
        tpu.enqueue_dma source(%dma_start3A_75 : memref<25x80xi32, #tpu.memory_space<hbm>>) target(%arg10 : memref<25x80xi32, #tpu.memory_space<vmem>>) target_semaphore(%run_scoped3A : memref<!tpu.dma_semaphore, #tpu.memory_space<semaphore_mem>>)
        %dma_wait3A = arith.constant 0 : i32
        %dma_wait3A_76 = arith.constant 0 : i32
        %dma_wait3A_77 = tpu.memref_slice %arg4[%add3A, %scan3A_35, %dma_wait3A, %dma_wait3A_76] : memref<32x5x25x80xi32, #tpu.memory_space<hbm>> -> memref<1x1x25x80xi32, #tpu.memory_space<hbm>>
        %dma_wait3A_78 = tpu.memref_squeeze %dma_wait3A_77 : memref<1x1x25x80xi32, #tpu.memory_space<hbm>> -> memref<25x80xi32, #tpu.memory_space<hbm>>
        %dma_wait3A_79 = arith.constant 0 : i32
        %dma_wait3A_80 = arith.constant 0 : i32
        %dma_wait3A_81 = tpu.memref_slice %arg4[%add3A, %scan3A_35, %dma_wait3A_79, %dma_wait3A_80] : memref<32x5x25x80xi32, #tpu.memory_space<hbm>> -> memref<1x1x25x80xi32, #tpu.memory_space<hbm>>
        %dma_wait3A_82 = tpu.memref_squeeze %dma_wait3A_81 : memref<1x1x25x80xi32, #tpu.memory_space<hbm>> -> memref<25x80xi32, #tpu.memory_space<hbm>>
        tpu.wait_dma2 semaphore(%run_scoped3A : memref<!tpu.dma_semaphore, #tpu.memory_space<semaphore_mem>>) src(%dma_wait3A_82 : memref<25x80xi32, #tpu.memory_space<hbm>>) dst(%arg10 : memref<25x80xi32, #tpu.memory_space<vmem>>)
        tpu.yield
      }) : () -> ()
      %dma_start3A = arith.constant 0 : i32
      %dma_start3A_37 = arith.constant 0 : i32
      %dma_start3A_38 = arith.constant 0 : i32
      %dma_start3A_39 = arith.constant 0 : i32
      %dma_start3A_40 = tpu.memref_slice %arg12[%dma_start3A_37, %dma_start3A_38, %dma_start3A_39] : memref<2x80x128xf32, #tpu.memory_space<vmem>> -> memref<1x80x128xf32, #tpu.memory_space<vmem>>
      %dma_start3A_41 = tpu.memref_squeeze %dma_start3A_40 : memref<1x80x128xf32, #tpu.memory_space<vmem>> -> memref<80x128xf32, #tpu.memory_space<vmem>>
      %dma_start3A_42 = arith.constant 0 : i32
      %dma_start3A_43 = tpu.memref_slice %arg9[%dma_start3A, %dma_start3A_42] : memref<25x80xi32, #tpu.memory_space<vmem>> -> memref<1x80xi32, #tpu.memory_space<vmem>>
      %dma_start3A_44 = tpu.memref_squeeze %dma_start3A_43 : memref<1x80xi32, #tpu.memory_space<vmem>> -> memref<80xi32, #tpu.memory_space<vmem>>
      %dma_start3A_45 = arith.constant 0 : i32
      %dma_start3A_46 = arith.constant 0 : i32
      %dma_start3A_47 = tpu.memref_slice %arg2[%dma_start3A_45, %dma_start3A_46] : memref<10000x128xf32, #tpu.memory_space<hbm>> -> memref<10000x128xf32, #tpu.memory_space<hbm>>
      tpu.enqueue_indirect_dma source(%dma_start3A_47 : memref<10000x128xf32, #tpu.memory_space<hbm>>) target(%dma_start3A_41 : memref<80x128xf32, #tpu.memory_space<vmem>>) offsets(%dma_start3A_44 : memref<80xi32, #tpu.memory_space<vmem>>) semaphore(%arg13 : memref<!tpu.dma_semaphore, #tpu.memory_space<semaphore_mem>>)
      %dma_start3A_48 = arith.constant 1 : i32
      %dma_start3A_49 = arith.constant 1 : i32
      %dma_start3A_50 = arith.constant 0 : i32
      %dma_start3A_51 = arith.constant 0 : i32
      %dma_start3A_52 = tpu.memref_slice %arg12[%dma_start3A_49, %dma_start3A_50, %dma_start3A_51] : memref<2x80x128xf32, #tpu.memory_space<vmem>> -> memref<1x80x128xf32, #tpu.memory_space<vmem>>
      %dma_start3A_53 = tpu.memref_squeeze %dma_start3A_52 : memref<1x80x128xf32, #tpu.memory_space<vmem>> -> memref<80x128xf32, #tpu.memory_space<vmem>>
      %dma_start3A_54 = arith.constant 0 : i32
      %dma_start3A_55 = tpu.memref_slice %arg9[%dma_start3A_48, %dma_start3A_54] : memref<25x80xi32, #tpu.memory_space<vmem>> -> memref<1x80xi32, #tpu.memory_space<vmem>>
      %dma_start3A_56 = tpu.memref_squeeze %dma_start3A_55 : memref<1x80xi32, #tpu.memory_space<vmem>> -> memref<80xi32, #tpu.memory_space<vmem>>
      %dma_start3A_57 = arith.constant 0 : i32
      %dma_start3A_58 = arith.constant 0 : i32
      %dma_start3A_59 = tpu.memref_slice %arg2[%dma_start3A_57, %dma_start3A_58] : memref<10000x128xf32, #tpu.memory_space<hbm>> -> memref<10000x128xf32, #tpu.memory_space<hbm>>
      tpu.enqueue_indirect_dma source(%dma_start3A_59 : memref<10000x128xf32, #tpu.memory_space<hbm>>) target(%dma_start3A_53 : memref<80x128xf32, #tpu.memory_space<vmem>>) offsets(%dma_start3A_56 : memref<80xi32, #tpu.memory_space<vmem>>) semaphore(%arg14 : memref<!tpu.dma_semaphore, #tpu.memory_space<semaphore_mem>>)
      %scan3A_60 = arith.constant 0 : i32
      %scan3A_61 = arith.constant 0 : i32
      %scan3A_62 = arith.constant 13 : i32
      %scan3A_63 = arith.addi %scan3A_61, %scan3A_62 : i32
      %scan3A_64 = arith.constant 1 : i32
      %scan3A_65 = scf.for %scan3A_68 = %scan3A_61 to %scan3A_63 step %scan3A_64 iter_args(%scan3A_69 = %scan3A_60) -> (i32)  : i32 {
        %mul3A_70 = arith.constant 2 : i32
        %mul3A_71 = arith.muli %scan3A_68, %mul3A_70 : i32
        %add3A_72 = arith.constant 0 : i32
        %add3A_73 = arith.addi %mul3A_71, %add3A_72 : i32
        %lt3A = arith.constant 25 : i32
        %lt3A_74 = arith.cmpi slt, %add3A_73, %lt3A : i32
        %convert_element_type3A = arith.extui %lt3A_74 : i1 to i32
        %cond3A = arith.constant 0 : i32
        %cond3A_75 = arith.cmpi ne, %convert_element_type3A, %cond3A : i32
        scf.if %cond3A_75 {
          %dma_wait3A = arith.constant 0 : i32
          %dma_wait3A_86 = arith.constant 0 : i32
          %dma_wait3A_87 = arith.constant 0 : i32
          %dma_wait3A_88 = tpu.memref_slice %arg12[%dma_wait3A, %dma_wait3A_86, %dma_wait3A_87] : memref<2x80x128xf32, #tpu.memory_space<vmem>> -> memref<1x80x128xf32, #tpu.memory_space<vmem>>
          %dma_wait3A_89 = tpu.memref_squeeze %dma_wait3A_88 : memref<1x80x128xf32, #tpu.memory_space<vmem>> -> memref<80x128xf32, #tpu.memory_space<vmem>>
          %dma_wait3A_90 = arith.constant 0 : i32
          %dma_wait3A_91 = tpu.memref_slice %arg9[%add3A_73, %dma_wait3A_90] : memref<25x80xi32, #tpu.memory_space<vmem>> -> memref<1x80xi32, #tpu.memory_space<vmem>>
          %dma_wait3A_92 = tpu.memref_squeeze %dma_wait3A_91 : memref<1x80xi32, #tpu.memory_space<vmem>> -> memref<80xi32, #tpu.memory_space<vmem>>
          %dma_wait3A_93 = arith.constant 0 : i32
          %dma_wait3A_94 = arith.constant 0 : i32
          %dma_wait3A_95 = tpu.memref_slice %arg2[%dma_wait3A_93, %dma_wait3A_94] : memref<10000x128xf32, #tpu.memory_space<hbm>> -> memref<10000x128xf32, #tpu.memory_space<hbm>>
          tpu.wait_indirect_dma semaphore(%arg13 : memref<!tpu.dma_semaphore, #tpu.memory_space<semaphore_mem>>) src(%dma_wait3A_95 : memref<10000x128xf32, #tpu.memory_space<hbm>>) dst(%dma_wait3A_89 : memref<80x128xf32, #tpu.memory_space<vmem>>)
          %run_scoped3A = arith.constant 0 : i32
          "tpu.region"() ({
            %run_scoped3A_103 = tpu.sem_alloc : memref<!tpu.dma_semaphore, #tpu.memory_space<semaphore_mem>>
            %dma_start3A_104 = arith.constant 0 : i32
            %dma_start3A_105 = arith.constant 0 : i32
            %dma_start3A_106 = tpu.memref_slice %arg12[%run_scoped3A, %dma_start3A_104, %dma_start3A_105] : memref<2x80x128xf32, #tpu.memory_space<vmem>> -> memref<1x80x128xf32, #tpu.memory_space<vmem>>
            %dma_start3A_107 = tpu.memref_squeeze %dma_start3A_106 : memref<1x80x128xf32, #tpu.memory_space<vmem>> -> memref<80x128xf32, #tpu.memory_space<vmem>>
            %dma_start3A_108 = arith.constant 0 : i32
            %dma_start3A_109 = tpu.memref_slice %arg10[%add3A_73, %dma_start3A_108] : memref<25x80xi32, #tpu.memory_space<vmem>> -> memref<1x80xi32, #tpu.memory_space<vmem>>
            %dma_start3A_110 = tpu.memref_squeeze %dma_start3A_109 : memref<1x80xi32, #tpu.memory_space<vmem>> -> memref<80xi32, #tpu.memory_space<vmem>>
            %dma_start3A_111 = arith.constant 0 : i32
            %dma_start3A_112 = arith.constant 0 : i32
            %dma_start3A_113 = tpu.memref_slice %arg15[%dma_start3A_111, %dma_start3A_112] : memref<10000x128xf32, #tpu.memory_space<vmem_shared>> -> memref<10000x128xf32, #tpu.memory_space<vmem_shared>>
            tpu.enqueue_indirect_dma source(%dma_start3A_107 : memref<80x128xf32, #tpu.memory_space<vmem>>) target(%dma_start3A_113 : memref<10000x128xf32, #tpu.memory_space<vmem_shared>>) offsets(%dma_start3A_110 : memref<80xi32, #tpu.memory_space<vmem>>) semaphore(%run_scoped3A_103 : memref<!tpu.dma_semaphore, #tpu.memory_space<semaphore_mem>>) {add = true}
            %dma_wait3A_114 = arith.constant 0 : i32
            %dma_wait3A_115 = arith.constant 0 : i32
            %dma_wait3A_116 = tpu.memref_slice %arg12[%run_scoped3A, %dma_wait3A_114, %dma_wait3A_115] : memref<2x80x128xf32, #tpu.memory_space<vmem>> -> memref<1x80x128xf32, #tpu.memory_space<vmem>>
            %dma_wait3A_117 = tpu.memref_squeeze %dma_wait3A_116 : memref<1x80x128xf32, #tpu.memory_space<vmem>> -> memref<80x128xf32, #tpu.memory_space<vmem>>
            %dma_wait3A_118 = arith.constant 0 : i32
            %dma_wait3A_119 = tpu.memref_slice %arg10[%add3A_73, %dma_wait3A_118] : memref<25x80xi32, #tpu.memory_space<vmem>> -> memref<1x80xi32, #tpu.memory_space<vmem>>
            %dma_wait3A_120 = tpu.memref_squeeze %dma_wait3A_119 : memref<1x80xi32, #tpu.memory_space<vmem>> -> memref<80xi32, #tpu.memory_space<vmem>>
            %dma_wait3A_121 = arith.constant 0 : i32
            %dma_wait3A_122 = arith.constant 0 : i32
            %dma_wait3A_123 = tpu.memref_slice %arg15[%dma_wait3A_121, %dma_wait3A_122] : memref<10000x128xf32, #tpu.memory_space<vmem_shared>> -> memref<10000x128xf32, #tpu.memory_space<vmem_shared>>
            tpu.wait_indirect_dma semaphore(%run_scoped3A_103 : memref<!tpu.dma_semaphore, #tpu.memory_space<semaphore_mem>>) src(%dma_wait3A_117 : memref<80x128xf32, #tpu.memory_space<vmem>>) dst(%dma_wait3A_123 : memref<10000x128xf32, #tpu.memory_space<vmem_shared>>)
            tpu.yield
          }) : () -> ()
          %add3A_96 = arith.constant 2 : i32
          %add3A_97 = arith.addi %add3A_73, %add3A_96 : i32
          %lt3A_98 = arith.constant 25 : i32
          %lt3A_99 = arith.cmpi slt, %add3A_97, %lt3A_98 : i32
          %convert_element_type3A_100 = arith.extui %lt3A_99 : i1 to i32
          %cond3A_101 = arith.constant 0 : i32
          %cond3A_102 = arith.cmpi ne, %convert_element_type3A_100, %cond3A_101 : i32
          scf.if %cond3A_102 {
            %add3A_103 = arith.constant 2 : i32
            %add3A_104 = arith.addi %add3A_73, %add3A_103 : i32
            %dma_start3A_105 = arith.constant 0 : i32
            %dma_start3A_106 = arith.constant 0 : i32
            %dma_start3A_107 = arith.constant 0 : i32
            %dma_start3A_108 = tpu.memref_slice %arg12[%dma_start3A_105, %dma_start3A_106, %dma_start3A_107] : memref<2x80x128xf32, #tpu.memory_space<vmem>> -> memref<1x80x128xf32, #tpu.memory_space<vmem>>
            %dma_start3A_109 = tpu.memref_squeeze %dma_start3A_108 : memref<1x80x128xf32, #tpu.memory_space<vmem>> -> memref<80x128xf32, #tpu.memory_space<vmem>>
            %dma_start3A_110 = arith.constant 0 : i32
            %dma_start3A_111 = tpu.memref_slice %arg9[%add3A_104, %dma_start3A_110] : memref<25x80xi32, #tpu.memory_space<vmem>> -> memref<1x80xi32, #tpu.memory_space<vmem>>
            %dma_start3A_112 = tpu.memref_squeeze %dma_start3A_111 : memref<1x80xi32, #tpu.memory_space<vmem>> -> memref<80xi32, #tpu.memory_space<vmem>>
            %dma_start3A_113 = arith.constant 0 : i32
            %dma_start3A_114 = arith.constant 0 : i32
            %dma_start3A_115 = tpu.memref_slice %arg2[%dma_start3A_113, %dma_start3A_114] : memref<10000x128xf32, #tpu.memory_space<hbm>> -> memref<10000x128xf32, #tpu.memory_space<hbm>>
            tpu.enqueue_indirect_dma source(%dma_start3A_115 : memref<10000x128xf32, #tpu.memory_space<hbm>>) target(%dma_start3A_109 : memref<80x128xf32, #tpu.memory_space<vmem>>) offsets(%dma_start3A_112 : memref<80xi32, #tpu.memory_space<vmem>>) semaphore(%arg13 : memref<!tpu.dma_semaphore, #tpu.memory_space<semaphore_mem>>)
          } else {
          }
        } else {
        }
        %mul3A_76 = arith.constant 2 : i32
        %mul3A_77 = arith.muli %scan3A_68, %mul3A_76 : i32
        %add3A_78 = arith.constant 1 : i32
        %add3A_79 = arith.addi %mul3A_77, %add3A_78 : i32
        %lt3A_80 = arith.constant 25 : i32
        %lt3A_81 = arith.cmpi slt, %add3A_79, %lt3A_80 : i32
        %convert_element_type3A_82 = arith.extui %lt3A_81 : i1 to i32
        %cond3A_83 = arith.constant 0 : i32
        %cond3A_84 = arith.cmpi ne, %convert_element_type3A_82, %cond3A_83 : i32
        scf.if %cond3A_84 {
          %dma_wait3A = arith.constant 1 : i32
          %dma_wait3A_86 = arith.constant 0 : i32
          %dma_wait3A_87 = arith.constant 0 : i32
          %dma_wait3A_88 = tpu.memref_slice %arg12[%dma_wait3A, %dma_wait3A_86, %dma_wait3A_87] : memref<2x80x128xf32, #tpu.memory_space<vmem>> -> memref<1x80x128xf32, #tpu.memory_space<vmem>>
          %dma_wait3A_89 = tpu.memref_squeeze %dma_wait3A_88 : memref<1x80x128xf32, #tpu.memory_space<vmem>> -> memref<80x128xf32, #tpu.memory_space<vmem>>
          %dma_wait3A_90 = arith.constant 0 : i32
          %dma_wait3A_91 = tpu.memref_slice %arg9[%add3A_79, %dma_wait3A_90] : memref<25x80xi32, #tpu.memory_space<vmem>> -> memref<1x80xi32, #tpu.memory_space<vmem>>
          %dma_wait3A_92 = tpu.memref_squeeze %dma_wait3A_91 : memref<1x80xi32, #tpu.memory_space<vmem>> -> memref<80xi32, #tpu.memory_space<vmem>>
          %dma_wait3A_93 = arith.constant 0 : i32
          %dma_wait3A_94 = arith.constant 0 : i32
          %dma_wait3A_95 = tpu.memref_slice %arg2[%dma_wait3A_93, %dma_wait3A_94] : memref<10000x128xf32, #tpu.memory_space<hbm>> -> memref<10000x128xf32, #tpu.memory_space<hbm>>
          tpu.wait_indirect_dma semaphore(%arg14 : memref<!tpu.dma_semaphore, #tpu.memory_space<semaphore_mem>>) src(%dma_wait3A_95 : memref<10000x128xf32, #tpu.memory_space<hbm>>) dst(%dma_wait3A_89 : memref<80x128xf32, #tpu.memory_space<vmem>>)
          %run_scoped3A = arith.constant 1 : i32
          "tpu.region"() ({
            %run_scoped3A_103 = tpu.sem_alloc : memref<!tpu.dma_semaphore, #tpu.memory_space<semaphore_mem>>
            %dma_start3A_104 = arith.constant 0 : i32
            %dma_start3A_105 = arith.constant 0 : i32
            %dma_start3A_106 = tpu.memref_slice %arg12[%run_scoped3A, %dma_start3A_104, %dma_start3A_105] : memref<2x80x128xf32, #tpu.memory_space<vmem>> -> memref<1x80x128xf32, #tpu.memory_space<vmem>>
            %dma_start3A_107 = tpu.memref_squeeze %dma_start3A_106 : memref<1x80x128xf32, #tpu.memory_space<vmem>> -> memref<80x128xf32, #tpu.memory_space<vmem>>
            %dma_start3A_108 = arith.constant 0 : i32
            %dma_start3A_109 = tpu.memref_slice %arg10[%add3A_79, %dma_start3A_108] : memref<25x80xi32, #tpu.memory_space<vmem>> -> memref<1x80xi32, #tpu.memory_space<vmem>>
            %dma_start3A_110 = tpu.memref_squeeze %dma_start3A_109 : memref<1x80xi32, #tpu.memory_space<vmem>> -> memref<80xi32, #tpu.memory_space<vmem>>
            %dma_start3A_111 = arith.constant 0 : i32
            %dma_start3A_112 = arith.constant 0 : i32
            %dma_start3A_113 = tpu.memref_slice %arg15[%dma_start3A_111, %dma_start3A_112] : memref<10000x128xf32, #tpu.memory_space<vmem_shared>> -> memref<10000x128xf32, #tpu.memory_space<vmem_shared>>
            tpu.enqueue_indirect_dma source(%dma_start3A_107 : memref<80x128xf32, #tpu.memory_space<vmem>>) target(%dma_start3A_113 : memref<10000x128xf32, #tpu.memory_space<vmem_shared>>) offsets(%dma_start3A_110 : memref<80xi32, #tpu.memory_space<vmem>>) semaphore(%run_scoped3A_103 : memref<!tpu.dma_semaphore, #tpu.memory_space<semaphore_mem>>) {add = true}
            %dma_wait3A_114 = arith.constant 0 : i32
            %dma_wait3A_115 = arith.constant 0 : i32
            %dma_wait3A_116 = tpu.memref_slice %arg12[%run_scoped3A, %dma_wait3A_114, %dma_wait3A_115] : memref<2x80x128xf32, #tpu.memory_space<vmem>> -> memref<1x80x128xf32, #tpu.memory_space<vmem>>
            %dma_wait3A_117 = tpu.memref_squeeze %dma_wait3A_116 : memref<1x80x128xf32, #tpu.memory_space<vmem>> -> memref<80x128xf32, #tpu.memory_space<vmem>>
            %dma_wait3A_118 = arith.constant 0 : i32
            %dma_wait3A_119 = tpu.memref_slice %arg10[%add3A_79, %dma_wait3A_118] : memref<25x80xi32, #tpu.memory_space<vmem>> -> memref<1x80xi32, #tpu.memory_space<vmem>>
            %dma_wait3A_120 = tpu.memref_squeeze %dma_wait3A_119 : memref<1x80xi32, #tpu.memory_space<vmem>> -> memref<80xi32, #tpu.memory_space<vmem>>
            %dma_wait3A_121 = arith.constant 0 : i32
            %dma_wait3A_122 = arith.constant 0 : i32
            %dma_wait3A_123 = tpu.memref_slice %arg15[%dma_wait3A_121, %dma_wait3A_122] : memref<10000x128xf32, #tpu.memory_space<vmem_shared>> -> memref<10000x128xf32, #tpu.memory_space<vmem_shared>>
            tpu.wait_indirect_dma semaphore(%run_scoped3A_103 : memref<!tpu.dma_semaphore, #tpu.memory_space<semaphore_mem>>) src(%dma_wait3A_117 : memref<80x128xf32, #tpu.memory_space<vmem>>) dst(%dma_wait3A_123 : memref<10000x128xf32, #tpu.memory_space<vmem_shared>>)
            tpu.yield
          }) : () -> ()
          %add3A_96 = arith.constant 2 : i32
          %add3A_97 = arith.addi %add3A_79, %add3A_96 : i32
          %lt3A_98 = arith.constant 25 : i32
          %lt3A_99 = arith.cmpi slt, %add3A_97, %lt3A_98 : i32
          %convert_element_type3A_100 = arith.extui %lt3A_99 : i1 to i32
          %cond3A_101 = arith.constant 0 : i32
          %cond3A_102 = arith.cmpi ne, %convert_element_type3A_100, %cond3A_101 : i32
          scf.if %cond3A_102 {
            %add3A_103 = arith.constant 2 : i32
            %add3A_104 = arith.addi %add3A_79, %add3A_103 : i32
            %dma_start3A_105 = arith.constant 1 : i32
            %dma_start3A_106 = arith.constant 0 : i32
            %dma_start3A_107 = arith.constant 0 : i32
            %dma_start3A_108 = tpu.memref_slice %arg12[%dma_start3A_105, %dma_start3A_106, %dma_start3A_107] : memref<2x80x128xf32, #tpu.memory_space<vmem>> -> memref<1x80x128xf32, #tpu.memory_space<vmem>>
            %dma_start3A_109 = tpu.memref_squeeze %dma_start3A_108 : memref<1x80x128xf32, #tpu.memory_space<vmem>> -> memref<80x128xf32, #tpu.memory_space<vmem>>
            %dma_start3A_110 = arith.constant 0 : i32
            %dma_start3A_111 = tpu.memref_slice %arg9[%add3A_104, %dma_start3A_110] : memref<25x80xi32, #tpu.memory_space<vmem>> -> memref<1x80xi32, #tpu.memory_space<vmem>>
            %dma_start3A_112 = tpu.memref_squeeze %dma_start3A_111 : memref<1x80xi32, #tpu.memory_space<vmem>> -> memref<80xi32, #tpu.memory_space<vmem>>
            %dma_start3A_113 = arith.constant 0 : i32
            %dma_start3A_114 = arith.constant 0 : i32
            %dma_start3A_115 = tpu.memref_slice %arg2[%dma_start3A_113, %dma_start3A_114] : memref<10000x128xf32, #tpu.memory_space<hbm>> -> memref<10000x128xf32, #tpu.memory_space<hbm>>
            tpu.enqueue_indirect_dma source(%dma_start3A_115 : memref<10000x128xf32, #tpu.memory_space<hbm>>) target(%dma_start3A_109 : memref<80x128xf32, #tpu.memory_space<vmem>>) offsets(%dma_start3A_112 : memref<80xi32, #tpu.memory_space<vmem>>) semaphore(%arg14 : memref<!tpu.dma_semaphore, #tpu.memory_space<semaphore_mem>>)
          } else {
          }
        } else {
        }
        %scan3A_85 = arith.constant 0 : i32
        scf.yield %scan3A_85 : i32
      }
      %scan3A_66 = arith.constant 13 : i32
      %scan3A_67 = arith.constant 0 : i32
      scf.yield %scan3A_67 : i32
    }
    %scan3A_15 = arith.constant 5 : i32
    %scan3A_16 = arith.constant 0 : i32
    %scan3A_17 = arith.constant 0 : i32
    %scan3A_18 = arith.constant 4 : i32
    %scan3A_19 = arith.addi %scan3A_17, %scan3A_18 : i32
    %scan3A_20 = arith.constant 1 : i32
    %scan3A_21 = scf.for %scan3A_35 = %scan3A_17 to %scan3A_19 step %scan3A_20 iter_args(%scan3A_36 = %scan3A_16) -> (i32)  : i32 {
      %mul3A_37 = arith.constant 32 : i32
      %mul3A_38 = arith.muli %scan3A_35, %mul3A_37 : i32
      %add3A_39 = arith.addi %add3A, %mul3A_38 : i32
      %lt3A = arith.constant 125 : i32
      %lt3A_40 = arith.cmpi slt, %add3A_39, %lt3A : i32
      %convert_element_type3A = arith.extui %lt3A_40 : i1 to i32
      %cond3A = arith.constant 0 : i32
      %cond3A_41 = arith.cmpi ne, %convert_element_type3A, %cond3A : i32
      scf.if %cond3A_41 {
        %mul3A_43 = arith.constant 80 : i32
        %mul3A_44 = arith.muli %add3A_39, %mul3A_43 : i32
        "tpu.region"() ({
          %run_scoped3A_48 = tpu.sem_alloc : memref<!tpu.dma_semaphore, #tpu.memory_space<semaphore_mem>>
          %dma_start3A = tpu.memref_slice %arg5[%mul3A_44] : memref<10000xi32, #tpu.memory_space<hbm>> -> memref<80xi32, #tpu.memory_space<hbm>>
          %dma_start3A_49 = tpu.memref_slice %arg5[%mul3A_44] : memref<10000xi32, #tpu.memory_space<hbm>> -> memref<80xi32, #tpu.memory_space<hbm>>
          tpu.enqueue_dma source(%dma_start3A_49 : memref<80xi32, #tpu.memory_space<hbm>>) target(%arg11 : memref<80xi32, #tpu.memory_space<vmem>>) target_semaphore(%run_scoped3A_48 : memref<!tpu.dma_semaphore, #tpu.memory_space<semaphore_mem>>)
          %dma_wait3A = tpu.memref_slice %arg5[%mul3A_44] : memref<10000xi32, #tpu.memory_space<hbm>> -> memref<80xi32, #tpu.memory_space<hbm>>
          %dma_wait3A_50 = tpu.memref_slice %arg5[%mul3A_44] : memref<10000xi32, #tpu.memory_space<hbm>> -> memref<80xi32, #tpu.memory_space<hbm>>
          tpu.wait_dma2 semaphore(%run_scoped3A_48 : memref<!tpu.dma_semaphore, #tpu.memory_space<semaphore_mem>>) src(%dma_wait3A_50 : memref<80xi32, #tpu.memory_space<hbm>>) dst(%arg11 : memref<80xi32, #tpu.memory_space<vmem>>)
          tpu.yield
        }) : () -> ()
        %mul3A_45 = arith.constant 80 : i32
        %mul3A_46 = arith.muli %add3A_39, %mul3A_45 : i32
        %run_scoped3A = arith.constant 0 : i32
        "tpu.region"() ({
          %run_scoped3A_48 = tpu.sem_alloc : memref<!tpu.dma_semaphore, #tpu.memory_space<semaphore_mem>>
          %dma_start3A = arith.constant 0 : i32
          %dma_start3A_49 = arith.constant 0 : i32
          %dma_start3A_50 = tpu.memref_slice %arg12[%run_scoped3A, %dma_start3A, %dma_start3A_49] : memref<2x80x128xf32, #tpu.memory_space<vmem>> -> memref<1x80x128xf32, #tpu.memory_space<vmem>>
          %dma_start3A_51 = tpu.memref_squeeze %dma_start3A_50 : memref<1x80x128xf32, #tpu.memory_space<vmem>> -> memref<80x128xf32, #tpu.memory_space<vmem>>
          %dma_start3A_52 = arith.constant 0 : i32
          %dma_start3A_53 = tpu.memref_slice %arg2[%mul3A_46, %dma_start3A_52] : memref<10000x128xf32, #tpu.memory_space<hbm>> -> memref<80x128xf32, #tpu.memory_space<hbm>>
          %dma_start3A_54 = arith.constant 0 : i32
          %dma_start3A_55 = arith.constant 0 : i32
          %dma_start3A_56 = tpu.memref_slice %arg12[%run_scoped3A, %dma_start3A_54, %dma_start3A_55] : memref<2x80x128xf32, #tpu.memory_space<vmem>> -> memref<1x80x128xf32, #tpu.memory_space<vmem>>
          %dma_start3A_57 = tpu.memref_squeeze %dma_start3A_56 : memref<1x80x128xf32, #tpu.memory_space<vmem>> -> memref<80x128xf32, #tpu.memory_space<vmem>>
          %dma_start3A_58 = arith.constant 0 : i32
          %dma_start3A_59 = tpu.memref_slice %arg2[%mul3A_46, %dma_start3A_58] : memref<10000x128xf32, #tpu.memory_space<hbm>> -> memref<80x128xf32, #tpu.memory_space<hbm>>
          tpu.enqueue_dma source(%dma_start3A_59 : memref<80x128xf32, #tpu.memory_space<hbm>>) target(%dma_start3A_57 : memref<80x128xf32, #tpu.memory_space<vmem>>) target_semaphore(%run_scoped3A_48 : memref<!tpu.dma_semaphore, #tpu.memory_space<semaphore_mem>>)
          %dma_wait3A = arith.constant 0 : i32
          %dma_wait3A_60 = arith.constant 0 : i32
          %dma_wait3A_61 = tpu.memref_slice %arg12[%run_scoped3A, %dma_wait3A, %dma_wait3A_60] : memref<2x80x128xf32, #tpu.memory_space<vmem>> -> memref<1x80x128xf32, #tpu.memory_space<vmem>>
          %dma_wait3A_62 = tpu.memref_squeeze %dma_wait3A_61 : memref<1x80x128xf32, #tpu.memory_space<vmem>> -> memref<80x128xf32, #tpu.memory_space<vmem>>
          %dma_wait3A_63 = arith.constant 0 : i32
          %dma_wait3A_64 = tpu.memref_slice %arg2[%mul3A_46, %dma_wait3A_63] : memref<10000x128xf32, #tpu.memory_space<hbm>> -> memref<80x128xf32, #tpu.memory_space<hbm>>
          %dma_wait3A_65 = arith.constant 0 : i32
          %dma_wait3A_66 = arith.constant 0 : i32
          %dma_wait3A_67 = tpu.memref_slice %arg12[%run_scoped3A, %dma_wait3A_65, %dma_wait3A_66] : memref<2x80x128xf32, #tpu.memory_space<vmem>> -> memref<1x80x128xf32, #tpu.memory_space<vmem>>
          %dma_wait3A_68 = tpu.memref_squeeze %dma_wait3A_67 : memref<1x80x128xf32, #tpu.memory_space<vmem>> -> memref<80x128xf32, #tpu.memory_space<vmem>>
          %dma_wait3A_69 = arith.constant 0 : i32
          %dma_wait3A_70 = tpu.memref_slice %arg2[%mul3A_46, %dma_wait3A_69] : memref<10000x128xf32, #tpu.memory_space<hbm>> -> memref<80x128xf32, #tpu.memory_space<hbm>>
          tpu.wait_dma2 semaphore(%run_scoped3A_48 : memref<!tpu.dma_semaphore, #tpu.memory_space<semaphore_mem>>) src(%dma_wait3A_70 : memref<80x128xf32, #tpu.memory_space<hbm>>) dst(%dma_wait3A_68 : memref<80x128xf32, #tpu.memory_space<vmem>>)
          tpu.yield
        }) : () -> ()
        %run_scoped3A_47 = arith.constant 0 : i32
        "tpu.region"() ({
          %run_scoped3A_48 = tpu.sem_alloc : memref<!tpu.dma_semaphore, #tpu.memory_space<semaphore_mem>>
          %dma_start3A = arith.constant 0 : i32
          %dma_start3A_49 = arith.constant 0 : i32
          %dma_start3A_50 = tpu.memref_slice %arg12[%run_scoped3A_47, %dma_start3A, %dma_start3A_49] : memref<2x80x128xf32, #tpu.memory_space<vmem>> -> memref<1x80x128xf32, #tpu.memory_space<vmem>>
          %dma_start3A_51 = tpu.memref_squeeze %dma_start3A_50 : memref<1x80x128xf32, #tpu.memory_space<vmem>> -> memref<80x128xf32, #tpu.memory_space<vmem>>
          %dma_start3A_52 = arith.constant 0 : i32
          %dma_start3A_53 = arith.constant 0 : i32
          %dma_start3A_54 = tpu.memref_slice %arg16[%dma_start3A_52, %dma_start3A_53] : memref<512x128xf32, #tpu.memory_space<vmem_shared>> -> memref<512x128xf32, #tpu.memory_space<vmem_shared>>
          tpu.enqueue_indirect_dma source(%dma_start3A_51 : memref<80x128xf32, #tpu.memory_space<vmem>>) target(%dma_start3A_54 : memref<512x128xf32, #tpu.memory_space<vmem_shared>>) offsets(%arg11 : memref<80xi32, #tpu.memory_space<vmem>>) semaphore(%run_scoped3A_48 : memref<!tpu.dma_semaphore, #tpu.memory_space<semaphore_mem>>) {add = true}
          %dma_wait3A = arith.constant 0 : i32
          %dma_wait3A_55 = arith.constant 0 : i32
          %dma_wait3A_56 = tpu.memref_slice %arg12[%run_scoped3A_47, %dma_wait3A, %dma_wait3A_55] : memref<2x80x128xf32, #tpu.memory_space<vmem>> -> memref<1x80x128xf32, #tpu.memory_space<vmem>>
          %dma_wait3A_57 = tpu.memref_squeeze %dma_wait3A_56 : memref<1x80x128xf32, #tpu.memory_space<vmem>> -> memref<80x128xf32, #tpu.memory_space<vmem>>
          %dma_wait3A_58 = arith.constant 0 : i32
          %dma_wait3A_59 = arith.constant 0 : i32
          %dma_wait3A_60 = tpu.memref_slice %arg16[%dma_wait3A_58, %dma_wait3A_59] : memref<512x128xf32, #tpu.memory_space<vmem_shared>> -> memref<512x128xf32, #tpu.memory_space<vmem_shared>>
          tpu.wait_indirect_dma semaphore(%run_scoped3A_48 : memref<!tpu.dma_semaphore, #tpu.memory_space<semaphore_mem>>) src(%dma_wait3A_57 : memref<80x128xf32, #tpu.memory_space<vmem>>) dst(%dma_wait3A_60 : memref<512x128xf32, #tpu.memory_space<vmem_shared>>)
          tpu.yield
        }) : () -> ()
      } else {
      }
      %scan3A_42 = arith.constant 0 : i32
      scf.yield %scan3A_42 : i32
    }
    %scan3A_22 = arith.constant 4 : i32
    %barrier3A_23 = arith.constant 0 : index
    tpu.barrier barrier_id(%barrier3A_23)
    %scan3A_24 = arith.constant 0 : i32
    %scan3A_25 = arith.constant 0 : i32
    %scan3A_26 = arith.constant 8 : i32
    %scan3A_27 = arith.addi %scan3A_25, %scan3A_26 : i32
    %scan3A_28 = arith.constant 1 : i32
    %scan3A_29 = scf.for %scan3A_35 = %scan3A_25 to %scan3A_27 step %scan3A_28 iter_args(%scan3A_36 = %scan3A_24) -> (i32)  : i32 {
      %mul3A_37 = arith.constant 16 : i32
      %mul3A_38 = arith.muli %scan3A_35, %mul3A_37 : i32
      %add3A_39 = arith.addi %arg1, %mul3A_38 : i32
      %lt3A = arith.constant 125 : i32
      %lt3A_40 = arith.cmpi slt, %add3A_39, %lt3A : i32
      %convert_element_type3A = arith.extui %lt3A_40 : i1 to i32
      %cond3A = arith.constant 0 : i32
      %cond3A_41 = arith.cmpi ne, %convert_element_type3A, %cond3A : i32
      scf.if %cond3A_41 {
        %mul3A_43 = arith.constant 80 : i32
        %mul3A_44 = arith.muli %add3A_39, %mul3A_43 : i32
        "tpu.region"() ({
          %run_scoped3A = tpu.sem_alloc : memref<!tpu.dma_semaphore, #tpu.memory_space<semaphore_mem>>
          %dma_start3A = arith.constant 0 : i32
          %dma_start3A_45 = tpu.memref_slice %arg7[%arg0, %mul3A_44, %dma_start3A] : memref<2x10000x128xf32, #tpu.memory_space<hbm>> -> memref<1x80x128xf32, #tpu.memory_space<hbm>>
          %dma_start3A_46 = tpu.memref_squeeze %dma_start3A_45 : memref<1x80x128xf32, #tpu.memory_space<hbm>> -> memref<80x128xf32, #tpu.memory_space<hbm>>
          %dma_start3A_47 = arith.constant 0 : i32
          %dma_start3A_48 = tpu.memref_slice %arg15[%mul3A_44, %dma_start3A_47] : memref<10000x128xf32, #tpu.memory_space<vmem_shared>> -> memref<80x128xf32, #tpu.memory_space<vmem_shared>>
          tpu.enqueue_dma source(%dma_start3A_48 : memref<80x128xf32, #tpu.memory_space<vmem_shared>>) target(%dma_start3A_46 : memref<80x128xf32, #tpu.memory_space<hbm>>) target_semaphore(%run_scoped3A : memref<!tpu.dma_semaphore, #tpu.memory_space<semaphore_mem>>)
          %dma_wait3A = arith.constant 0 : i32
          %dma_wait3A_49 = tpu.memref_slice %arg7[%arg0, %mul3A_44, %dma_wait3A] : memref<2x10000x128xf32, #tpu.memory_space<hbm>> -> memref<1x80x128xf32, #tpu.memory_space<hbm>>
          %dma_wait3A_50 = tpu.memref_squeeze %dma_wait3A_49 : memref<1x80x128xf32, #tpu.memory_space<hbm>> -> memref<80x128xf32, #tpu.memory_space<hbm>>
          %dma_wait3A_51 = arith.constant 0 : i32
          %dma_wait3A_52 = tpu.memref_slice %arg15[%mul3A_44, %dma_wait3A_51] : memref<10000x128xf32, #tpu.memory_space<vmem_shared>> -> memref<80x128xf32, #tpu.memory_space<vmem_shared>>
          tpu.wait_dma2 semaphore(%run_scoped3A : memref<!tpu.dma_semaphore, #tpu.memory_space<semaphore_mem>>) src(%dma_wait3A_52 : memref<80x128xf32, #tpu.memory_space<vmem_shared>>) dst(%dma_wait3A_50 : memref<80x128xf32, #tpu.memory_space<hbm>>)
          tpu.yield
        }) : () -> ()
      } else {
      }
      %scan3A_42 = arith.constant 0 : i32
      scf.yield %scan3A_42 : i32
    }
    %scan3A_30 = arith.constant 8 : i32
    %mul3A_31 = arith.constant 32 : i32
    %mul3A_32 = arith.muli %arg1, %mul3A_31 : i32
    %mul3A_33 = arith.constant 32 : i32
    %mul3A_34 = arith.muli %arg1, %mul3A_33 : i32
    "tpu.region"() ({
      %run_scoped3A = tpu.sem_alloc : memref<!tpu.dma_semaphore, #tpu.memory_space<semaphore_mem>>
      %dma_start3A = arith.constant 0 : i32
      %dma_start3A_35 = tpu.memref_slice %arg8[%arg0, %mul3A_34, %dma_start3A] : memref<2x512x128xf32, #tpu.memory_space<hbm>> -> memref<1x32x128xf32, #tpu.memory_space<hbm>>
      %dma_start3A_36 = tpu.memref_squeeze %dma_start3A_35 : memref<1x32x128xf32, #tpu.memory_space<hbm>> -> memref<32x128xf32, #tpu.memory_space<hbm>>
      %dma_start3A_37 = arith.constant 0 : i32
      %dma_start3A_38 = tpu.memref_slice %arg16[%mul3A_32, %dma_start3A_37] : memref<512x128xf32, #tpu.memory_space<vmem_shared>> -> memref<32x128xf32, #tpu.memory_space<vmem_shared>>
      tpu.enqueue_dma source(%dma_start3A_38 : memref<32x128xf32, #tpu.memory_space<vmem_shared>>) target(%dma_start3A_36 : memref<32x128xf32, #tpu.memory_space<hbm>>) target_semaphore(%run_scoped3A : memref<!tpu.dma_semaphore, #tpu.memory_space<semaphore_mem>>)
      %dma_wait3A = arith.constant 0 : i32
      %dma_wait3A_39 = tpu.memref_slice %arg8[%arg0, %mul3A_34, %dma_wait3A] : memref<2x512x128xf32, #tpu.memory_space<hbm>> -> memref<1x32x128xf32, #tpu.memory_space<hbm>>
      %dma_wait3A_40 = tpu.memref_squeeze %dma_wait3A_39 : memref<1x32x128xf32, #tpu.memory_space<hbm>> -> memref<32x128xf32, #tpu.memory_space<hbm>>
      %dma_wait3A_41 = arith.constant 0 : i32
      %dma_wait3A_42 = tpu.memref_slice %arg16[%mul3A_32, %dma_wait3A_41] : memref<512x128xf32, #tpu.memory_space<vmem_shared>> -> memref<32x128xf32, #tpu.memory_space<vmem_shared>>
      tpu.wait_dma2 semaphore(%run_scoped3A : memref<!tpu.dma_semaphore, #tpu.memory_space<semaphore_mem>>) src(%dma_wait3A_42 : memref<32x128xf32, #tpu.memory_space<vmem_shared>>) dst(%dma_wait3A_40 : memref<32x128xf32, #tpu.memory_space<hbm>>)
      tpu.yield
    }) : () -> ()
    return
  }
}

#map = affine_map<(d0, d1) -> (0, 0)>
#map1 = affine_map<(d0, d1) -> (0, 0, 0, 0)>
#map2 = affine_map<(d0, d1) -> (0)>
#map3 = affine_map<(d0, d1) -> (0, 0, 0)>
module attributes {stable_mosaic.version = 14 : i64} {
  func.func @_seg_body(%arg0: i32, %arg1: i32, %arg2: memref<10000x128xf32, #tpu.memory_space<hbm>>, %arg3: memref<32x5x25x80xi32, #tpu.memory_space<hbm>>, %arg4: memref<32x5x25x80xi32, #tpu.memory_space<hbm>>, %arg5: memref<10000xi32, #tpu.memory_space<hbm>>, %arg6: memref<80x128xf32, #tpu.memory_space<hbm>>, %arg7: memref<2x10000x128xf32, #tpu.memory_space<hbm>>, %arg8: memref<2x512x128xf32, #tpu.memory_space<hbm>>, %arg9: memref<25x80xi32, #tpu.memory_space<vmem>>, %arg10: memref<25x80xi32, #tpu.memory_space<vmem>>, %arg11: memref<80xi32, #tpu.memory_space<vmem>>, %arg12: memref<2x80x128xf32, #tpu.memory_space<vmem>>, %arg13: memref<!tpu.dma_semaphore, #tpu.memory_space<semaphore_mem>>, %arg14: memref<!tpu.dma_semaphore, #tpu.memory_space<semaphore_mem>>, %arg15: memref<10000x128xf32, #tpu.memory_space<vmem_shared>>, %arg16: memref<512x128xf32, #tpu.memory_space<vmem_shared>>) attributes {dimension_semantics = [#tpu.dimension_semantics<core_parallel>, #tpu.dimension_semantics<subcore_parallel>], iteration_bounds = array<i64: 2, 16>, scalar_prefetch = 0 : i64, scratch_operands = 8 : i64, tpu.core_type = #tpu.core_type<sc_vector_subcore>, window_params = [{transform_indices = #map}, {transform_indices = #map1}, {transform_indices = #map1}, {transform_indices = #map2}, {transform_indices = #map}, {transform_indices = #map3}, {transform_indices = #map3}]} {
    %mul3A = arith.constant 2 : i32
    %mul3A_0 = arith.muli %arg1, %mul3A : i32
    %add3A = arith.addi %mul3A_0, %arg0 : i32
    %scan3A = arith.constant 0 : i32
    %scan3A_1 = arith.constant 0 : i32
    %scan3A_2 = arith.constant 8 : i32
    %scan3A_3 = arith.addi %scan3A_1, %scan3A_2 : i32
    %scan3A_4 = arith.constant 1 : i32
    %scan3A_5 = scf.for %scan3A_35 = %scan3A_1 to %scan3A_3 step %scan3A_4 iter_args(%scan3A_36 = %scan3A) -> (i32)  : i32 {
      %mul3A_37 = arith.constant 16 : i32
      %mul3A_38 = arith.muli %scan3A_35, %mul3A_37 : i32
      %add3A_39 = arith.addi %arg1, %mul3A_38 : i32
      %lt3A = arith.constant 125 : i32
      %lt3A_40 = arith.cmpi slt, %add3A_39, %lt3A : i32
      %convert_element_type3A = arith.extui %lt3A_40 : i1 to i32
      %cond3A = arith.constant 0 : i32
      %cond3A_41 = arith.cmpi ne, %convert_element_type3A, %cond3A : i32
      scf.if %cond3A_41 {
        %mul3A_43 = arith.constant 80 : i32
        %mul3A_44 = arith.muli %add3A_39, %mul3A_43 : i32
        "tpu.region"() ({
          %run_scoped3A = tpu.sem_alloc : memref<!tpu.dma_semaphore, #tpu.memory_space<semaphore_mem>>
          %dma_start3A = arith.constant 0 : i32
          %dma_start3A_45 = tpu.memref_slice %arg15[%mul3A_44, %dma_start3A] : memref<10000x128xf32, #tpu.memory_space<vmem_shared>> -> memref<80x128xf32, #tpu.memory_space<vmem_shared>>
          tpu.enqueue_dma source(%arg6 : memref<80x128xf32, #tpu.memory_space<hbm>>) target(%dma_start3A_45 : memref<80x128xf32, #tpu.memory_space<vmem_shared>>) target_semaphore(%run_scoped3A : memref<!tpu.dma_semaphore, #tpu.memory_space<semaphore_mem>>)
          %dma_wait3A = arith.constant 0 : i32
          %dma_wait3A_46 = tpu.memref_slice %arg15[%mul3A_44, %dma_wait3A] : memref<10000x128xf32, #tpu.memory_space<vmem_shared>> -> memref<80x128xf32, #tpu.memory_space<vmem_shared>>
          tpu.wait_dma2 semaphore(%run_scoped3A : memref<!tpu.dma_semaphore, #tpu.memory_space<semaphore_mem>>) src(%arg6 : memref<80x128xf32, #tpu.memory_space<hbm>>) dst(%dma_wait3A_46 : memref<80x128xf32, #tpu.memory_space<vmem_shared>>)
          tpu.yield
        }) : () -> ()
      } else {
      }
      %scan3A_42 = arith.constant 0 : i32
      scf.yield %scan3A_42 : i32
    }
    %scan3A_6 = arith.constant 8 : i32
    %mul3A_7 = arith.constant 32 : i32
    %mul3A_8 = arith.muli %arg1, %mul3A_7 : i32
    "tpu.region"() ({
      %run_scoped3A = tpu.sem_alloc : memref<!tpu.dma_semaphore, #tpu.memory_space<semaphore_mem>>
      %dma_start3A = arith.constant 0 : i32
      %dma_start3A_35 = tpu.memref_slice %arg16[%mul3A_8, %dma_start3A] : memref<512x128xf32, #tpu.memory_space<vmem_shared>> -> memref<32x128xf32, #tpu.memory_space<vmem_shared>>
      %dma_start3A_36 = arith.constant 0 : i32
      %dma_start3A_37 = arith.constant 0 : i32
      %dma_start3A_38 = tpu.memref_slice %arg6[%dma_start3A_36, %dma_start3A_37] : memref<80x128xf32, #tpu.memory_space<hbm>> -> memref<32x128xf32, #tpu.memory_space<hbm>>
      tpu.enqueue_dma source(%dma_start3A_38 : memref<32x128xf32, #tpu.memory_space<hbm>>) target(%dma_start3A_35 : memref<32x128xf32, #tpu.memory_space<vmem_shared>>) target_semaphore(%run_scoped3A : memref<!tpu.dma_semaphore, #tpu.memory_space<semaphore_mem>>)
      %dma_wait3A = arith.constant 0 : i32
      %dma_wait3A_39 = tpu.memref_slice %arg16[%mul3A_8, %dma_wait3A] : memref<512x128xf32, #tpu.memory_space<vmem_shared>> -> memref<32x128xf32, #tpu.memory_space<vmem_shared>>
      %dma_wait3A_40 = arith.constant 0 : i32
      %dma_wait3A_41 = arith.constant 0 : i32
      %dma_wait3A_42 = tpu.memref_slice %arg6[%dma_wait3A_40, %dma_wait3A_41] : memref<80x128xf32, #tpu.memory_space<hbm>> -> memref<32x128xf32, #tpu.memory_space<hbm>>
      tpu.wait_dma2 semaphore(%run_scoped3A : memref<!tpu.dma_semaphore, #tpu.memory_space<semaphore_mem>>) src(%dma_wait3A_42 : memref<32x128xf32, #tpu.memory_space<hbm>>) dst(%dma_wait3A_39 : memref<32x128xf32, #tpu.memory_space<vmem_shared>>)
      tpu.yield
    }) : () -> ()
    %barrier3A = arith.constant 0 : index
    tpu.barrier barrier_id(%barrier3A)
    %scan3A_9 = arith.constant 0 : i32
    %scan3A_10 = arith.constant 0 : i32
    %scan3A_11 = arith.constant 5 : i32
    %scan3A_12 = arith.addi %scan3A_10, %scan3A_11 : i32
    %scan3A_13 = arith.constant 1 : i32
    %scan3A_14 = scf.for %scan3A_35 = %scan3A_10 to %scan3A_12 step %scan3A_13 iter_args(%scan3A_36 = %scan3A_9) -> (i32)  : i32 {
      "tpu.region"() ({
        %run_scoped3A = tpu.sem_alloc : memref<!tpu.dma_semaphore, #tpu.memory_space<semaphore_mem>>
        %dma_start3A_68 = arith.constant 0 : i32
        %dma_start3A_69 = arith.constant 0 : i32
        %dma_start3A_70 = tpu.memref_slice %arg3[%add3A, %scan3A_35, %dma_start3A_68, %dma_start3A_69] : memref<32x5x25x80xi32, #tpu.memory_space<hbm>> -> memref<1x1x25x80xi32, #tpu.memory_space<hbm>>
        %dma_start3A_71 = tpu.memref_squeeze %dma_start3A_70 : memref<1x1x25x80xi32, #tpu.memory_space<hbm>> -> memref<25x80xi32, #tpu.memory_space<hbm>>
        %dma_start3A_72 = arith.constant 0 : i32
        %dma_start3A_73 = arith.constant 0 : i32
        %dma_start3A_74 = tpu.memref_slice %arg3[%add3A, %scan3A_35, %dma_start3A_72, %dma_start3A_73] : memref<32x5x25x80xi32, #tpu.memory_space<hbm>> -> memref<1x1x25x80xi32, #tpu.memory_space<hbm>>
        %dma_start3A_75 = tpu.memref_squeeze %dma_start3A_74 : memref<1x1x25x80xi32, #tpu.memory_space<hbm>> -> memref<25x80xi32, #tpu.memory_space<hbm>>
        tpu.enqueue_dma source(%dma_start3A_75 : memref<25x80xi32, #tpu.memory_space<hbm>>) target(%arg9 : memref<25x80xi32, #tpu.memory_space<vmem>>) target_semaphore(%run_scoped3A : memref<!tpu.dma_semaphore, #tpu.memory_space<semaphore_mem>>)
        %dma_wait3A = arith.constant 0 : i32
        %dma_wait3A_76 = arith.constant 0 : i32
        %dma_wait3A_77 = tpu.memref_slice %arg3[%add3A, %scan3A_35, %dma_wait3A, %dma_wait3A_76] : memref<32x5x25x80xi32, #tpu.memory_space<hbm>> -> memref<1x1x25x80xi32, #tpu.memory_space<hbm>>
        %dma_wait3A_78 = tpu.memref_squeeze %dma_wait3A_77 : memref<1x1x25x80xi32, #tpu.memory_space<hbm>> -> memref<25x80xi32, #tpu.memory_space<hbm>>
        %dma_wait3A_79 = arith.constant 0 : i32
        %dma_wait3A_80 = arith.constant 0 : i32
        %dma_wait3A_81 = tpu.memref_slice %arg3[%add3A, %scan3A_35, %dma_wait3A_79, %dma_wait3A_80] : memref<32x5x25x80xi32, #tpu.memory_space<hbm>> -> memref<1x1x25x80xi32, #tpu.memory_space<hbm>>
        %dma_wait3A_82 = tpu.memref_squeeze %dma_wait3A_81 : memref<1x1x25x80xi32, #tpu.memory_space<hbm>> -> memref<25x80xi32, #tpu.memory_space<hbm>>
        tpu.wait_dma2 semaphore(%run_scoped3A : memref<!tpu.dma_semaphore, #tpu.memory_space<semaphore_mem>>) src(%dma_wait3A_82 : memref<25x80xi32, #tpu.memory_space<hbm>>) dst(%arg9 : memref<25x80xi32, #tpu.memory_space<vmem>>)
        tpu.yield
      }) : () -> ()
      "tpu.region"() ({
        %run_scoped3A = tpu.sem_alloc : memref<!tpu.dma_semaphore, #tpu.memory_space<semaphore_mem>>
        %dma_start3A_68 = arith.constant 0 : i32
        %dma_start3A_69 = arith.constant 0 : i32
        %dma_start3A_70 = tpu.memref_slice %arg4[%add3A, %scan3A_35, %dma_start3A_68, %dma_start3A_69] : memref<32x5x25x80xi32, #tpu.memory_space<hbm>> -> memref<1x1x25x80xi32, #tpu.memory_space<hbm>>
        %dma_start3A_71 = tpu.memref_squeeze %dma_start3A_70 : memref<1x1x25x80xi32, #tpu.memory_space<hbm>> -> memref<25x80xi32, #tpu.memory_space<hbm>>
        %dma_start3A_72 = arith.constant 0 : i32
        %dma_start3A_73 = arith.constant 0 : i32
        %dma_start3A_74 = tpu.memref_slice %arg4[%add3A, %scan3A_35, %dma_start3A_72, %dma_start3A_73] : memref<32x5x25x80xi32, #tpu.memory_space<hbm>> -> memref<1x1x25x80xi32, #tpu.memory_space<hbm>>
        %dma_start3A_75 = tpu.memref_squeeze %dma_start3A_74 : memref<1x1x25x80xi32, #tpu.memory_space<hbm>> -> memref<25x80xi32, #tpu.memory_space<hbm>>
        tpu.enqueue_dma source(%dma_start3A_75 : memref<25x80xi32, #tpu.memory_space<hbm>>) target(%arg10 : memref<25x80xi32, #tpu.memory_space<vmem>>) target_semaphore(%run_scoped3A : memref<!tpu.dma_semaphore, #tpu.memory_space<semaphore_mem>>)
        %dma_wait3A = arith.constant 0 : i32
        %dma_wait3A_76 = arith.constant 0 : i32
        %dma_wait3A_77 = tpu.memref_slice %arg4[%add3A, %scan3A_35, %dma_wait3A, %dma_wait3A_76] : memref<32x5x25x80xi32, #tpu.memory_space<hbm>> -> memref<1x1x25x80xi32, #tpu.memory_space<hbm>>
        %dma_wait3A_78 = tpu.memref_squeeze %dma_wait3A_77 : memref<1x1x25x80xi32, #tpu.memory_space<hbm>> -> memref<25x80xi32, #tpu.memory_space<hbm>>
        %dma_wait3A_79 = arith.constant 0 : i32
        %dma_wait3A_80 = arith.constant 0 : i32
        %dma_wait3A_81 = tpu.memref_slice %arg4[%add3A, %scan3A_35, %dma_wait3A_79, %dma_wait3A_80] : memref<32x5x25x80xi32, #tpu.memory_space<hbm>> -> memref<1x1x25x80xi32, #tpu.memory_space<hbm>>
        %dma_wait3A_82 = tpu.memref_squeeze %dma_wait3A_81 : memref<1x1x25x80xi32, #tpu.memory_space<hbm>> -> memref<25x80xi32, #tpu.memory_space<hbm>>
        tpu.wait_dma2 semaphore(%run_scoped3A : memref<!tpu.dma_semaphore, #tpu.memory_space<semaphore_mem>>) src(%dma_wait3A_82 : memref<25x80xi32, #tpu.memory_space<hbm>>) dst(%arg10 : memref<25x80xi32, #tpu.memory_space<vmem>>)
        tpu.yield
      }) : () -> ()
      %dma_start3A = arith.constant 0 : i32
      %dma_start3A_37 = arith.constant 0 : i32
      %dma_start3A_38 = arith.constant 0 : i32
      %dma_start3A_39 = arith.constant 0 : i32
      %dma_start3A_40 = tpu.memref_slice %arg12[%dma_start3A_37, %dma_start3A_38, %dma_start3A_39] : memref<2x80x128xf32, #tpu.memory_space<vmem>> -> memref<1x80x128xf32, #tpu.memory_space<vmem>>
      %dma_start3A_41 = tpu.memref_squeeze %dma_start3A_40 : memref<1x80x128xf32, #tpu.memory_space<vmem>> -> memref<80x128xf32, #tpu.memory_space<vmem>>
      %dma_start3A_42 = arith.constant 0 : i32
      %dma_start3A_43 = tpu.memref_slice %arg9[%dma_start3A, %dma_start3A_42] : memref<25x80xi32, #tpu.memory_space<vmem>> -> memref<1x80xi32, #tpu.memory_space<vmem>>
      %dma_start3A_44 = tpu.memref_squeeze %dma_start3A_43 : memref<1x80xi32, #tpu.memory_space<vmem>> -> memref<80xi32, #tpu.memory_space<vmem>>
      %dma_start3A_45 = arith.constant 0 : i32
      %dma_start3A_46 = arith.constant 0 : i32
      %dma_start3A_47 = tpu.memref_slice %arg2[%dma_start3A_45, %dma_start3A_46] : memref<10000x128xf32, #tpu.memory_space<hbm>> -> memref<10000x128xf32, #tpu.memory_space<hbm>>
      tpu.enqueue_indirect_dma source(%dma_start3A_47 : memref<10000x128xf32, #tpu.memory_space<hbm>>) target(%dma_start3A_41 : memref<80x128xf32, #tpu.memory_space<vmem>>) offsets(%dma_start3A_44 : memref<80xi32, #tpu.memory_space<vmem>>) semaphore(%arg13 : memref<!tpu.dma_semaphore, #tpu.memory_space<semaphore_mem>>)
      %dma_start3A_48 = arith.constant 1 : i32
      %dma_start3A_49 = arith.constant 1 : i32
      %dma_start3A_50 = arith.constant 0 : i32
      %dma_start3A_51 = arith.constant 0 : i32
      %dma_start3A_52 = tpu.memref_slice %arg12[%dma_start3A_49, %dma_start3A_50, %dma_start3A_51] : memref<2x80x128xf32, #tpu.memory_space<vmem>> -> memref<1x80x128xf32, #tpu.memory_space<vmem>>
      %dma_start3A_53 = tpu.memref_squeeze %dma_start3A_52 : memref<1x80x128xf32, #tpu.memory_space<vmem>> -> memref<80x128xf32, #tpu.memory_space<vmem>>
      %dma_start3A_54 = arith.constant 0 : i32
      %dma_start3A_55 = tpu.memref_slice %arg9[%dma_start3A_48, %dma_start3A_54] : memref<25x80xi32, #tpu.memory_space<vmem>> -> memref<1x80xi32, #tpu.memory_space<vmem>>
      %dma_start3A_56 = tpu.memref_squeeze %dma_start3A_55 : memref<1x80xi32, #tpu.memory_space<vmem>> -> memref<80xi32, #tpu.memory_space<vmem>>
      %dma_start3A_57 = arith.constant 0 : i32
      %dma_start3A_58 = arith.constant 0 : i32
      %dma_start3A_59 = tpu.memref_slice %arg2[%dma_start3A_57, %dma_start3A_58] : memref<10000x128xf32, #tpu.memory_space<hbm>> -> memref<10000x128xf32, #tpu.memory_space<hbm>>
      tpu.enqueue_indirect_dma source(%dma_start3A_59 : memref<10000x128xf32, #tpu.memory_space<hbm>>) target(%dma_start3A_53 : memref<80x128xf32, #tpu.memory_space<vmem>>) offsets(%dma_start3A_56 : memref<80xi32, #tpu.memory_space<vmem>>) semaphore(%arg14 : memref<!tpu.dma_semaphore, #tpu.memory_space<semaphore_mem>>)
      %scan3A_60 = arith.constant 0 : i32
      %scan3A_61 = arith.constant 0 : i32
      %scan3A_62 = arith.constant 13 : i32
      %scan3A_63 = arith.addi %scan3A_61, %scan3A_62 : i32
      %scan3A_64 = arith.constant 1 : i32
      %scan3A_65 = scf.for %scan3A_68 = %scan3A_61 to %scan3A_63 step %scan3A_64 iter_args(%scan3A_69 = %scan3A_60) -> (i32)  : i32 {
        %mul3A_70 = arith.constant 2 : i32
        %mul3A_71 = arith.muli %scan3A_68, %mul3A_70 : i32
        %add3A_72 = arith.constant 0 : i32
        %add3A_73 = arith.addi %mul3A_71, %add3A_72 : i32
        %lt3A = arith.constant 25 : i32
        %lt3A_74 = arith.cmpi slt, %add3A_73, %lt3A : i32
        %convert_element_type3A = arith.extui %lt3A_74 : i1 to i32
        %cond3A = arith.constant 0 : i32
        %cond3A_75 = arith.cmpi ne, %convert_element_type3A, %cond3A : i32
        scf.if %cond3A_75 {
          %dma_wait3A = arith.constant 0 : i32
          %dma_wait3A_86 = arith.constant 0 : i32
          %dma_wait3A_87 = arith.constant 0 : i32
          %dma_wait3A_88 = tpu.memref_slice %arg12[%dma_wait3A, %dma_wait3A_86, %dma_wait3A_87] : memref<2x80x128xf32, #tpu.memory_space<vmem>> -> memref<1x80x128xf32, #tpu.memory_space<vmem>>
          %dma_wait3A_89 = tpu.memref_squeeze %dma_wait3A_88 : memref<1x80x128xf32, #tpu.memory_space<vmem>> -> memref<80x128xf32, #tpu.memory_space<vmem>>
          %dma_wait3A_90 = arith.constant 0 : i32
          %dma_wait3A_91 = tpu.memref_slice %arg9[%add3A_73, %dma_wait3A_90] : memref<25x80xi32, #tpu.memory_space<vmem>> -> memref<1x80xi32, #tpu.memory_space<vmem>>
          %dma_wait3A_92 = tpu.memref_squeeze %dma_wait3A_91 : memref<1x80xi32, #tpu.memory_space<vmem>> -> memref<80xi32, #tpu.memory_space<vmem>>
          %dma_wait3A_93 = arith.constant 0 : i32
          %dma_wait3A_94 = arith.constant 0 : i32
          %dma_wait3A_95 = tpu.memref_slice %arg2[%dma_wait3A_93, %dma_wait3A_94] : memref<10000x128xf32, #tpu.memory_space<hbm>> -> memref<10000x128xf32, #tpu.memory_space<hbm>>
          tpu.wait_indirect_dma semaphore(%arg13 : memref<!tpu.dma_semaphore, #tpu.memory_space<semaphore_mem>>) src(%dma_wait3A_95 : memref<10000x128xf32, #tpu.memory_space<hbm>>) dst(%dma_wait3A_89 : memref<80x128xf32, #tpu.memory_space<vmem>>)
          %run_scoped3A = arith.constant 0 : i32
          "tpu.region"() ({
            %run_scoped3A_103 = tpu.sem_alloc : memref<!tpu.dma_semaphore, #tpu.memory_space<semaphore_mem>>
            %dma_start3A_104 = arith.constant 0 : i32
            %dma_start3A_105 = arith.constant 0 : i32
            %dma_start3A_106 = tpu.memref_slice %arg12[%run_scoped3A, %dma_start3A_104, %dma_start3A_105] : memref<2x80x128xf32, #tpu.memory_space<vmem>> -> memref<1x80x128xf32, #tpu.memory_space<vmem>>
            %dma_start3A_107 = tpu.memref_squeeze %dma_start3A_106 : memref<1x80x128xf32, #tpu.memory_space<vmem>> -> memref<80x128xf32, #tpu.memory_space<vmem>>
            %dma_start3A_108 = arith.constant 0 : i32
            %dma_start3A_109 = tpu.memref_slice %arg10[%add3A_73, %dma_start3A_108] : memref<25x80xi32, #tpu.memory_space<vmem>> -> memref<1x80xi32, #tpu.memory_space<vmem>>
            %dma_start3A_110 = tpu.memref_squeeze %dma_start3A_109 : memref<1x80xi32, #tpu.memory_space<vmem>> -> memref<80xi32, #tpu.memory_space<vmem>>
            %dma_start3A_111 = arith.constant 0 : i32
            %dma_start3A_112 = arith.constant 0 : i32
            %dma_start3A_113 = tpu.memref_slice %arg15[%dma_start3A_111, %dma_start3A_112] : memref<10000x128xf32, #tpu.memory_space<vmem_shared>> -> memref<10000x128xf32, #tpu.memory_space<vmem_shared>>
            tpu.enqueue_indirect_dma source(%dma_start3A_107 : memref<80x128xf32, #tpu.memory_space<vmem>>) target(%dma_start3A_113 : memref<10000x128xf32, #tpu.memory_space<vmem_shared>>) offsets(%dma_start3A_110 : memref<80xi32, #tpu.memory_space<vmem>>) semaphore(%run_scoped3A_103 : memref<!tpu.dma_semaphore, #tpu.memory_space<semaphore_mem>>) {add = true}
            %dma_wait3A_114 = arith.constant 0 : i32
            %dma_wait3A_115 = arith.constant 0 : i32
            %dma_wait3A_116 = tpu.memref_slice %arg12[%run_scoped3A, %dma_wait3A_114, %dma_wait3A_115] : memref<2x80x128xf32, #tpu.memory_space<vmem>> -> memref<1x80x128xf32, #tpu.memory_space<vmem>>
            %dma_wait3A_117 = tpu.memref_squeeze %dma_wait3A_116 : memref<1x80x128xf32, #tpu.memory_space<vmem>> -> memref<80x128xf32, #tpu.memory_space<vmem>>
            %dma_wait3A_118 = arith.constant 0 : i32
            %dma_wait3A_119 = tpu.memref_slice %arg10[%add3A_73, %dma_wait3A_118] : memref<25x80xi32, #tpu.memory_space<vmem>> -> memref<1x80xi32, #tpu.memory_space<vmem>>
            %dma_wait3A_120 = tpu.memref_squeeze %dma_wait3A_119 : memref<1x80xi32, #tpu.memory_space<vmem>> -> memref<80xi32, #tpu.memory_space<vmem>>
            %dma_wait3A_121 = arith.constant 0 : i32
            %dma_wait3A_122 = arith.constant 0 : i32
            %dma_wait3A_123 = tpu.memref_slice %arg15[%dma_wait3A_121, %dma_wait3A_122] : memref<10000x128xf32, #tpu.memory_space<vmem_shared>> -> memref<10000x128xf32, #tpu.memory_space<vmem_shared>>
            tpu.wait_indirect_dma semaphore(%run_scoped3A_103 : memref<!tpu.dma_semaphore, #tpu.memory_space<semaphore_mem>>) src(%dma_wait3A_117 : memref<80x128xf32, #tpu.memory_space<vmem>>) dst(%dma_wait3A_123 : memref<10000x128xf32, #tpu.memory_space<vmem_shared>>)
            tpu.yield
          }) : () -> ()
          %add3A_96 = arith.constant 2 : i32
          %add3A_97 = arith.addi %add3A_73, %add3A_96 : i32
          %lt3A_98 = arith.constant 25 : i32
          %lt3A_99 = arith.cmpi slt, %add3A_97, %lt3A_98 : i32
          %convert_element_type3A_100 = arith.extui %lt3A_99 : i1 to i32
          %cond3A_101 = arith.constant 0 : i32
          %cond3A_102 = arith.cmpi ne, %convert_element_type3A_100, %cond3A_101 : i32
          scf.if %cond3A_102 {
            %add3A_103 = arith.constant 2 : i32
            %add3A_104 = arith.addi %add3A_73, %add3A_103 : i32
            %dma_start3A_105 = arith.constant 0 : i32
            %dma_start3A_106 = arith.constant 0 : i32
            %dma_start3A_107 = arith.constant 0 : i32
            %dma_start3A_108 = tpu.memref_slice %arg12[%dma_start3A_105, %dma_start3A_106, %dma_start3A_107] : memref<2x80x128xf32, #tpu.memory_space<vmem>> -> memref<1x80x128xf32, #tpu.memory_space<vmem>>
            %dma_start3A_109 = tpu.memref_squeeze %dma_start3A_108 : memref<1x80x128xf32, #tpu.memory_space<vmem>> -> memref<80x128xf32, #tpu.memory_space<vmem>>
            %dma_start3A_110 = arith.constant 0 : i32
            %dma_start3A_111 = tpu.memref_slice %arg9[%add3A_104, %dma_start3A_110] : memref<25x80xi32, #tpu.memory_space<vmem>> -> memref<1x80xi32, #tpu.memory_space<vmem>>
            %dma_start3A_112 = tpu.memref_squeeze %dma_start3A_111 : memref<1x80xi32, #tpu.memory_space<vmem>> -> memref<80xi32, #tpu.memory_space<vmem>>
            %dma_start3A_113 = arith.constant 0 : i32
            %dma_start3A_114 = arith.constant 0 : i32
            %dma_start3A_115 = tpu.memref_slice %arg2[%dma_start3A_113, %dma_start3A_114] : memref<10000x128xf32, #tpu.memory_space<hbm>> -> memref<10000x128xf32, #tpu.memory_space<hbm>>
            tpu.enqueue_indirect_dma source(%dma_start3A_115 : memref<10000x128xf32, #tpu.memory_space<hbm>>) target(%dma_start3A_109 : memref<80x128xf32, #tpu.memory_space<vmem>>) offsets(%dma_start3A_112 : memref<80xi32, #tpu.memory_space<vmem>>) semaphore(%arg13 : memref<!tpu.dma_semaphore, #tpu.memory_space<semaphore_mem>>)
          } else {
          }
        } else {
        }
        %mul3A_76 = arith.constant 2 : i32
        %mul3A_77 = arith.muli %scan3A_68, %mul3A_76 : i32
        %add3A_78 = arith.constant 1 : i32
        %add3A_79 = arith.addi %mul3A_77, %add3A_78 : i32
        %lt3A_80 = arith.constant 25 : i32
        %lt3A_81 = arith.cmpi slt, %add3A_79, %lt3A_80 : i32
        %convert_element_type3A_82 = arith.extui %lt3A_81 : i1 to i32
        %cond3A_83 = arith.constant 0 : i32
        %cond3A_84 = arith.cmpi ne, %convert_element_type3A_82, %cond3A_83 : i32
        scf.if %cond3A_84 {
          %dma_wait3A = arith.constant 1 : i32
          %dma_wait3A_86 = arith.constant 0 : i32
          %dma_wait3A_87 = arith.constant 0 : i32
          %dma_wait3A_88 = tpu.memref_slice %arg12[%dma_wait3A, %dma_wait3A_86, %dma_wait3A_87] : memref<2x80x128xf32, #tpu.memory_space<vmem>> -> memref<1x80x128xf32, #tpu.memory_space<vmem>>
          %dma_wait3A_89 = tpu.memref_squeeze %dma_wait3A_88 : memref<1x80x128xf32, #tpu.memory_space<vmem>> -> memref<80x128xf32, #tpu.memory_space<vmem>>
          %dma_wait3A_90 = arith.constant 0 : i32
          %dma_wait3A_91 = tpu.memref_slice %arg9[%add3A_79, %dma_wait3A_90] : memref<25x80xi32, #tpu.memory_space<vmem>> -> memref<1x80xi32, #tpu.memory_space<vmem>>
          %dma_wait3A_92 = tpu.memref_squeeze %dma_wait3A_91 : memref<1x80xi32, #tpu.memory_space<vmem>> -> memref<80xi32, #tpu.memory_space<vmem>>
          %dma_wait3A_93 = arith.constant 0 : i32
          %dma_wait3A_94 = arith.constant 0 : i32
          %dma_wait3A_95 = tpu.memref_slice %arg2[%dma_wait3A_93, %dma_wait3A_94] : memref<10000x128xf32, #tpu.memory_space<hbm>> -> memref<10000x128xf32, #tpu.memory_space<hbm>>
          tpu.wait_indirect_dma semaphore(%arg14 : memref<!tpu.dma_semaphore, #tpu.memory_space<semaphore_mem>>) src(%dma_wait3A_95 : memref<10000x128xf32, #tpu.memory_space<hbm>>) dst(%dma_wait3A_89 : memref<80x128xf32, #tpu.memory_space<vmem>>)
          %run_scoped3A = arith.constant 1 : i32
          "tpu.region"() ({
            %run_scoped3A_103 = tpu.sem_alloc : memref<!tpu.dma_semaphore, #tpu.memory_space<semaphore_mem>>
            %dma_start3A_104 = arith.constant 0 : i32
            %dma_start3A_105 = arith.constant 0 : i32
            %dma_start3A_106 = tpu.memref_slice %arg12[%run_scoped3A, %dma_start3A_104, %dma_start3A_105] : memref<2x80x128xf32, #tpu.memory_space<vmem>> -> memref<1x80x128xf32, #tpu.memory_space<vmem>>
            %dma_start3A_107 = tpu.memref_squeeze %dma_start3A_106 : memref<1x80x128xf32, #tpu.memory_space<vmem>> -> memref<80x128xf32, #tpu.memory_space<vmem>>
            %dma_start3A_108 = arith.constant 0 : i32
            %dma_start3A_109 = tpu.memref_slice %arg10[%add3A_79, %dma_start3A_108] : memref<25x80xi32, #tpu.memory_space<vmem>> -> memref<1x80xi32, #tpu.memory_space<vmem>>
            %dma_start3A_110 = tpu.memref_squeeze %dma_start3A_109 : memref<1x80xi32, #tpu.memory_space<vmem>> -> memref<80xi32, #tpu.memory_space<vmem>>
            %dma_start3A_111 = arith.constant 0 : i32
            %dma_start3A_112 = arith.constant 0 : i32
            %dma_start3A_113 = tpu.memref_slice %arg15[%dma_start3A_111, %dma_start3A_112] : memref<10000x128xf32, #tpu.memory_space<vmem_shared>> -> memref<10000x128xf32, #tpu.memory_space<vmem_shared>>
            tpu.enqueue_indirect_dma source(%dma_start3A_107 : memref<80x128xf32, #tpu.memory_space<vmem>>) target(%dma_start3A_113 : memref<10000x128xf32, #tpu.memory_space<vmem_shared>>) offsets(%dma_start3A_110 : memref<80xi32, #tpu.memory_space<vmem>>) semaphore(%run_scoped3A_103 : memref<!tpu.dma_semaphore, #tpu.memory_space<semaphore_mem>>) {add = true}
            %dma_wait3A_114 = arith.constant 0 : i32
            %dma_wait3A_115 = arith.constant 0 : i32
            %dma_wait3A_116 = tpu.memref_slice %arg12[%run_scoped3A, %dma_wait3A_114, %dma_wait3A_115] : memref<2x80x128xf32, #tpu.memory_space<vmem>> -> memref<1x80x128xf32, #tpu.memory_space<vmem>>
            %dma_wait3A_117 = tpu.memref_squeeze %dma_wait3A_116 : memref<1x80x128xf32, #tpu.memory_space<vmem>> -> memref<80x128xf32, #tpu.memory_space<vmem>>
            %dma_wait3A_118 = arith.constant 0 : i32
            %dma_wait3A_119 = tpu.memref_slice %arg10[%add3A_79, %dma_wait3A_118] : memref<25x80xi32, #tpu.memory_space<vmem>> -> memref<1x80xi32, #tpu.memory_space<vmem>>
            %dma_wait3A_120 = tpu.memref_squeeze %dma_wait3A_119 : memref<1x80xi32, #tpu.memory_space<vmem>> -> memref<80xi32, #tpu.memory_space<vmem>>
            %dma_wait3A_121 = arith.constant 0 : i32
            %dma_wait3A_122 = arith.constant 0 : i32
            %dma_wait3A_123 = tpu.memref_slice %arg15[%dma_wait3A_121, %dma_wait3A_122] : memref<10000x128xf32, #tpu.memory_space<vmem_shared>> -> memref<10000x128xf32, #tpu.memory_space<vmem_shared>>
            tpu.wait_indirect_dma semaphore(%run_scoped3A_103 : memref<!tpu.dma_semaphore, #tpu.memory_space<semaphore_mem>>) src(%dma_wait3A_117 : memref<80x128xf32, #tpu.memory_space<vmem>>) dst(%dma_wait3A_123 : memref<10000x128xf32, #tpu.memory_space<vmem_shared>>)
            tpu.yield
          }) : () -> ()
          %add3A_96 = arith.constant 2 : i32
          %add3A_97 = arith.addi %add3A_79, %add3A_96 : i32
          %lt3A_98 = arith.constant 25 : i32
          %lt3A_99 = arith.cmpi slt, %add3A_97, %lt3A_98 : i32
          %convert_element_type3A_100 = arith.extui %lt3A_99 : i1 to i32
          %cond3A_101 = arith.constant 0 : i32
          %cond3A_102 = arith.cmpi ne, %convert_element_type3A_100, %cond3A_101 : i32
          scf.if %cond3A_102 {
            %add3A_103 = arith.constant 2 : i32
            %add3A_104 = arith.addi %add3A_79, %add3A_103 : i32
            %dma_start3A_105 = arith.constant 1 : i32
            %dma_start3A_106 = arith.constant 0 : i32
            %dma_start3A_107 = arith.constant 0 : i32
            %dma_start3A_108 = tpu.memref_slice %arg12[%dma_start3A_105, %dma_start3A_106, %dma_start3A_107] : memref<2x80x128xf32, #tpu.memory_space<vmem>> -> memref<1x80x128xf32, #tpu.memory_space<vmem>>
            %dma_start3A_109 = tpu.memref_squeeze %dma_start3A_108 : memref<1x80x128xf32, #tpu.memory_space<vmem>> -> memref<80x128xf32, #tpu.memory_space<vmem>>
            %dma_start3A_110 = arith.constant 0 : i32
            %dma_start3A_111 = tpu.memref_slice %arg9[%add3A_104, %dma_start3A_110] : memref<25x80xi32, #tpu.memory_space<vmem>> -> memref<1x80xi32, #tpu.memory_space<vmem>>
            %dma_start3A_112 = tpu.memref_squeeze %dma_start3A_111 : memref<1x80xi32, #tpu.memory_space<vmem>> -> memref<80xi32, #tpu.memory_space<vmem>>
            %dma_start3A_113 = arith.constant 0 : i32
            %dma_start3A_114 = arith.constant 0 : i32
            %dma_start3A_115 = tpu.memref_slice %arg2[%dma_start3A_113, %dma_start3A_114] : memref<10000x128xf32, #tpu.memory_space<hbm>> -> memref<10000x128xf32, #tpu.memory_space<hbm>>
            tpu.enqueue_indirect_dma source(%dma_start3A_115 : memref<10000x128xf32, #tpu.memory_space<hbm>>) target(%dma_start3A_109 : memref<80x128xf32, #tpu.memory_space<vmem>>) offsets(%dma_start3A_112 : memref<80xi32, #tpu.memory_space<vmem>>) semaphore(%arg14 : memref<!tpu.dma_semaphore, #tpu.memory_space<semaphore_mem>>)
          } else {
          }
        } else {
        }
        %scan3A_85 = arith.constant 0 : i32
        scf.yield %scan3A_85 : i32
      }
      %scan3A_66 = arith.constant 13 : i32
      %scan3A_67 = arith.constant 0 : i32
      scf.yield %scan3A_67 : i32
    }
    %scan3A_15 = arith.constant 5 : i32
    %scan3A_16 = arith.constant 0 : i32
    %scan3A_17 = arith.constant 0 : i32
    %scan3A_18 = arith.constant 4 : i32
    %scan3A_19 = arith.addi %scan3A_17, %scan3A_18 : i32
    %scan3A_20 = arith.constant 1 : i32
    %scan3A_21 = scf.for %scan3A_35 = %scan3A_17 to %scan3A_19 step %scan3A_20 iter_args(%scan3A_36 = %scan3A_16) -> (i32)  : i32 {
      %mul3A_37 = arith.constant 32 : i32
      %mul3A_38 = arith.muli %scan3A_35, %mul3A_37 : i32
      %add3A_39 = arith.addi %add3A, %mul3A_38 : i32
      %lt3A = arith.constant 125 : i32
      %lt3A_40 = arith.cmpi slt, %add3A_39, %lt3A : i32
      %convert_element_type3A = arith.extui %lt3A_40 : i1 to i32
      %cond3A = arith.constant 0 : i32
      %cond3A_41 = arith.cmpi ne, %convert_element_type3A, %cond3A : i32
      scf.if %cond3A_41 {
        %mul3A_43 = arith.constant 80 : i32
        %mul3A_44 = arith.muli %add3A_39, %mul3A_43 : i32
        "tpu.region"() ({
          %run_scoped3A_48 = tpu.sem_alloc : memref<!tpu.dma_semaphore, #tpu.memory_space<semaphore_mem>>
          %dma_start3A = tpu.memref_slice %arg5[%mul3A_44] : memref<10000xi32, #tpu.memory_space<hbm>> -> memref<80xi32, #tpu.memory_space<hbm>>
          %dma_start3A_49 = tpu.memref_slice %arg5[%mul3A_44] : memref<10000xi32, #tpu.memory_space<hbm>> -> memref<80xi32, #tpu.memory_space<hbm>>
          tpu.enqueue_dma source(%dma_start3A_49 : memref<80xi32, #tpu.memory_space<hbm>>) target(%arg11 : memref<80xi32, #tpu.memory_space<vmem>>) target_semaphore(%run_scoped3A_48 : memref<!tpu.dma_semaphore, #tpu.memory_space<semaphore_mem>>)
          %dma_wait3A = tpu.memref_slice %arg5[%mul3A_44] : memref<10000xi32, #tpu.memory_space<hbm>> -> memref<80xi32, #tpu.memory_space<hbm>>
          %dma_wait3A_50 = tpu.memref_slice %arg5[%mul3A_44] : memref<10000xi32, #tpu.memory_space<hbm>> -> memref<80xi32, #tpu.memory_space<hbm>>
          tpu.wait_dma2 semaphore(%run_scoped3A_48 : memref<!tpu.dma_semaphore, #tpu.memory_space<semaphore_mem>>) src(%dma_wait3A_50 : memref<80xi32, #tpu.memory_space<hbm>>) dst(%arg11 : memref<80xi32, #tpu.memory_space<vmem>>)
          tpu.yield
        }) : () -> ()
        %mul3A_45 = arith.constant 80 : i32
        %mul3A_46 = arith.muli %add3A_39, %mul3A_45 : i32
        %run_scoped3A = arith.constant 0 : i32
        "tpu.region"() ({
          %run_scoped3A_48 = tpu.sem_alloc : memref<!tpu.dma_semaphore, #tpu.memory_space<semaphore_mem>>
          %dma_start3A = arith.constant 0 : i32
          %dma_start3A_49 = arith.constant 0 : i32
          %dma_start3A_50 = tpu.memref_slice %arg12[%run_scoped3A, %dma_start3A, %dma_start3A_49] : memref<2x80x128xf32, #tpu.memory_space<vmem>> -> memref<1x80x128xf32, #tpu.memory_space<vmem>>
          %dma_start3A_51 = tpu.memref_squeeze %dma_start3A_50 : memref<1x80x128xf32, #tpu.memory_space<vmem>> -> memref<80x128xf32, #tpu.memory_space<vmem>>
          %dma_start3A_52 = arith.constant 0 : i32
          %dma_start3A_53 = tpu.memref_slice %arg2[%mul3A_46, %dma_start3A_52] : memref<10000x128xf32, #tpu.memory_space<hbm>> -> memref<80x128xf32, #tpu.memory_space<hbm>>
          %dma_start3A_54 = arith.constant 0 : i32
          %dma_start3A_55 = arith.constant 0 : i32
          %dma_start3A_56 = tpu.memref_slice %arg12[%run_scoped3A, %dma_start3A_54, %dma_start3A_55] : memref<2x80x128xf32, #tpu.memory_space<vmem>> -> memref<1x80x128xf32, #tpu.memory_space<vmem>>
          %dma_start3A_57 = tpu.memref_squeeze %dma_start3A_56 : memref<1x80x128xf32, #tpu.memory_space<vmem>> -> memref<80x128xf32, #tpu.memory_space<vmem>>
          %dma_start3A_58 = arith.constant 0 : i32
          %dma_start3A_59 = tpu.memref_slice %arg2[%mul3A_46, %dma_start3A_58] : memref<10000x128xf32, #tpu.memory_space<hbm>> -> memref<80x128xf32, #tpu.memory_space<hbm>>
          tpu.enqueue_dma source(%dma_start3A_59 : memref<80x128xf32, #tpu.memory_space<hbm>>) target(%dma_start3A_57 : memref<80x128xf32, #tpu.memory_space<vmem>>) target_semaphore(%run_scoped3A_48 : memref<!tpu.dma_semaphore, #tpu.memory_space<semaphore_mem>>)
          %dma_wait3A = arith.constant 0 : i32
          %dma_wait3A_60 = arith.constant 0 : i32
          %dma_wait3A_61 = tpu.memref_slice %arg12[%run_scoped3A, %dma_wait3A, %dma_wait3A_60] : memref<2x80x128xf32, #tpu.memory_space<vmem>> -> memref<1x80x128xf32, #tpu.memory_space<vmem>>
          %dma_wait3A_62 = tpu.memref_squeeze %dma_wait3A_61 : memref<1x80x128xf32, #tpu.memory_space<vmem>> -> memref<80x128xf32, #tpu.memory_space<vmem>>
          %dma_wait3A_63 = arith.constant 0 : i32
          %dma_wait3A_64 = tpu.memref_slice %arg2[%mul3A_46, %dma_wait3A_63] : memref<10000x128xf32, #tpu.memory_space<hbm>> -> memref<80x128xf32, #tpu.memory_space<hbm>>
          %dma_wait3A_65 = arith.constant 0 : i32
          %dma_wait3A_66 = arith.constant 0 : i32
          %dma_wait3A_67 = tpu.memref_slice %arg12[%run_scoped3A, %dma_wait3A_65, %dma_wait3A_66] : memref<2x80x128xf32, #tpu.memory_space<vmem>> -> memref<1x80x128xf32, #tpu.memory_space<vmem>>
          %dma_wait3A_68 = tpu.memref_squeeze %dma_wait3A_67 : memref<1x80x128xf32, #tpu.memory_space<vmem>> -> memref<80x128xf32, #tpu.memory_space<vmem>>
          %dma_wait3A_69 = arith.constant 0 : i32
          %dma_wait3A_70 = tpu.memref_slice %arg2[%mul3A_46, %dma_wait3A_69] : memref<10000x128xf32, #tpu.memory_space<hbm>> -> memref<80x128xf32, #tpu.memory_space<hbm>>
          tpu.wait_dma2 semaphore(%run_scoped3A_48 : memref<!tpu.dma_semaphore, #tpu.memory_space<semaphore_mem>>) src(%dma_wait3A_70 : memref<80x128xf32, #tpu.memory_space<hbm>>) dst(%dma_wait3A_68 : memref<80x128xf32, #tpu.memory_space<vmem>>)
          tpu.yield
        }) : () -> ()
        %run_scoped3A_47 = arith.constant 0 : i32
        "tpu.region"() ({
          %run_scoped3A_48 = tpu.sem_alloc : memref<!tpu.dma_semaphore, #tpu.memory_space<semaphore_mem>>
          %dma_start3A = arith.constant 0 : i32
          %dma_start3A_49 = arith.constant 0 : i32
          %dma_start3A_50 = tpu.memref_slice %arg12[%run_scoped3A_47, %dma_start3A, %dma_start3A_49] : memref<2x80x128xf32, #tpu.memory_space<vmem>> -> memref<1x80x128xf32, #tpu.memory_space<vmem>>
          %dma_start3A_51 = tpu.memref_squeeze %dma_start3A_50 : memref<1x80x128xf32, #tpu.memory_space<vmem>> -> memref<80x128xf32, #tpu.memory_space<vmem>>
          %dma_start3A_52 = arith.constant 0 : i32
          %dma_start3A_53 = arith.constant 0 : i32
          %dma_start3A_54 = tpu.memref_slice %arg16[%dma_start3A_52, %dma_start3A_53] : memref<512x128xf32, #tpu.memory_space<vmem_shared>> -> memref<512x128xf32, #tpu.memory_space<vmem_shared>>
          tpu.enqueue_indirect_dma source(%dma_start3A_51 : memref<80x128xf32, #tpu.memory_space<vmem>>) target(%dma_start3A_54 : memref<512x128xf32, #tpu.memory_space<vmem_shared>>) offsets(%arg11 : memref<80xi32, #tpu.memory_space<vmem>>) semaphore(%run_scoped3A_48 : memref<!tpu.dma_semaphore, #tpu.memory_space<semaphore_mem>>) {add = true}
          %dma_wait3A = arith.constant 0 : i32
          %dma_wait3A_55 = arith.constant 0 : i32
          %dma_wait3A_56 = tpu.memref_slice %arg12[%run_scoped3A_47, %dma_wait3A, %dma_wait3A_55] : memref<2x80x128xf32, #tpu.memory_space<vmem>> -> memref<1x80x128xf32, #tpu.memory_space<vmem>>
          %dma_wait3A_57 = tpu.memref_squeeze %dma_wait3A_56 : memref<1x80x128xf32, #tpu.memory_space<vmem>> -> memref<80x128xf32, #tpu.memory_space<vmem>>
          %dma_wait3A_58 = arith.constant 0 : i32
          %dma_wait3A_59 = arith.constant 0 : i32
          %dma_wait3A_60 = tpu.memref_slice %arg16[%dma_wait3A_58, %dma_wait3A_59] : memref<512x128xf32, #tpu.memory_space<vmem_shared>> -> memref<512x128xf32, #tpu.memory_space<vmem_shared>>
          tpu.wait_indirect_dma semaphore(%run_scoped3A_48 : memref<!tpu.dma_semaphore, #tpu.memory_space<semaphore_mem>>) src(%dma_wait3A_57 : memref<80x128xf32, #tpu.memory_space<vmem>>) dst(%dma_wait3A_60 : memref<512x128xf32, #tpu.memory_space<vmem_shared>>)
          tpu.yield
        }) : () -> ()
      } else {
      }
      %scan3A_42 = arith.constant 0 : i32
      scf.yield %scan3A_42 : i32
    }
    %scan3A_22 = arith.constant 4 : i32
    %barrier3A_23 = arith.constant 0 : index
    tpu.barrier barrier_id(%barrier3A_23)
    %scan3A_24 = arith.constant 0 : i32
    %scan3A_25 = arith.constant 0 : i32
    %scan3A_26 = arith.constant 8 : i32
    %scan3A_27 = arith.addi %scan3A_25, %scan3A_26 : i32
    %scan3A_28 = arith.constant 1 : i32
    %scan3A_29 = scf.for %scan3A_35 = %scan3A_25 to %scan3A_27 step %scan3A_28 iter_args(%scan3A_36 = %scan3A_24) -> (i32)  : i32 {
      %mul3A_37 = arith.constant 16 : i32
      %mul3A_38 = arith.muli %scan3A_35, %mul3A_37 : i32
      %add3A_39 = arith.addi %arg1, %mul3A_38 : i32
      %lt3A = arith.constant 125 : i32
      %lt3A_40 = arith.cmpi slt, %add3A_39, %lt3A : i32
      %convert_element_type3A = arith.extui %lt3A_40 : i1 to i32
      %cond3A = arith.constant 0 : i32
      %cond3A_41 = arith.cmpi ne, %convert_element_type3A, %cond3A : i32
      scf.if %cond3A_41 {
        %mul3A_43 = arith.constant 80 : i32
        %mul3A_44 = arith.muli %add3A_39, %mul3A_43 : i32
        "tpu.region"() ({
          %run_scoped3A = tpu.sem_alloc : memref<!tpu.dma_semaphore, #tpu.memory_space<semaphore_mem>>
          %dma_start3A = arith.constant 0 : i32
          %dma_start3A_45 = tpu.memref_slice %arg7[%arg0, %mul3A_44, %dma_start3A] : memref<2x10000x128xf32, #tpu.memory_space<hbm>> -> memref<1x80x128xf32, #tpu.memory_space<hbm>>
          %dma_start3A_46 = tpu.memref_squeeze %dma_start3A_45 : memref<1x80x128xf32, #tpu.memory_space<hbm>> -> memref<80x128xf32, #tpu.memory_space<hbm>>
          %dma_start3A_47 = arith.constant 0 : i32
          %dma_start3A_48 = tpu.memref_slice %arg15[%mul3A_44, %dma_start3A_47] : memref<10000x128xf32, #tpu.memory_space<vmem_shared>> -> memref<80x128xf32, #tpu.memory_space<vmem_shared>>
          tpu.enqueue_dma source(%dma_start3A_48 : memref<80x128xf32, #tpu.memory_space<vmem_shared>>) target(%dma_start3A_46 : memref<80x128xf32, #tpu.memory_space<hbm>>) target_semaphore(%run_scoped3A : memref<!tpu.dma_semaphore, #tpu.memory_space<semaphore_mem>>)
          %dma_wait3A = arith.constant 0 : i32
          %dma_wait3A_49 = tpu.memref_slice %arg7[%arg0, %mul3A_44, %dma_wait3A] : memref<2x10000x128xf32, #tpu.memory_space<hbm>> -> memref<1x80x128xf32, #tpu.memory_space<hbm>>
          %dma_wait3A_50 = tpu.memref_squeeze %dma_wait3A_49 : memref<1x80x128xf32, #tpu.memory_space<hbm>> -> memref<80x128xf32, #tpu.memory_space<hbm>>
          %dma_wait3A_51 = arith.constant 0 : i32
          %dma_wait3A_52 = tpu.memref_slice %arg15[%mul3A_44, %dma_wait3A_51] : memref<10000x128xf32, #tpu.memory_space<vmem_shared>> -> memref<80x128xf32, #tpu.memory_space<vmem_shared>>
          tpu.wait_dma2 semaphore(%run_scoped3A : memref<!tpu.dma_semaphore, #tpu.memory_space<semaphore_mem>>) src(%dma_wait3A_52 : memref<80x128xf32, #tpu.memory_space<vmem_shared>>) dst(%dma_wait3A_50 : memref<80x128xf32, #tpu.memory_space<hbm>>)
          tpu.yield
        }) : () -> ()
      } else {
      }
      %scan3A_42 = arith.constant 0 : i32
      scf.yield %scan3A_42 : i32
    }
    %scan3A_30 = arith.constant 8 : i32
    %mul3A_31 = arith.constant 32 : i32
    %mul3A_32 = arith.muli %arg1, %mul3A_31 : i32
    %mul3A_33 = arith.constant 32 : i32
    %mul3A_34 = arith.muli %arg1, %mul3A_33 : i32
    "tpu.region"() ({
      %run_scoped3A = tpu.sem_alloc : memref<!tpu.dma_semaphore, #tpu.memory_space<semaphore_mem>>
      %dma_start3A = arith.constant 0 : i32
      %dma_start3A_35 = tpu.memref_slice %arg8[%arg0, %mul3A_34, %dma_start3A] : memref<2x512x128xf32, #tpu.memory_space<hbm>> -> memref<1x32x128xf32, #tpu.memory_space<hbm>>
      %dma_start3A_36 = tpu.memref_squeeze %dma_start3A_35 : memref<1x32x128xf32, #tpu.memory_space<hbm>> -> memref<32x128xf32, #tpu.memory_space<hbm>>
      %dma_start3A_37 = arith.constant 0 : i32
      %dma_start3A_38 = tpu.memref_slice %arg16[%mul3A_32, %dma_start3A_37] : memref<512x128xf32, #tpu.memory_space<vmem_shared>> -> memref<32x128xf32, #tpu.memory_space<vmem_shared>>
      tpu.enqueue_dma source(%dma_start3A_38 : memref<32x128xf32, #tpu.memory_space<vmem_shared>>) target(%dma_start3A_36 : memref<32x128xf32, #tpu.memory_space<hbm>>) target_semaphore(%run_scoped3A : memref<!tpu.dma_semaphore, #tpu.memory_space<semaphore_mem>>)
      %dma_wait3A = arith.constant 0 : i32
      %dma_wait3A_39 = tpu.memref_slice %arg8[%arg0, %mul3A_34, %dma_wait3A] : memref<2x512x128xf32, #tpu.memory_space<hbm>> -> memref<1x32x128xf32, #tpu.memory_space<hbm>>
      %dma_wait3A_40 = tpu.memref_squeeze %dma_wait3A_39 : memref<1x32x128xf32, #tpu.memory_space<hbm>> -> memref<32x128xf32, #tpu.memory_space<hbm>>
      %dma_wait3A_41 = arith.constant 0 : i32
      %dma_wait3A_42 = tpu.memref_slice %arg16[%mul3A_32, %dma_wait3A_41] : memref<512x128xf32, #tpu.memory_space<vmem_shared>> -> memref<32x128xf32, #tpu.memory_space<vmem_shared>>
      tpu.wait_dma2 semaphore(%run_scoped3A : memref<!tpu.dma_semaphore, #tpu.memory_space<semaphore_mem>>) src(%dma_wait3A_42 : memref<32x128xf32, #tpu.memory_space<vmem_shared>>) dst(%dma_wait3A_40 : memref<32x128xf32, #tpu.memory_space<hbm>>)
      tpu.yield
    }) : () -> ()
    return
  }
}

#map = affine_map<(d0, d1) -> (0, 0)>
#map1 = affine_map<(d0, d1) -> (0)>
#map2 = affine_map<(d0, d1) -> (0, 0, 0)>
module attributes {stable_mosaic.version = 14 : i64} {
  func.func @_pool_body(%arg0: i32, %arg1: i32, %arg2: memref<10000x128xf32, #tpu.memory_space<hbm>>, %arg3: memref<10000xi32, #tpu.memory_space<hbm>>, %arg4: memref<80x128xf32, #tpu.memory_space<hbm>>, %arg5: memref<2x512x128xf32, #tpu.memory_space<hbm>>, %arg6: memref<80xi32, #tpu.memory_space<vmem>>, %arg7: memref<80x128xf32, #tpu.memory_space<vmem>>, %arg8: memref<512x128xf32, #tpu.memory_space<vmem_shared>>) attributes {dimension_semantics = [#tpu.dimension_semantics<core_parallel>, #tpu.dimension_semantics<subcore_parallel>], iteration_bounds = array<i64: 2, 16>, scalar_prefetch = 0 : i64, scratch_operands = 3 : i64, tpu.core_type = #tpu.core_type<sc_vector_subcore>, window_params = [{transform_indices = #map}, {transform_indices = #map1}, {transform_indices = #map}, {transform_indices = #map2}]} {
    %mul3A = arith.constant 2 : i32
    %mul3A_0 = arith.muli %arg1, %mul3A : i32
    %add3A = arith.addi %mul3A_0, %arg0 : i32
    %mul3A_1 = arith.constant 32 : i32
    %mul3A_2 = arith.muli %arg1, %mul3A_1 : i32
    "tpu.region"() ({
      %run_scoped3A = tpu.sem_alloc : memref<!tpu.dma_semaphore, #tpu.memory_space<semaphore_mem>>
      %dma_start3A = arith.constant 0 : i32
      %dma_start3A_14 = tpu.memref_slice %arg8[%mul3A_2, %dma_start3A] : memref<512x128xf32, #tpu.memory_space<vmem_shared>> -> memref<32x128xf32, #tpu.memory_space<vmem_shared>>
      %dma_start3A_15 = arith.constant 0 : i32
      %dma_start3A_16 = arith.constant 0 : i32
      %dma_start3A_17 = tpu.memref_slice %arg4[%dma_start3A_15, %dma_start3A_16] : memref<80x128xf32, #tpu.memory_space<hbm>> -> memref<32x128xf32, #tpu.memory_space<hbm>>
      tpu.enqueue_dma source(%dma_start3A_17 : memref<32x128xf32, #tpu.memory_space<hbm>>) target(%dma_start3A_14 : memref<32x128xf32, #tpu.memory_space<vmem_shared>>) target_semaphore(%run_scoped3A : memref<!tpu.dma_semaphore, #tpu.memory_space<semaphore_mem>>)
      %dma_wait3A = arith.constant 0 : i32
      %dma_wait3A_18 = tpu.memref_slice %arg8[%mul3A_2, %dma_wait3A] : memref<512x128xf32, #tpu.memory_space<vmem_shared>> -> memref<32x128xf32, #tpu.memory_space<vmem_shared>>
      %dma_wait3A_19 = arith.constant 0 : i32
      %dma_wait3A_20 = arith.constant 0 : i32
      %dma_wait3A_21 = tpu.memref_slice %arg4[%dma_wait3A_19, %dma_wait3A_20] : memref<80x128xf32, #tpu.memory_space<hbm>> -> memref<32x128xf32, #tpu.memory_space<hbm>>
      tpu.wait_dma2 semaphore(%run_scoped3A : memref<!tpu.dma_semaphore, #tpu.memory_space<semaphore_mem>>) src(%dma_wait3A_21 : memref<32x128xf32, #tpu.memory_space<hbm>>) dst(%dma_wait3A_18 : memref<32x128xf32, #tpu.memory_space<vmem_shared>>)
      tpu.yield
    }) : () -> ()
    %barrier3A = arith.constant 0 : index
    tpu.barrier barrier_id(%barrier3A)
    %scan3A = arith.constant 0 : i32
    %scan3A_3 = arith.constant 0 : i32
    %scan3A_4 = arith.constant 4 : i32
    %scan3A_5 = arith.addi %scan3A_3, %scan3A_4 : i32
    %scan3A_6 = arith.constant 1 : i32
    %scan3A_7 = scf.for %scan3A_14 = %scan3A_3 to %scan3A_5 step %scan3A_6 iter_args(%scan3A_15 = %scan3A) -> (i32)  : i32 {
      %mul3A_16 = arith.constant 32 : i32
      %mul3A_17 = arith.muli %scan3A_14, %mul3A_16 : i32
      %add3A_18 = arith.addi %add3A, %mul3A_17 : i32
      %lt3A = arith.constant 125 : i32
      %lt3A_19 = arith.cmpi slt, %add3A_18, %lt3A : i32
      %convert_element_type3A = arith.extui %lt3A_19 : i1 to i32
      %cond3A = arith.constant 0 : i32
      %cond3A_20 = arith.cmpi ne, %convert_element_type3A, %cond3A : i32
      scf.if %cond3A_20 {
        %mul3A_22 = arith.constant 80 : i32
        %mul3A_23 = arith.muli %add3A_18, %mul3A_22 : i32
        "tpu.region"() ({
          %run_scoped3A = tpu.sem_alloc : memref<!tpu.dma_semaphore, #tpu.memory_space<semaphore_mem>>
          %dma_start3A = tpu.memref_slice %arg3[%mul3A_23] : memref<10000xi32, #tpu.memory_space<hbm>> -> memref<80xi32, #tpu.memory_space<hbm>>
          %dma_start3A_26 = tpu.memref_slice %arg3[%mul3A_23] : memref<10000xi32, #tpu.memory_space<hbm>> -> memref<80xi32, #tpu.memory_space<hbm>>
          tpu.enqueue_dma source(%dma_start3A_26 : memref<80xi32, #tpu.memory_space<hbm>>) target(%arg6 : memref<80xi32, #tpu.memory_space<vmem>>) target_semaphore(%run_scoped3A : memref<!tpu.dma_semaphore, #tpu.memory_space<semaphore_mem>>)
          %dma_wait3A = tpu.memref_slice %arg3[%mul3A_23] : memref<10000xi32, #tpu.memory_space<hbm>> -> memref<80xi32, #tpu.memory_space<hbm>>
          %dma_wait3A_27 = tpu.memref_slice %arg3[%mul3A_23] : memref<10000xi32, #tpu.memory_space<hbm>> -> memref<80xi32, #tpu.memory_space<hbm>>
          tpu.wait_dma2 semaphore(%run_scoped3A : memref<!tpu.dma_semaphore, #tpu.memory_space<semaphore_mem>>) src(%dma_wait3A_27 : memref<80xi32, #tpu.memory_space<hbm>>) dst(%arg6 : memref<80xi32, #tpu.memory_space<vmem>>)
          tpu.yield
        }) : () -> ()
        %mul3A_24 = arith.constant 80 : i32
        %mul3A_25 = arith.muli %add3A_18, %mul3A_24 : i32
        "tpu.region"() ({
          %run_scoped3A = tpu.sem_alloc : memref<!tpu.dma_semaphore, #tpu.memory_space<semaphore_mem>>
          %dma_start3A = arith.constant 0 : i32
          %dma_start3A_26 = tpu.memref_slice %arg2[%mul3A_25, %dma_start3A] : memref<10000x128xf32, #tpu.memory_space<hbm>> -> memref<80x128xf32, #tpu.memory_space<hbm>>
          %dma_start3A_27 = arith.constant 0 : i32
          %dma_start3A_28 = tpu.memref_slice %arg2[%mul3A_25, %dma_start3A_27] : memref<10000x128xf32, #tpu.memory_space<hbm>> -> memref<80x128xf32, #tpu.memory_space<hbm>>
          tpu.enqueue_dma source(%dma_start3A_28 : memref<80x128xf32, #tpu.memory_space<hbm>>) target(%arg7 : memref<80x128xf32, #tpu.memory_space<vmem>>) target_semaphore(%run_scoped3A : memref<!tpu.dma_semaphore, #tpu.memory_space<semaphore_mem>>)
          %dma_wait3A = arith.constant 0 : i32
          %dma_wait3A_29 = tpu.memref_slice %arg2[%mul3A_25, %dma_wait3A] : memref<10000x128xf32, #tpu.memory_space<hbm>> -> memref<80x128xf32, #tpu.memory_space<hbm>>
          %dma_wait3A_30 = arith.constant 0 : i32
          %dma_wait3A_31 = tpu.memref_slice %arg2[%mul3A_25, %dma_wait3A_30] : memref<10000x128xf32, #tpu.memory_space<hbm>> -> memref<80x128xf32, #tpu.memory_space<hbm>>
          tpu.wait_dma2 semaphore(%run_scoped3A : memref<!tpu.dma_semaphore, #tpu.memory_space<semaphore_mem>>) src(%dma_wait3A_31 : memref<80x128xf32, #tpu.memory_space<hbm>>) dst(%arg7 : memref<80x128xf32, #tpu.memory_space<vmem>>)
          tpu.yield
        }) : () -> ()
        "tpu.region"() ({
          %run_scoped3A = tpu.sem_alloc : memref<!tpu.dma_semaphore, #tpu.memory_space<semaphore_mem>>
          %dma_start3A = arith.constant 0 : i32
          %dma_start3A_26 = arith.constant 0 : i32
          %dma_start3A_27 = tpu.memref_slice %arg8[%dma_start3A, %dma_start3A_26] : memref<512x128xf32, #tpu.memory_space<vmem_shared>> -> memref<512x128xf32, #tpu.memory_space<vmem_shared>>
          tpu.enqueue_indirect_dma source(%arg7 : memref<80x128xf32, #tpu.memory_space<vmem>>) target(%dma_start3A_27 : memref<512x128xf32, #tpu.memory_space<vmem_shared>>) offsets(%arg6 : memref<80xi32, #tpu.memory_space<vmem>>) semaphore(%run_scoped3A : memref<!tpu.dma_semaphore, #tpu.memory_space<semaphore_mem>>) {add = true}
          %dma_wait3A = arith.constant 0 : i32
          %dma_wait3A_28 = arith.constant 0 : i32
          %dma_wait3A_29 = tpu.memref_slice %arg8[%dma_wait3A, %dma_wait3A_28] : memref<512x128xf32, #tpu.memory_space<vmem_shared>> -> memref<512x128xf32, #tpu.memory_space<vmem_shared>>
          tpu.wait_indirect_dma semaphore(%run_scoped3A : memref<!tpu.dma_semaphore, #tpu.memory_space<semaphore_mem>>) src(%arg7 : memref<80x128xf32, #tpu.memory_space<vmem>>) dst(%dma_wait3A_29 : memref<512x128xf32, #tpu.memory_space<vmem_shared>>)
          tpu.yield
        }) : () -> ()
      } else {
      }
      %scan3A_21 = arith.constant 0 : i32
      scf.yield %scan3A_21 : i32
    }
    %scan3A_8 = arith.constant 4 : i32
    %barrier3A_9 = arith.constant 0 : index
    tpu.barrier barrier_id(%barrier3A_9)
    %mul3A_10 = arith.constant 32 : i32
    %mul3A_11 = arith.muli %arg1, %mul3A_10 : i32
    %mul3A_12 = arith.constant 32 : i32
    %mul3A_13 = arith.muli %arg1, %mul3A_12 : i32
    "tpu.region"() ({
      %run_scoped3A = tpu.sem_alloc : memref<!tpu.dma_semaphore, #tpu.memory_space<semaphore_mem>>
      %dma_start3A = arith.constant 0 : i32
      %dma_start3A_14 = tpu.memref_slice %arg5[%arg0, %mul3A_13, %dma_start3A] : memref<2x512x128xf32, #tpu.memory_space<hbm>> -> memref<1x32x128xf32, #tpu.memory_space<hbm>>
      %dma_start3A_15 = tpu.memref_squeeze %dma_start3A_14 : memref<1x32x128xf32, #tpu.memory_space<hbm>> -> memref<32x128xf32, #tpu.memory_space<hbm>>
      %dma_start3A_16 = arith.constant 0 : i32
      %dma_start3A_17 = tpu.memref_slice %arg8[%mul3A_11, %dma_start3A_16] : memref<512x128xf32, #tpu.memory_space<vmem_shared>> -> memref<32x128xf32, #tpu.memory_space<vmem_shared>>
      tpu.enqueue_dma source(%dma_start3A_17 : memref<32x128xf32, #tpu.memory_space<vmem_shared>>) target(%dma_start3A_15 : memref<32x128xf32, #tpu.memory_space<hbm>>) target_semaphore(%run_scoped3A : memref<!tpu.dma_semaphore, #tpu.memory_space<semaphore_mem>>)
      %dma_wait3A = arith.constant 0 : i32
      %dma_wait3A_18 = tpu.memref_slice %arg5[%arg0, %mul3A_13, %dma_wait3A] : memref<2x512x128xf32, #tpu.memory_space<hbm>> -> memref<1x32x128xf32, #tpu.memory_space<hbm>>
      %dma_wait3A_19 = tpu.memref_squeeze %dma_wait3A_18 : memref<1x32x128xf32, #tpu.memory_space<hbm>> -> memref<32x128xf32, #tpu.memory_space<hbm>>
      %dma_wait3A_20 = arith.constant 0 : i32
      %dma_wait3A_21 = tpu.memref_slice %arg8[%mul3A_11, %dma_wait3A_20] : memref<512x128xf32, #tpu.memory_space<vmem_shared>> -> memref<32x128xf32, #tpu.memory_space<vmem_shared>>
      tpu.wait_dma2 semaphore(%run_scoped3A : memref<!tpu.dma_semaphore, #tpu.memory_space<semaphore_mem>>) src(%dma_wait3A_21 : memref<32x128xf32, #tpu.memory_space<vmem_shared>>) dst(%dma_wait3A_19 : memref<32x128xf32, #tpu.memory_space<hbm>>)
      tpu.yield
    }) : () -> ()
    return
  }
}

module attributes {stable_mosaic.version = 14 : i64} {
  func.func @_mm_tc_body(%arg0: i32, %arg1: memref<2x2000x128xf32, #tpu.memory_space<vmem>>, %arg2: memref<128x128xf32, #tpu.memory_space<vmem>>, %arg3: memref<1x128xf32, #tpu.memory_space<vmem>>, %arg4: memref<2000x128xf32, #tpu.memory_space<vmem>>) attributes {dimension_semantics = [#tpu.dimension_semantics<arbitrary>], iteration_bounds = array<i64: 5>, scalar_prefetch = 0 : i64, scratch_operands = 0 : i64, tpu.core_type = #tpu.core_type<tc>, window_params = [{transform_indices = @transform_0, window_bounds = array<i64: 2, 2000, 128>}, {pipeline_mode = #tpu.pipeline_mode<synchronous>, transform_indices = @transform_1, window_bounds = array<i64: 128, 128>}, {pipeline_mode = #tpu.pipeline_mode<synchronous>, transform_indices = @transform_2, window_bounds = array<i64: 1, 128>}, {transform_indices = @transform_3, window_bounds = array<i64: 2000, 128>}]} {
    %get3A = arith.constant 0 : index
    %get3A_0 = arith.constant 0 : index
    %get3A_1 = arith.constant 0 : index
    %get3A_2 = vector.load %arg1[%get3A, %get3A_0, %get3A_1] : memref<2x2000x128xf32, #tpu.memory_space<vmem>>, vector<1x2000x128xf32>
    %get3A_3 = vector.shape_cast %get3A_2 : vector<1x2000x128xf32> to vector<2000x128xf32>
    %get3A_4 = arith.constant 1 : index
    %get3A_5 = arith.constant 0 : index
    %get3A_6 = arith.constant 0 : index
    %get3A_7 = vector.load %arg1[%get3A_4, %get3A_5, %get3A_6] : memref<2x2000x128xf32, #tpu.memory_space<vmem>>, vector<1x2000x128xf32>
    %get3A_8 = vector.shape_cast %get3A_7 : vector<1x2000x128xf32> to vector<2000x128xf32>
    %add3A = arith.addf %get3A_3, %get3A_8 : vector<2000x128xf32>
    %get3A_9 = arith.constant 0 : index
    %get3A_10 = arith.constant 0 : index
    %get3A_11 = vector.load %arg2[%get3A_9, %get3A_10] : memref<128x128xf32, #tpu.memory_space<vmem>>, vector<128x128xf32>
    %dot_general3A = arith.constant dense<0.000000e+00> : vector<2000x128xf32>
    %dot_general3A_12 = tpu.matmul %add3A, %get3A_11, %dot_general3A {dimension_numbers = #tpu.dot_dimension_numbers<[1], [0], [0], [1], [0, 0, 1, 1], [], []>, transpose_lhs_hint = false} : vector<2000x128xf32>, vector<128x128xf32>, vector<2000x128xf32> -> vector<2000x128xf32>
    %get3A_13 = arith.constant 0 : index
    %get3A_14 = arith.constant 0 : index
    %get3A_15 = vector.load %arg3[%get3A_13, %get3A_14] : memref<1x128xf32, #tpu.memory_space<vmem>>, vector<1x128xf32>
    %add3A_16 = vector.broadcast %get3A_15 : vector<1x128xf32> to vector<2000x128xf32>
    %add3A_17 = arith.addf %dot_general3A_12, %add3A_16 : vector<2000x128xf32>
    %logistic3A = arith.negf %add3A_17 : vector<2000x128xf32>
    %logistic3A_18 = math.exp %logistic3A : vector<2000x128xf32>
    %logistic3A_19 = arith.constant 1.000000e+00 : f32
    %logistic3A_20 = vector.broadcast %logistic3A_19 : f32 to vector<2000x128xf32>
    %logistic3A_21 = arith.addf %logistic3A_20, %logistic3A_18 : vector<2000x128xf32>
    %logistic3A_22 = arith.divf %logistic3A_20, %logistic3A_21 : vector<2000x128xf32>
    %mul3A = arith.mulf %add3A_17, %logistic3A_22 : vector<2000x128xf32>
    %swap3A = arith.constant 0 : index
    %swap3A_23 = arith.constant 0 : index
    %swap3A_24 = vector.load %arg4[%swap3A, %swap3A_23] : memref<2000x128xf32, #tpu.memory_space<vmem>>, vector<2000x128xf32>
    tpu.vector_store %arg4[%swap3A, %swap3A_23], %mul3A {strides = array<i32>} : memref<2000x128xf32, #tpu.memory_space<vmem>>, vector<2000x128xf32>,
    return
  }
  func.func @transform_0(%arg0: i32) -> (i32, i32, i32) {
    %c0_i32 = arith.constant 0 : i32
    %c0_i32_0 = arith.constant 0 : i32
    %c0_i32_1 = arith.constant 0 : i32
    return %c0_i32, %arg0, %c0_i32_0 : i32, i32, i32
  }
  func.func @transform_1(%arg0: i32) -> (i32, i32) {
    %c0_i32 = arith.constant 0 : i32
    %c0_i32_0 = arith.constant 0 : i32
    %c0_i32_1 = arith.constant 0 : i32
    return %c0_i32, %c0_i32_0 : i32, i32
  }
  func.func @transform_2(%arg0: i32) -> (i32, i32) {
    %c0_i32 = arith.constant 0 : i32
    %c0_i32_0 = arith.constant 0 : i32
    %c0_i32_1 = arith.constant 0 : i32
    return %c0_i32, %c0_i32_0 : i32, i32
  }
  func.func @transform_3(%arg0: i32) -> (i32, i32) {
    %c0_i32 = arith.constant 0 : i32
    %c0_i32_0 = arith.constant 0 : i32
    return %arg0, %c0_i32 : i32, i32
  }
}

module attributes {stable_mosaic.version = 14 : i64} {
  func.func @_silu_tc_body(%arg0: i32, %arg1: memref<2000x128xf32, #tpu.memory_space<vmem>>, %arg2: memref<2000x128xf32, #tpu.memory_space<vmem>>) attributes {dimension_semantics = [#tpu.dimension_semantics<arbitrary>], iteration_bounds = array<i64: 5>, scalar_prefetch = 0 : i64, scratch_operands = 0 : i64, tpu.core_type = #tpu.core_type<tc>, window_params = [{transform_indices = @transform_0, window_bounds = array<i64: 2000, 128>}, {transform_indices = @transform_1, window_bounds = array<i64: 2000, 128>}]} {
    %get3A = arith.constant 0 : index
    %get3A_0 = arith.constant 0 : index
    %get3A_1 = vector.load %arg1[%get3A, %get3A_0] : memref<2000x128xf32, #tpu.memory_space<vmem>>, vector<2000x128xf32>
    %logistic3A = arith.negf %get3A_1 : vector<2000x128xf32>
    %logistic3A_2 = math.exp %logistic3A : vector<2000x128xf32>
    %logistic3A_3 = arith.constant 1.000000e+00 : f32
    %logistic3A_4 = vector.broadcast %logistic3A_3 : f32 to vector<2000x128xf32>
    %logistic3A_5 = arith.addf %logistic3A_4, %logistic3A_2 : vector<2000x128xf32>
    %logistic3A_6 = arith.divf %logistic3A_4, %logistic3A_5 : vector<2000x128xf32>
    %mul3A = arith.mulf %get3A_1, %logistic3A_6 : vector<2000x128xf32>
    %swap3A = arith.constant 0 : index
    %swap3A_7 = arith.constant 0 : index
    %swap3A_8 = vector.load %arg2[%swap3A, %swap3A_7] : memref<2000x128xf32, #tpu.memory_space<vmem>>, vector<2000x128xf32>
    tpu.vector_store %arg2[%swap3A, %swap3A_7], %mul3A {strides = array<i32>} : memref<2000x128xf32, #tpu.memory_space<vmem>>, vector<2000x128xf32>,
    return
  }
  func.func @transform_0(%arg0: i32) -> (i32, i32) {
    %c0_i32 = arith.constant 0 : i32
    %c0_i32_0 = arith.constant 0 : i32
    return %arg0, %c0_i32 : i32, i32
  }
  func.func @transform_1(%arg0: i32) -> (i32, i32) {
    %c0_i32 = arith.constant 0 : i32
    %c0_i32_0 = arith.constant 0 : i32
    return %arg0, %c0_i32 : i32, i32
  }
}

module attributes {stable_mosaic.version = 14 : i64} {
  func.func @_final_tc_body(%arg0: memref<2x512x128xf32, #tpu.memory_space<vmem>>, %arg1: memref<2x512x128xf32, #tpu.memory_space<vmem>>, %arg2: memref<2x512x128xf32, #tpu.memory_space<vmem>>, %arg3: memref<2x512x128xf32, #tpu.memory_space<vmem>>, %arg4: memref<512x128xf32, #tpu.memory_space<vmem>>, %arg5: memref<1x128xf32, #tpu.memory_space<vmem>>, %arg6: memref<128x128xf32, #tpu.memory_space<vmem>>, %arg7: memref<1x128xf32, #tpu.memory_space<vmem>>, %arg8: memref<512x128xf32, #tpu.memory_space<vmem>>) attributes {dimension_semantics = [], scalar_prefetch = 0 : i64, scratch_operands = 0 : i64, tpu.core_type = #tpu.core_type<tc>} {
    %get3A = arith.constant 0 : index
    %get3A_0 = arith.constant 0 : index
    %get3A_1 = vector.load %arg5[%get3A, %get3A_0] : memref<1x128xf32, #tpu.memory_space<vmem>>, vector<1x128xf32>
    %get3A_2 = arith.constant 0 : index
    %get3A_3 = arith.constant 0 : index
    %get3A_4 = arith.constant 0 : index
    %get3A_5 = vector.load %arg0[%get3A_2, %get3A_3, %get3A_4] : memref<2x512x128xf32, #tpu.memory_space<vmem>>, vector<1x512x128xf32>
    %get3A_6 = vector.shape_cast %get3A_5 : vector<1x512x128xf32> to vector<512x128xf32>
    %get3A_7 = arith.constant 1 : index
    %get3A_8 = arith.constant 0 : index
    %get3A_9 = arith.constant 0 : index
    %get3A_10 = vector.load %arg0[%get3A_7, %get3A_8, %get3A_9] : memref<2x512x128xf32, #tpu.memory_space<vmem>>, vector<1x512x128xf32>
    %get3A_11 = vector.shape_cast %get3A_10 : vector<1x512x128xf32> to vector<512x128xf32>
    %add3A = arith.addf %get3A_6, %get3A_11 : vector<512x128xf32>
    %get3A_12 = arith.constant 0 : index
    %get3A_13 = arith.constant 0 : index
    %get3A_14 = vector.load %arg4[%get3A_12, %get3A_13] : memref<512x128xf32, #tpu.memory_space<vmem>>, vector<128x128xf32>
    %dot_general3A = arith.constant dense<0.000000e+00> : vector<512x128xf32>
    %dot_general3A_15 = tpu.matmul %add3A, %get3A_14, %dot_general3A {dimension_numbers = #tpu.dot_dimension_numbers<[1], [0], [0], [1], [0, 0, 1, 1], [], []>, transpose_lhs_hint = false} : vector<512x128xf32>, vector<128x128xf32>, vector<512x128xf32> -> vector<512x128xf32>
    %add3A_16 = vector.broadcast %get3A_1 : vector<1x128xf32> to vector<512x128xf32>
    %add3A_17 = arith.addf %add3A_16, %dot_general3A_15 : vector<512x128xf32>
    %get3A_18 = arith.constant 0 : index
    %get3A_19 = arith.constant 0 : index
    %get3A_20 = arith.constant 0 : index
    %get3A_21 = vector.load %arg1[%get3A_18, %get3A_19, %get3A_20] : memref<2x512x128xf32, #tpu.memory_space<vmem>>, vector<1x512x128xf32>
    %get3A_22 = vector.shape_cast %get3A_21 : vector<1x512x128xf32> to vector<512x128xf32>
    %get3A_23 = arith.constant 1 : index
    %get3A_24 = arith.constant 0 : index
    %get3A_25 = arith.constant 0 : index
    %get3A_26 = vector.load %arg1[%get3A_23, %get3A_24, %get3A_25] : memref<2x512x128xf32, #tpu.memory_space<vmem>>, vector<1x512x128xf32>
    %get3A_27 = vector.shape_cast %get3A_26 : vector<1x512x128xf32> to vector<512x128xf32>
    %add3A_28 = arith.addf %get3A_22, %get3A_27 : vector<512x128xf32>
    %get3A_29 = arith.constant 128 : index
    %get3A_30 = arith.constant 0 : index
    %get3A_31 = vector.load %arg4[%get3A_29, %get3A_30] : memref<512x128xf32, #tpu.memory_space<vmem>>, vector<128x128xf32>
    %dot_general3A_32 = arith.constant dense<0.000000e+00> : vector<512x128xf32>
    %dot_general3A_33 = tpu.matmul %add3A_28, %get3A_31, %dot_general3A_32 {dimension_numbers = #tpu.dot_dimension_numbers<[1], [0], [0], [1], [0, 0, 1, 1], [], []>, transpose_lhs_hint = false} : vector<512x128xf32>, vector<128x128xf32>, vector<512x128xf32> -> vector<512x128xf32>
    %add3A_34 = arith.addf %add3A_17, %dot_general3A_33 : vector<512x128xf32>
    %get3A_35 = arith.constant 0 : index
    %get3A_36 = arith.constant 0 : index
    %get3A_37 = arith.constant 0 : index
    %get3A_38 = vector.load %arg2[%get3A_35, %get3A_36, %get3A_37] : memref<2x512x128xf32, #tpu.memory_space<vmem>>, vector<1x512x128xf32>
    %get3A_39 = vector.shape_cast %get3A_38 : vector<1x512x128xf32> to vector<512x128xf32>
    %get3A_40 = arith.constant 1 : index
    %get3A_41 = arith.constant 0 : index
    %get3A_42 = arith.constant 0 : index
    %get3A_43 = vector.load %arg2[%get3A_40, %get3A_41, %get3A_42] : memref<2x512x128xf32, #tpu.memory_space<vmem>>, vector<1x512x128xf32>
    %get3A_44 = vector.shape_cast %get3A_43 : vector<1x512x128xf32> to vector<512x128xf32>
    %add3A_45 = arith.addf %get3A_39, %get3A_44 : vector<512x128xf32>
    %get3A_46 = arith.constant 256 : index
    %get3A_47 = arith.constant 0 : index
    %get3A_48 = vector.load %arg4[%get3A_46, %get3A_47] : memref<512x128xf32, #tpu.memory_space<vmem>>, vector<128x128xf32>
    %dot_general3A_49 = arith.constant dense<0.000000e+00> : vector<512x128xf32>
    %dot_general3A_50 = tpu.matmul %add3A_45, %get3A_48, %dot_general3A_49 {dimension_numbers = #tpu.dot_dimension_numbers<[1], [0], [0], [1], [0, 0, 1, 1], [], []>, transpose_lhs_hint = false} : vector<512x128xf32>, vector<128x128xf32>, vector<512x128xf32> -> vector<512x128xf32>
    %add3A_51 = arith.addf %add3A_34, %dot_general3A_50 : vector<512x128xf32>
    %get3A_52 = arith.constant 0 : index
    %get3A_53 = arith.constant 0 : index
    %get3A_54 = arith.constant 0 : index
    %get3A_55 = vector.load %arg3[%get3A_52, %get3A_53, %get3A_54] : memref<2x512x128xf32, #tpu.memory_space<vmem>>, vector<1x512x128xf32>
    %get3A_56 = vector.shape_cast %get3A_55 : vector<1x512x128xf32> to vector<512x128xf32>
    %get3A_57 = arith.constant 1 : index
    %get3A_58 = arith.constant 0 : index
    %get3A_59 = arith.constant 0 : index
    %get3A_60 = vector.load %arg3[%get3A_57, %get3A_58, %get3A_59] : memref<2x512x128xf32, #tpu.memory_space<vmem>>, vector<1x512x128xf32>
    %get3A_61 = vector.shape_cast %get3A_60 : vector<1x512x128xf32> to vector<512x128xf32>
    %add3A_62 = arith.addf %get3A_56, %get3A_61 : vector<512x128xf32>
    %get3A_63 = arith.constant 384 : index
    %get3A_64 = arith.constant 0 : index
    %get3A_65 = vector.load %arg4[%get3A_63, %get3A_64] : memref<512x128xf32, #tpu.memory_space<vmem>>, vector<128x128xf32>
    %dot_general3A_66 = arith.constant dense<0.000000e+00> : vector<512x128xf32>
    %dot_general3A_67 = tpu.matmul %add3A_62, %get3A_65, %dot_general3A_66 {dimension_numbers = #tpu.dot_dimension_numbers<[1], [0], [0], [1], [0, 0, 1, 1], [], []>, transpose_lhs_hint = false} : vector<512x128xf32>, vector<128x128xf32>, vector<512x128xf32> -> vector<512x128xf32>
    %add3A_68 = arith.addf %add3A_51, %dot_general3A_67 : vector<512x128xf32>
    %logistic3A = arith.negf %add3A_68 : vector<512x128xf32>
    %logistic3A_69 = math.exp %logistic3A : vector<512x128xf32>
    %logistic3A_70 = arith.constant 1.000000e+00 : f32
    %logistic3A_71 = vector.broadcast %logistic3A_70 : f32 to vector<512x128xf32>
    %logistic3A_72 = arith.addf %logistic3A_71, %logistic3A_69 : vector<512x128xf32>
    %logistic3A_73 = arith.divf %logistic3A_71, %logistic3A_72 : vector<512x128xf32>
    %mul3A = arith.mulf %add3A_68, %logistic3A_73 : vector<512x128xf32>
    %get3A_74 = arith.constant 0 : index
    %get3A_75 = arith.constant 0 : index
    %get3A_76 = vector.load %arg6[%get3A_74, %get3A_75] : memref<128x128xf32, #tpu.memory_space<vmem>>, vector<128x128xf32>
    %dot_general3A_77 = arith.constant dense<0.000000e+00> : vector<512x128xf32>
    %dot_general3A_78 = tpu.matmul %mul3A, %get3A_76, %dot_general3A_77 {dimension_numbers = #tpu.dot_dimension_numbers<[1], [0], [0], [1], [0, 0, 1, 1], [], []>, transpose_lhs_hint = false} : vector<512x128xf32>, vector<128x128xf32>, vector<512x128xf32> -> vector<512x128xf32>
    %get3A_79 = arith.constant 0 : index
    %get3A_80 = arith.constant 0 : index
    %get3A_81 = vector.load %arg7[%get3A_79, %get3A_80] : memref<1x128xf32, #tpu.memory_space<vmem>>, vector<1x128xf32>
    %add3A_82 = vector.broadcast %get3A_81 : vector<1x128xf32> to vector<512x128xf32>
    %add3A_83 = arith.addf %dot_general3A_78, %add3A_82 : vector<512x128xf32>
    %swap3A = arith.constant 0 : index
    %swap3A_84 = arith.constant 0 : index
    %swap3A_85 = vector.load %arg8[%swap3A, %swap3A_84] : memref<512x128xf32, #tpu.memory_space<vmem>>, vector<512x128xf32>
    tpu.vector_store %arg8[%swap3A, %swap3A_84], %add3A_83 {strides = array<i32>} : memref<512x128xf32, #tpu.memory_space<vmem>>, vector<512x128xf32>,
    return
  }
}

</mosaic_0001>

<sc_bundles>
// kernel: kernel.11.cloned.1.call-start
scs
__scs_entry_jumppad:
0x0: {  	(pc) =	sbr.rel $0x88, $3  }
0x1: {  	(tag) =	ssettag $0x0;
	lr =	simm.s32 $0x1  }
0x2: {  	[smem:$0x3F8C] =	sst lr;
	_ =	strace $0xD0000000  }
0x3: {  	_ = 	snop  }
0x4: {  	_ = 	snop  }
0x5: {  	_ = 	snop  }
0x6: {  	_ = 	snop  }
0x7: {  	_ = 	snop  }
__scs_overlays_trampoline_lowered:
0x8: {  	[smem:$0x3F9B] =	sst s0  }
0x9: {  	[smem:$0x3F9C] =	sst s1  }
0xa: {  	[smem:$0x3F9D] =	sst s2  }
0xb: {  	[smem:$0x3F9E] =	sst s3  }
0xc: {  	[smem:$0x3F9F] =	sst s4  }
0xd: {  	[smem:$0x3FA0] =	sst s5  }
0xe: {  	[smem:$0x3FA1] =	sst s6  }
0xf: {  	[smem:$0x3FA2] =	sst s7  }
0x10: {  	[smem:$0x3FA3] =	sst s8  }
0x11: {  	[smem:$0x3FA4] =	sst s9;
	s0 =	simm.s32 @!p0 $0x0  }
0x12: {  	s1 =	sld [smem:$0x3F8A];
	s0 =	simm.s32 @p0 $0x1  }
0x13: {  	[smem:$0x3FA5] =	sst s0;
	s0 =	simm.s32 @!p1 $0x0  }
0x14: {  	s2 =	sld [smem:$0x3F89];
	s0 =	simm.s32 @p1 $0x1  }
0x15: {  	[smem:$0x3FA6] =	sst s0;
	s0 =	simm.s32 @!p2 $0x0  }
0x16: {  	s3 =	sld [smem:$0x3FDB];
	s0 =	simm.s32 @p2 $0x1  }
0x17: {  	s4 =	simm.s32 $0x1BF5;
	[smem:$0x3FA8] =	sst s0  }
0x18: {  	s0 =	sld [smem:$0x3F8B];
	_ =	swait.ge [sflag:s4], $0x0  }
0x19: {  	s7 =	sld [smem:$0x3F8C]  }
0x1a: {  	s8 =	sadd.s32 $0xFFFFE003, lr  }
0x1b: {  	s9 =	sadd.s32 $0xFFFFFEF7, lr;
	s5 =	simm.s32 $0xFFFFFFFF;
	p2 =	slt.u32 s8, $0xFFFFF086  }
0x1c: {  	p1 =	slt.u32 s9, $0xF7A;
	s5 =	simm.s32 @!p2 $0x0  }
0x1d: {  	s5 =	simm.s32 @p1 $0x1;
	p0 =	seq.s32 s7, s2  }
0x1e: {  	s7 =	smul.u32 @!p0 $0xF7A, s2;
	p2 =	seq.s32 @!p0 s5, $0x0  }
0x1f: {  	s9 =	smul.u32 $0xF7A, s1;
	s8 =	simm.s32 @!p0 $0x1BF5;
	p2 =	por !p2, p0  }
0x20: {  	[sflag:s8] =	ssyncset.s32 @!p0 $0xFFFFF086;
	s6 =	sadd.s32 @!p0 s3, s7;
	s7 =	simm.s32 @!p0 $0x108  }
0x21: {  	s3 =	sadd.s32 s3, s9;
	s6 =	sadd.s32 @!p0 $0x88, s6;
	s7 =	simm.s32 @p2 $0x1082  }
0x22: {  	[simem:s7], [sflag:s8] =	dma.local @!p0 [hbm:s6], $0xF7A  }
0x23: {  	s9 =	sor.u32 $0xD0000000, s2;
	s6 =	simm.s32 $0x108;
	_ =	swait.ge @!p0 [sflag:s8], $0x0  }
0x24: {  	s3 =	sadd.s32 $0x88, s3;
	s6 =	simm.s32 @!p1 $0x1082;
	[sflag:s4] =	ssyncset.s32 $0xFFFFF086  }
0x25: {  	[simem:s6], [sflag:s4] =	dma.local [hbm:s3], $0xF7A  }
0x26: {  	[smem:$0x3F8C] =	sst s1;
	(tag) =	ssettag s2;
	_ =	strace s9  }
0x27: {  	s1 =	sld [smem:$0x3F9C]  }
0x28: {  	s2 =	sld [smem:$0x3F9D]  }
0x29: {  	s4 =	sld [smem:$0x3F9F]  }
0x2a: {  	p0 =	seq.s32 s5, $0x0;
	s5 =	sld [smem:$0x3FA0]  }
0x2b: {  	s6 =	sld [smem:$0x3FA1]  }
0x2c: {  	s7 =	sld [smem:$0x3FA2]  }
0x2d: {  	s3 =	simm.s32 $0x108;
	s8 =	sld [smem:$0x3FA3]  }
0x2e: {  	s3 =	simm.s32 @!p0 $0x1082;
	s9 =	sld [smem:$0x3FA4]  }
0x2f: {  	lr =	sadd.s32 s0, s3;
	s0 =	sld [smem:$0x3F9B]  }
0x30: {  	s3 =	sld [smem:$0x3F9E]  }
0x31: {  	[smem:$0x3FA7] =	sst s10  }
0x32: {  	s10 =	sld [smem:$0x3FA5];
	_ =	sdelay $0x3  }
0x33: {  	p0 =	seq.s32 s10, $0x1;
	s10 =	sld [smem:$0x3FA7];
	_ =	sdelay $0x3  }
0x34: {  	[smem:$0x3FA7] =	sst s10  }
0x35: {  	s10 =	sld [smem:$0x3FA6];
	_ =	sdelay $0x3  }
0x36: {  	p1 =	seq.s32 s10, $0x1;
	s10 =	sld [smem:$0x3FA7];
	_ =	sdelay $0x3  }
0x37: {  	[smem:$0x3FA7] =	sst s10  }
0x38: {  	s10 =	sld [smem:$0x3FA8]  }
0x39: {  	_ = 	snop;
	(pc) =	sbr.ind lr, $3  }
0x3a: {  	_ = 	snop  }
0x3b: {  	_ = 	snop  }
0x3c: {  	p2 =	seq.s32 s10, $0x1;
	s10 =	sld [smem:$0x3FA7]  }
0x3d: {  	_ =	shalt  }
0x3e: {  	_ =	shalt  }
0x3f: {  	_ =	shalt  }
0x40: {  	_ =	shalt  }
0x41: {  	_ =	shalt  }
0x42: {  	_ =	shalt  }
0x43: {  	_ =	shalt  }
0x44: {  	_ =	shalt  }
0x45: {  	_ =	shalt  }
0x46: {  	_ =	shalt  }
0x47: {  	_ =	shalt  }
0x48: {  	_ =	shalt  }
0x49: {  	_ =	shalt  }
0x4a: {  	_ =	shalt  }
0x4b: {  	_ =	shalt  }
0x4c: {  	_ =	shalt  }
0x4d: {  	_ =	shalt  }
0x4e: {  	_ =	shalt  }
0x4f: {  	_ =	shalt  }
0x50: {  	_ =	shalt  }
0x51: {  	_ =	shalt  }
0x52: {  	_ =	shalt  }
0x53: {  	_ =	shalt  }
0x54: {  	_ =	shalt  }
0x55: {  	_ =	shalt  }
0x56: {  	_ =	shalt  }
0x57: {  	_ =	shalt  }
0x58: {  	_ =	shalt  }
0x59: {  	_ =	shalt  }
0x5a: {  	_ =	shalt  }
0x5b: {  	_ =	shalt  }
0x5c: {  	_ =	shalt  }
0x5d: {  	_ =	shalt  }
0x5e: {  	_ =	shalt  }
0x5f: {  	_ =	shalt  }
0x60: {  	_ =	shalt  }
0x61: {  	_ =	shalt  }
0x62: {  	_ =	shalt  }
0x63: {  	_ =	shalt  }
0x64: {  	_ =	shalt  }
0x65: {  	_ =	shalt  }
0x66: {  	_ =	shalt  }
0x67: {  	_ =	shalt  }
0x68: {  	_ =	shalt  }
0x69: {  	_ =	shalt  }
0x6a: {  	_ =	shalt  }
0x6b: {  	_ =	shalt  }
0x6c: {  	_ =	shalt  }
0x6d: {  	_ =	shalt  }
0x6e: {  	_ =	shalt  }
0x6f: {  	_ =	shalt  }
0x70: {  	_ =	shalt  }
0x71: {  	_ =	shalt  }
0x72: {  	_ =	shalt  }
0x73: {  	_ =	shalt  }
0x74: {  	_ =	shalt  }
0x75: {  	_ =	shalt  }
0x76: {  	_ =	shalt  }
0x77: {  	_ =	shalt  }
0x78: {  	_ =	shalt  }
0x79: {  	_ =	shalt  }
0x7a: {  	_ =	shalt  }
0x7b: {  	_ =	shalt  }
0x7c: {  	_ =	shalt  }
0x7d: {  	_ =	shalt  }
0x7e: {  	_ =	shalt  }
0x7f: {  	_ =	shalt  }
0x80: {  	_ =	shalt  }
0x81: {  	_ =	shalt  }
0x82: {  	_ =	shalt  }
0x83: {  	_ =	shalt  }
0x84: {  	_ =	shalt  }
0x85: {  	_ =	shalt  }
0x86: {  	_ =	shalt  }
0x87: {  	_ =	shalt  }
.Lfunc_end0:
.L_simem_size_0:
called_computation_lowered:
.L_overlay_start_0:
0x88: {  	s2 =	sld [smem:$0x3FD9]  }
0x89: {  	s3 =	sld [smem:$0x3FFE];
	_ =	sdelay $0x1  }
0x8a: {  	s1 =	srdreg.scid  }
0x8b: {  	s0 =	sand.u32 $0x1, s1  }
0x8c: {  	s17 =	sshll.u32 s0, $0xA;
	s2 =	sadd.s32 s3, s2  }
0x8d: {  	s2 =	sadd.s32 s2, s17  }
0x8e: {  	[smem:$0x3FB3] =	sst s2  }
0x8f: {  	_ = 	snop  }
0x90: {  	s2 =	sld [smem:$0x3FC2]  }
0x91: {  	s18 =	sld [smem:$0x3FD0];
	(tm) =	ssettm $0x1  }
0x92: {  	s4 =	sld [smem:$0x3FFB];
	_ =	sdelay $0x3  }
0x93: {  	_ =	strace s4  }
0x94: {  	s4 =	sld [smem:$0x3FFC];
	_ =	sdelay $0x3  }
0x95: {  	_ =	strace s4  }
0x96: {  	s4 =	sld [smem:$0x3FFD];
	_ =	sdelay $0x3  }
0x97: {  	_ =	strace s4  }
0x98: {  	_ =	strace $0x8FFFFFFF  }
0x99: {  	s19 =	sld [smem:$0x3FDB];
	_ =	sdelay $0x1  }
0x9a: {  	s5 =	simm.s32 $_scs_section_size  }
0x9b: {  	s6 =	simm.s32 $_size__tile_overlayer_lowered;
	s7 =	simm.s32 $_tile_overlayer_lowered  }
0x9c: {  	s22 =	simm.s32 $0x1BFF;
	s21 =	sshll.u32 s7, $0x1;
	s4 =	sadd.s32 s5, s19  }
0x9d: {  	s8 =	simm.s32 $0x0;
	s20 =	sshll.u32 s6, $0x1;
	s6 =	sadd.s32 s21, s4  }
0x9e: {  	[timem:s8], [sflag:s22] =	dma.local [hbm:s6], s20  }
0x9f: {  	_ =	swait.ge [sflag:s22], s20  }
0xa0: {  	s5 =	ssub.s32 $0x0, s20;
	[sflag:s22] =	ssyncset.done $0x0  }
0xa1: {  	[sflag:s22] =	ssyncadd.s32 s5;
	_ =	sdelay $0x1  }
0xa2: {  	s23 =	simm.s32 $0x1B8B  }
0xa3: {  	_ =	swait.ge [sflag:s23], $0x1  }
0xa4: {  	[sflag:s23] =	ssyncset.done $0x0  }
0xa5: {  	s25 =	simm.s32 $0x1B8E;
	s24 =	sld [smem:$0x3FFE];
	[sflag:s23] =	ssyncadd.s32 $0xFFFFFFFF  }
0xa6: {  	s26 =	simm.s32 $execute0_lowered;
	[smem:$0x3FD2] =	sst s25  }
0xa7: {  	s6 =	sshll.u32 s26, $0x1;
	_ =	strace $0x80000046;
	[dreg:$0x1] =	wrdreg $0xFFFFFFFF  }
0xa8: {  	s28 =	simm.s32 $_size_execute0_lowered;
	s4 =	sadd.s32 s4, s6;
	[dreg:$0x0] =	wrdreg $0x0  }
0xa9: {  	s6 =	sshll.u32 s28, $0x1;
	[dreg:$0x2] =	wrdreg s4  }
0xaa: {  	[dreg:$0x3] =	wrdreg s6  }
0xab: {  	[dreg:$0x4] =	wrdreg $0xC0  }
0xac: {  	_ =	task [dreg:s8], $0x5FFFF  }
0xad: {  	[dreg:$0x1] =	wrdreg $0xFFFFFFFF  }
0xae: {  	[dreg:$0x0] =	wrdreg $0x60  }
0xaf: {  	[dreg:$0x2] =	wrdreg s24  }
0xb0: {  	[dreg:$0x3] =	wrdreg s2  }
0xb1: {  	[dreg:$0x4] =	wrdreg s18  }
0xb2: {  	[dreg:$0x5] =	wrdreg $0x70800  }
0xb3: {  	[dreg:$0x6] =	wrdreg $0x1A9000  }
0xb4: {  	[dreg:$0x7] =	wrdreg $0x9  }
0xb5: {  	_ =	task.clear_ibuf [dreg:s8], $0x8FFFF;
	_ =	strace $0x90000046  }
0xb6: {  	s29 =	simm.s32 $0x9;
	_ =	strace $0x80000048  }
0xb7: {  	_ =	swait.ge [sflag:s29], $0x1  }
0xb8: {  	[sflag:s29] =	ssyncadd.s32 $0xFFFFFFFF  }
0xb9: {  	_ =	strace $0x90000048  }
0xba: {  	_ =	sfence  }
0xbb: {  	s30 =	sld [smem:$0x0];
	_ =	sdelay $0x2  }
0xbc: {  	s31 =	sshll.u32 s1, $0xD;
	s1 =	sshrl.u32 s1, $0x2  }
0xbd: {  	s3 =	sand.u32 $0x4000, s31;
	s1 =	sadd.s32 s1, s30  }
0xbe: {  	s0 =	sor.u32 s3, s0;
	s1 =	sshll.u32 s1, $0x11  }
0xbf: {  	s0 =	sor.u32 s1, s0  }
0xc0: {  	s0 =	sadd.s32 $0x8F2B, s0  }
0xc1: {  	[sflag:s0] =	ssyncadd.remote.s32 $0x1  }
0xc2: {  	_ =	sfence.sel $0xFFFF  }
0xc3: {  	[dreg:$0x0] =	wrdreg $0xFFFFFFFF;
	(pc) =	sbr.abs _section_cstart, $3  }
0xc4: {  	[dreg:$0x1] =	wrdreg $0xFFFFFFFF  }
0xc5: {  	_ =	task.clear_ibuf [dreg:s8], $0x2FFFF;
	_ =	strace $0x9FFFFFFF  }
0xc6: {  	(tm) =	ssettm $0x7FFFFFFF  }
0xc7: {  	_ =	shalt  }
tec
execute0_lowered:
.L_overlay_start_1:
0x0: {  	(tag) =	ssettag $0x1  }
0x1: {  	s4 =	rddreg [dreg:$0x0];
	s24 =	stileid.u32  }
0x2: {  	s0 =	srdreg.scid;
	s9 =	rddreg [dreg:$0x1]  }
0x3: {  	s30 =	simm.s32 $0x4;
	s3 =	sand.u32 $0x1, s0;
	s18 =	smul.u32 $0x2800, s24  }
0x4: {  	s19 =	sshll.u32 s24, $0x1;
	s15 =	sor.u32 $0x10, s24;
	s10 =	smul.u32 $0x138800, s3  }
0x5: {  	s17 =	sor.u32 $0x30, s24;
	s0 =	sor.u32 s3, s19;
	s19 =	smul.u32 $0x2800, s15  }
0x6: {  	s31 =	simm.s32 $0x0;
	s21 =	sor.u32 $0x40, s24;
	s23 =	smul.u32 $0x2800, s17  }
0x7: {  	s1 =	sshll.u32 s24, $0x9;
	s16 =	sor.u32 $0x20, s24;
	s26 =	smul.u32 $0x2800, s21  }
0x8: {  	s1 =	sadd.s32 s1, s4;
	s2 =	ssub.s32 $0x2, s3;
	s11 =	smul.u32 $0xA, s0  }
0x9: {  	s6 =	sshll.u32 s3, $0xD;
	s3 =	sor.u32 $0x40, s0;
	s29 =	smul.u32 $0x5000, s0  }
0xa: {  	s8 =	sadd.s32 s6, s1;
	s1 =	sor.u32 $0x60, s0;
	s13 =	smul.u32 $0xA, s3  }
0xb: {  	s22 =	sor.u32 $0x50, s24;
	s5 =	sshrl.u32 s2, $0x1;
	s14 =	smul.u32 $0xA, s1  }
0xc: {  	s5 =	ssub.s32 s2, s5;
	s2 =	sor.u32 $0x20, s0;
	s0 =	smul.u32 $0x500, s0  }
0xd: {  	s7 =	sor.u32 $0x60, s24;
	s6 =	sor.u32 $0x70, s24;
	s3 =	smul.u32 $0x500, s3  }
0xe: {  	s25 =	sadd.s32 s10, s18;
	p1 =	sgt.u32 s1, $0x7C;
	s1 =	smul.u32 $0x500, s1  }
0xf: {  	s28 =	sadd.s32 s10, s19;
	s8 =	sadd.s32 $0xA2800, s8;
	s12 =	smul.u32 $0xA, s2  }
0x10: {  	p0 =	sgt.u32 s6, $0x7C;
	s11 =	sadd.s32 s9, s11;
	s2 =	smul.u32 $0x500, s2  }
0x11: {  	s5 =	smax.u32 s5, $0x1;
	[dreg:$0x6] =	wrdreg s11;
	s11 =	smul.u32 $0x2800, s16  }
0x12: {  	s20 =	sadd.s32 s9, s13;
	s13 =	sadd.s32 s10, s26;
	s12 =	sadd.s32 s9, s12  }
0x13: {  	[dreg:$0x8] =	wrdreg s20;
	s9 =	sadd.s32 s9, s14;
	s20 =	smul.u32 $0x2800, s22  }
0x14: {  	s14 =	sshrl.u32 s13, $0x3;
	s13 =	sshll.u32 s24, $0x6;
	[dreg:$0x7] =	wrdreg s12  }
0x15: {  	[dreg:$0x9] =	wrdreg s9;
	s12 =	sadd.s32 s10, s23;
	s23 =	smul.u32 $0x2800, s7  }
0x16: {  	s9 =	sshrl.u32 s25, $0x3;
	s11 =	sadd.s32 s10, s11;
	s7 =	smul.u32 $0xA000, s7  }
0x17: {  	s25 =	simm.s32 $0x0;
	s18 =	sadd.s32 s10, s20;
	s20 =	smul.u32 $0x2800, s6  }
0x18: {  	[smem:$0x7FF] =	sst s25;
	s25 =	sshrl.u32 s28, $0x3;
	s26 =	sshrl.u32 s11, $0x3  }
0x19: {  	s11 =	smul.u32 $0xA000, s16;
	s19 =	sadd.s32 s10, s23;
	s23 =	sadd.s32 $0x54600, s4  }
0x1a: {  	s28 =	sshrl.u32 s12, $0x3;
	s16 =	smul.u32 $0xA000, s17;
	s9 =	sadd.s32 s23, s9  }
0x1b: {  	s20 =	sadd.s32 s10, s20;
	s10 =	sadd.s32 s23, s26;
	[dreg:$0xa] =	wrdreg s9  }
0x1c: {  	s6 =	smul.u32 $0xA000, s6;
	s12 =	sadd.s32 s23, s28;
	[dreg:$0xc] =	wrdreg s10  }
0x1d: {  	s18 =	sshrl.u32 s18, $0x3;
	s26 =	sshrl.u32 s19, $0x3;
	[dreg:$0xd] =	wrdreg s12  }
0x1e: {  	s19 =	sadd.s32 $0x2C600, s4;
	s9 =	sadd.s32 s23, s25;
	s10 =	rddreg [dreg:$0x2]  }
0x1f: {  	s25 =	sadd.s32 s23, s18;
	s28 =	sshrl.u32 s20, $0x3;
	s12 =	rddreg [dreg:$0x4]  }
0x20: {  	s18 =	sadd.s32 $0x5400, s4;
	s20 =	sadd.s32 $0x40600, s4;
	[dreg:$0xb] =	wrdreg s9  }
0x21: {  	s4 =	sshrl.u32 s11, $0x2;
	s11 =	simm.s32 $0x2080;
	[dreg:$0xf] =	wrdreg s25  }
0x22: {  	s9 =	sadd.s32 s23, s14;
	s14 =	rddreg [dreg:$0x3];
	s25 =	sshll.u32 s24, $0xC  }
0x23: {  	s0 =	sadd.s32 s18, s0;
	[dreg:$0xe] =	wrdreg s9;
	s9 =	sadd.s32 s23, s26  }
0x24: {  	s23 =	sadd.s32 s23, s28;
	s26 =	smul.u32 $0xA000, s24;
	[dreg:$0x10] =	wrdreg s9  }
0x25: {  	s28 =	sadd.s32 s25, s12;
	s25 =	sor.u32 $0x1C03, s13;
	[dreg:$0x11] =	wrdreg s23  }
0x26: {  	s4 =	sadd.s32 s4, s14;
	_ =	strace $0x80000047;
	[dreg:$0x12] =	wrdreg s28  }
0x27: {  	s24 =	sadd.s32 s18, s2;
	s9 =	smul.u32 $0xA000, s15;
	[dreg:$0x13] =	wrdreg s8  }
0x28: {  	s12 =	simm.s32 $0x80;
	s23 =	smul.u32 $0xA000, s21;
	[dreg:$0x14] =	wrdreg s5  }
0x29: {  	s21 =	sshrl.u32 s7, $0x2;
	s7 =	simm.s32 $0x3;
	[dreg:$0x17] =	wrdreg s4  }
0x2a: {  	s15 =	sshrl.u32 s26, $0x2;
	s28 =	smul.u32 $0xA000, s22;
	[dreg:$0x1d] =	wrdreg s0  }
0x2b: {  	s22 =	sshrl.u32 s6, $0x2;
	[dreg:$0x1e] =	wrdreg s24;
	s24 =	simm.s32 $0x1B80  }
0x2c: {  	s17 =	sadd.s32 s15, s14;
	s26 =	sshrl.u32 s9, $0x2;
	s15 =	sshrl.u32 s16, $0x2  }
0x2d: {  	s16 =	sshrl.u32 s23, $0x2;
	s23 =	sadd.s32 s22, s14;
	[dreg:$0x15] =	wrdreg s17  }
0x2e: {  	s9 =	simm.s32 $0x50;
	s8 =	sadd.s32 s26, s14;
	[dreg:$0x1c] =	wrdreg s23  }
0x2f: {  	s22 =	simm.s32 $0x1B00;
	s4 =	sadd.s32 s15, s14;
	[dreg:$0x16] =	wrdreg s8  }
0x30: {  	s17 =	sshrl.u32 s28, $0x2;
	s26 =	sadd.s32 s18, s3;
	[dreg:$0x18] =	wrdreg s4  }
0x31: {  	s28 =	sadd.s32 s18, s1;
	s23 =	simm.s32 $0xC00;
	[dreg:$0x1f] =	wrdreg s26  }
0x32: {  	s4 =	sadd.s32 s16, s14;
	[smem:$0x7FD] =	sst s28;
	s8 =	simm.s32 $0x1000  }
0x33: {  	s16 =	simm.s32 $0x4880;
	[dreg:$0x19] =	wrdreg s4;
	s4 =	sadd.s32 s17, s14  }
0x34: {  	s26 =	simm.s32 $0x1C00;
	[dreg:$0x1a] =	wrdreg s4;
	s4 =	sadd.s32 s21, s14  }
0x35: {  	s17 =	simm.s32 $0x1;
	s21 =	simm.s32 $0x2;
	[dreg:$0x1b] =	wrdreg s4  }
.LBB2_1:
0x36: {  	s0 =	rddreg [dreg:$0x15]  }
0x37: {  	s0 =	sshrl.u32 s0, $0x3  }
0x38: {  	[smem:$0x7F8] =	sst s0  }
0x39: {  	[spmem:s0], [sflag:s25] =	dma.local [hbm:s10], $0x500  }
0x3a: {  	_ =	swait.ge [sflag:s7], $0x500  }
0x3b: {  	s1 =	rddreg [dreg:$0x16]  }
0x3c: {  	[sflag:s7] =	ssyncset.done $0x0;
	s0 =	sshrl.u32 s1, $0x3  }
0x3d: {  	[sflag:s7] =	ssyncadd.s32 $0xFFFFFB00;
	[smem:$0x7F9] =	sst s0  }
0x3e: {  	[spmem:s0], [sflag:s25] =	dma.local [hbm:s10], $0x500  }
0x3f: {  	_ =	swait.ge [sflag:s7], $0x500  }
0x40: {  	s2 =	rddreg [dreg:$0x17]  }
0x41: {  	[sflag:s7] =	ssyncset.done $0x0;
	s0 =	sshrl.u32 s2, $0x3  }
0x42: {  	[sflag:s7] =	ssyncadd.s32 $0xFFFFFB00;
	[smem:$0x7FA] =	sst s0  }
0x43: {  	[spmem:s0], [sflag:s25] =	dma.local [hbm:s10], $0x500  }
0x44: {  	_ =	swait.ge [sflag:s7], $0x500  }
0x45: {  	s3 =	rddreg [dreg:$0x18]  }
0x46: {  	[sflag:s7] =	ssyncset.done $0x0;
	s0 =	sshrl.u32 s3, $0x3  }
0x47: {  	[sflag:s7] =	ssyncadd.s32 $0xFFFFFB00;
	[smem:$0x7FB] =	sst s0  }
0x48: {  	[spmem:s0], [sflag:s25] =	dma.local [hbm:s10], $0x500  }
0x49: {  	_ =	swait.ge [sflag:s7], $0x500  }
0x4a: {  	s4 =	rddreg [dreg:$0x19]  }
0x4b: {  	[sflag:s7] =	ssyncset.done $0x0;
	s0 =	sshrl.u32 s4, $0x3  }
0x4c: {  	[sflag:s7] =	ssyncadd.s32 $0xFFFFFB00;
	[smem:$0x7FC] =	sst s0  }
0x4d: {  	[spmem:s0], [sflag:s25] =	dma.local [hbm:s10], $0x500  }
0x4e: {  	_ =	swait.ge [sflag:s7], $0x500  }
0x4f: {  	[sflag:s7] =	ssyncset.done $0x0;
	s5 =	rddreg [dreg:$0x1a]  }
0x50: {  	[sflag:s7] =	ssyncadd.s32 $0xFFFFFB00;
	s4 =	sshrl.u32 s5, $0x3  }
0x51: {  	[spmem:s4], [sflag:s25] =	dma.local [hbm:s10], $0x500  }
0x52: {  	_ =	swait.ge [sflag:s7], $0x500  }
0x53: {  	[sflag:s7] =	ssyncset.done $0x0;
	s6 =	rddreg [dreg:$0x1b]  }
0x54: {  	[sflag:s7] =	ssyncadd.s32 $0xFFFFFB00;
	s6 =	sshrl.u32 s6, $0x3  }
0x55: {  	[spmem:s6], [sflag:s25] =	dma.local [hbm:s10], $0x500  }
0x56: {  	_ =	swait.ge [sflag:s7], $0x500  }
0x57: {  	[sflag:s7] =	ssyncset.done $0x0;
	s0 =	rddreg [dreg:$0x1c]  }
0x58: {  	[sflag:s7] =	ssyncadd.s32 $0xFFFFFB00;
	s15 =	sshrl.u32 @!p0 s0, $0x3;
	s0 =	simm.s32 @!p0 $0x3  }
0x59: {  	[spmem:s15], [sflag:s25] =	dma.local @!p0 [hbm:s10], $0x500  }
0x5a: {  	_ =	swait.ge @!p0 [sflag:s0], $0x500  }
0x5b: {  	[sflag:s0] =	ssyncset.done @!p0 $0x0;
	s13 =	rddreg [dreg:$0x12]  }
0x5c: {  	[sflag:s0] =	ssyncadd.s32 @!p0 $0xFFFFFB00;
	s5 =	sshrl.u32 s13, $0x3  }
0x5d: {  	[spmem:s5], [sflag:s25] =	dma.local [hbm:s10], $0x200  }
0x5e: {  	_ =	swait.ge [sflag:s7], $0x200  }
0x5f: {  	[sflag:s7] =	ssyncset.done $0x0  }
0x60: {  	[sflag:s7] =	ssyncadd.s32 $0xFFFFFE00  }
0x61: {  	s28 =	simm.s32 $0x0;
	[bflag:$0x0] =	sbarrier.arrive $0xFFFF  }
.LBB2_2:
0x62: {  	s0 =	sshll.u32 s28, $0xC  }
0x63: {  	s0 =	sadd.s32 s29, s0  }
0x64: {  	s0 =	sshrl.u32 s0, $0x3  }
0x65: {  	s1 =	simm.s32 $0x0;
	s13 =	sadd.s32 s19, s0  }
0x66: {  	[tilespmem:s1], [sflag:$0x3] =	stream.linear.gather [hbm4b:s13+s1], $0xC80, $0x38;
	[tilespmem:$0x1B900] =	vst v63  }
0x67: {  	_ =	swait.ge [sflag:s7], $0xC80  }
0x68: {  	[sflag:s7] =	ssyncset.done $0x0  }
0x69: {  	s0 =	sadd.s32 s20, s0;
	[sflag:s7] =	ssyncadd.s32 $0xFFFFF380  }
0x6a: {  	[tilespmem:s8], [sflag:$0x3] =	stream.linear.gather [hbm4b:s0+s1], $0xC80, $0x38;
	[tilespmem:$0x1B900] =	vst v63  }
0x6b: {  	_ =	swait.ge [sflag:s7], $0xC80  }
0x6c: {  	[sflag:s7] =	ssyncset.done $0x0  }
0x6d: {  	[sflag:s7] =	ssyncadd.s32 $0xFFFFF380  }
0x6e: {  	[tilespmem:s11], [sflag:$0x1] =	stream.indirect.gather [hbm4b:s18+s9], $0x80, s1, s9, $0xb8;
	[tilespmem:$0x1B900] =	vst v63  }
0x6f: {  	_ = 	snop  }
0x70: {  	[tilespmem:s16], [sflag:$0x2] =	stream.indirect.gather [hbm4b:s18+s9], $0x80, s12, s9, $0xb8;
	[tilespmem:$0x1B900] =	vst v63  }
0x71: {  	_ =	swait.ge [sflag:s17], $0x2800  }
0x72: {  	[sflag:s17] =	ssyncset.done $0x0  }
0x73: {  	s2 =	simm.s32 $0x1000;
	[sflag:s17] =	ssyncadd.s32 $0xFFFFD800  }
0x74: {  	[spmem:s14] =	stream.indirect.scatter.add.f32 [tilespmem:s11], [sflag:$0x3], $0x80, s2, s9, $0xb8;
	[tilespmem:$0x1B900] =	vst v63  }
0x75: {  	_ =	swait.ge [sflag:s7], $0x2800  }
0x76: {  	[sflag:s7] =	ssyncset.done $0x0  }
0x77: {  	s3 =	simm.s32 $0x100;
	[sflag:s7] =	ssyncadd.s32 $0xFFFFD800  }
0x78: {  	[tilespmem:s11], [sflag:$0x1] =	stream.indirect.gather [hbm4b:s18+s9], $0x80, s3, s9, $0xb8;
	[tilespmem:$0x1B900] =	vst v63  }
0x79: {  	_ =	swait.ge [sflag:s21], $0x2800  }
0x7a: {  	[sflag:s21] =	ssyncset.done $0x0  }
0x7b: {  	s13 =	simm.s32 $0x1080;
	[sflag:s21] =	ssyncadd.s32 $0xFFFFD800  }
0x7c: {  	[spmem:s14] =	stream.indirect.scatter.add.f32 [tilespmem:s16], [sflag:$0x3], $0x80, s13, s9, $0xb8;
	[tilespmem:$0x1B900] =	vst v63  }
0x7d: {  	_ =	swait.ge [sflag:s7], $0x2800  }
0x7e: {  	[sflag:s7] =	ssyncset.done $0x0  }
0x7f: {  	s0 =	simm.s32 $0x180;
	s13 =	simm.s32 $0x400;
	[sflag:s7] =	ssyncadd.s32 $0xFFFFD800  }
.LBB2_3:
0x80: {  	[tilespmem:s16], [sflag:$0x2] =	stream.indirect.gather [hbm4b:s18+s9], $0x80, s0, s9, $0xb8;
	[tilespmem:$0x1B900] =	vst v63  }
0x81: {  	s0 =	smov.u32 s13  }
0x82: {  	p2 =	sne.s32 s13, $0x2800;
	s13 =	sadd.s32 $0x400, s13;
	_ =	swait.ge [sflag:s17], $0x2800  }
0x83: {  	s0 =	sshra.s32 s0, $0x2;
	[sflag:s17] =	ssyncset.done $0x0  }
0x84: {  	s1 =	sadd.s32 $0x1000, s0;
	[sflag:s17] =	ssyncadd.s32 $0xFFFFD800  }
0x85: {  	[spmem:s14] =	stream.indirect.scatter.add.f32 [tilespmem:s11], [sflag:$0x3], $0x80, s1, s9, $0xb8;
	[tilespmem:$0x1B900] =	vst v63  }
0x86: {  	_ =	swait.ge [sflag:s7], $0x2800  }
0x87: {  	[sflag:s7] =	ssyncset.done $0x0  }
0x88: {  	s1 =	sadd.s32 $0x100, s0;
	[sflag:s7] =	ssyncadd.s32 $0xFFFFD800  }
0x89: {  	[tilespmem:s11], [sflag:$0x1] =	stream.indirect.gather [hbm4b:s18+s9], $0x80, s1, s9, $0xb8;
	[tilespmem:$0x1B900] =	vst v63  }
0x8a: {  	_ =	swait.ge [sflag:s21], $0x2800  }
0x8b: {  	[sflag:s21] =	ssyncset.done $0x0  }
.Ltmp0:
0x8c: {  	s1 =	sadd.s32 $0x1080, s0;
	[sflag:s21] =	ssyncadd.s32 $0xFFFFD800;
	(pc) =	sbr.rel @p2 .LBB2_3-.Ltmp0, $4  }
0x8d: {  	[spmem:s14] =	stream.indirect.scatter.add.f32 [tilespmem:s16], [sflag:$0x3], $0x80, s1, s9, $0xb8;
	[tilespmem:$0x1B900] =	vst v63  }
0x8e: {  	_ =	swait.ge [sflag:s7], $0x2800  }
0x8f: {  	[sflag:s7] =	ssyncset.done $0x0  }
0x90: {  	s0 =	sadd.s32 $0x180, s0;
	[sflag:s7] =	ssyncadd.s32 $0xFFFFD800  }
0x91: {  	[tilespmem:s16], [sflag:$0x2] =	stream.indirect.gather [hbm4b:s18+s9], $0x80, s0, s9, $0xb8;
	[tilespmem:$0x1B900] =	vst v63  }
0x92: {  	_ =	swait.ge [sflag:s17], $0x2800  }
0x93: {  	[sflag:s17] =	ssyncset.done $0x0  }
0x94: {  	[sflag:s17] =	ssyncadd.s32 $0xFFFFD800  }
0x95: {  	[spmem:s14] =	stream.indirect.scatter.add.f32 [tilespmem:s11], [sflag:$0x3], $0x80, s22, s9, $0xb8;
	[tilespmem:$0x1B900] =	vst v63  }
0x96: {  	_ =	swait.ge [sflag:s7], $0x2800  }
0x97: {  	[sflag:s7] =	ssyncset.done $0x0  }
0x98: {  	[sflag:s7] =	ssyncadd.s32 $0xFFFFD800  }
0x99: {  	[tilespmem:s11], [sflag:$0x1] =	stream.indirect.gather [hbm4b:s18+s9], $0x80, s23, s9, $0xb8;
	[tilespmem:$0x1B900] =	vst v63  }
0x9a: {  	_ =	swait.ge [sflag:s21], $0x2800  }
0x9b: {  	[sflag:s21] =	ssyncset.done $0x0  }
0x9c: {  	[sflag:s21] =	ssyncadd.s32 $0xFFFFD800  }
0x9d: {  	[spmem:s14] =	stream.indirect.scatter.add.f32 [tilespmem:s16], [sflag:$0x3], $0x80, s24, s9, $0xb8;
	[tilespmem:$0x1B900] =	vst v63  }
0x9e: {  	_ =	swait.ge [sflag:s7], $0x2800  }
0x9f: {  	[sflag:s7] =	ssyncset.done $0x0  }
0xa0: {  	[sflag:s7] =	ssyncadd.s32 $0xFFFFD800  }
0xa1: {  	s28 =	sadd.s32 $0x1, s28;
	_ =	swait.ge [sflag:s17], $0x2800  }
0xa2: {  	p2 =	sne.s32 s28, $0x5;
	[sflag:s17] =	ssyncset.done $0x0  }
.Ltmp1:
0xa3: {  	[sflag:s17] =	ssyncadd.s32 $0xFFFFD800;
	(pc) =	sbr.rel @p2 .LBB2_2-.Ltmp1, $4  }
0xa4: {  	[spmem:s14] =	stream.indirect.scatter.add.f32 [tilespmem:s11], [sflag:$0x3], $0x80, s26, s9, $0xb8;
	[tilespmem:$0x1B900] =	vst v63  }
0xa5: {  	_ =	swait.ge [sflag:s7], $0x2800  }
0xa6: {  	[sflag:s7] =	ssyncset.done $0x0  }
0xa7: {  	[sflag:s7] =	ssyncadd.s32 $0xFFFFD800  }
0xa8: {  	s0 =	rddreg [dreg:$0x6];
	s1 =	simm.s32 $0x0;
	s3 =	simm.s32 $0x2000  }
0xa9: {  	[tilespmem:s3], [sflag:$0x4] =	stream.linear.gather [hbm4b:s0+s1], $0x50, $0x38;
	[tilespmem:$0x1B900] =	vst v63  }
0xaa: {  	_ =	swait.ge [sflag:s30], $0x50  }
0xab: {  	[sflag:s30] =	ssyncset.done $0x0  }
0xac: {  	s2 =	rddreg [dreg:$0x1d];
	[sflag:s30] =	ssyncadd.s32 $0xFFFFFFB0  }
0xad: {  	[tilespmem:s11], [sflag:$0x4] =	stream.linear.gather [hbm4b:s2+s1], $0x2800, $0x38;
	[tilespmem:$0x1B900] =	vst v63  }
0xae: {  	_ =	swait.ge [sflag:s30], $0x2800  }
0xaf: {  	[sflag:s30] =	ssyncset.done $0x0  }
0xb0: {  	[sflag:s30] =	ssyncadd.s32 $0xFFFFD800  }
0xb1: {  	s2 =	rddreg [dreg:$0x4]  }
0xb2: {  	[spmem:s2] =	stream.indirect.scatter.add.f32 [tilespmem:s11], [sflag:$0x3], $0x80, s3, s9, $0xb8;
	[tilespmem:$0x1B900] =	vst v63  }
0xb3: {  	_ =	swait.ge [sflag:s7], $0x2800  }
0xb4: {  	[sflag:s7] =	ssyncset.done $0x0  }
0xb5: {  	s13 =	rddreg [dreg:$0x7];
	[sflag:s7] =	ssyncadd.s32 $0xFFFFD800  }
0xb6: {  	[tilespmem:s3], [sflag:$0x4] =	stream.linear.gather [hbm4b:s13+s1], $0x50, $0x38;
	[tilespmem:$0x1B900] =	vst v63  }
0xb7: {  	_ =	swait.ge [sflag:s30], $0x50  }
0xb8: {  	[sflag:s30] =	ssyncset.done $0x0  }
0xb9: {  	s28 =	rddreg [dreg:$0x1e];
	[sflag:s30] =	ssyncadd.s32 $0xFFFFFFB0  }
0xba: {  	[tilespmem:s11], [sflag:$0x4] =	stream.linear.gather [hbm4b:s28+s1], $0x2800, $0x38;
	[tilespmem:$0x1B900] =	vst v63  }
0xbb: {  	_ =	swait.ge [sflag:s30], $0x2800  }
0xbc: {  	[sflag:s30] =	ssyncset.done $0x0  }
0xbd: {  	[sflag:s30] =	ssyncadd.s32 $0xFFFFD800  }
0xbe: {  	[spmem:s2] =	stream.indirect.scatter.add.f32 [tilespmem:s11], [sflag:$0x3], $0x80, s3, s9, $0xb8;
	[tilespmem:$0x1B900] =	vst v63  }
0xbf: {  	_ =	swait.ge [sflag:s7], $0x2800  }
0xc0: {  	[sflag:s7] =	ssyncset.done $0x0  }
0xc1: {  	s13 =	rddreg [dreg:$0x8];
	[sflag:s7] =	ssyncadd.s32 $0xFFFFD800  }
0xc2: {  	[tilespmem:s3], [sflag:$0x4] =	stream.linear.gather [hbm4b:s13+s1], $0x50, $0x38;
	[tilespmem:$0x1B900] =	vst v63  }
0xc3: {  	_ =	swait.ge [sflag:s30], $0x50  }
0xc4: {  	[sflag:s30] =	ssyncset.done $0x0  }
0xc5: {  	s28 =	rddreg [dreg:$0x1f];
	[sflag:s30] =	ssyncadd.s32 $0xFFFFFFB0  }
0xc6: {  	[tilespmem:s11], [sflag:$0x4] =	stream.linear.gather [hbm4b:s28+s1], $0x2800, $0x38;
	[tilespmem:$0x1B900] =	vst v63  }
0xc7: {  	_ =	swait.ge [sflag:s30], $0x2800  }
0xc8: {  	[sflag:s30] =	ssyncset.done $0x0  }
0xc9: {  	[sflag:s30] =	ssyncadd.s32 $0xFFFFD800  }
0xca: {  	[spmem:s2] =	stream.indirect.scatter.add.f32 [tilespmem:s11], [sflag:$0x3], $0x80, s3, s9, $0xb8;
	[tilespmem:$0x1B900] =	vst v63  }
0xcb: {  	_ =	swait.ge [sflag:s7], $0x2800  }
0xcc: {  	s0 =	simm.s32 @!p1 $0x0;
	[sflag:s7] =	ssyncset.done $0x0  }
0xcd: {  	s1 =	simm.s32 @!p1 $0x2000;
	s13 =	rddreg [dreg:$0x9];
	[sflag:s7] =	ssyncadd.s32 $0xFFFFD800  }
0xce: {  	[tilespmem:s1], [sflag:$0x4] =	stream.linear.gather @!p1 [hbm4b:s13+s0], $0x50, $0x38;
	[tilespmem:$0x1B900] =	vst v63  }
0xcf: {  	s13 =	simm.s32 @!p1 $0x4  }
0xd0: {  	_ =	swait.ge @!p1 [sflag:s13], $0x50  }
0xd1: {  	s3 =	sld [smem:$0x7FD]  }
0xd2: {  	[sflag:s13] =	ssyncset.done @!p1 $0x0  }
0xd3: {  	s28 =	simm.s32 @!p1 $0x2080;
	[sflag:s13] =	ssyncadd.s32 @!p1 $0xFFFFFFB0  }
0xd4: {  	[tilespmem:s28], [sflag:$0x4] =	stream.linear.gather @!p1 [hbm4b:s3+s0], $0x2800, $0x38;
	[tilespmem:$0x1B900] =	vst v63  }
0xd5: {  	_ =	swait.ge @!p1 [sflag:s13], $0x2800  }
0xd6: {  	[sflag:s13] =	ssyncset.done @!p1 $0x0  }
0xd7: {  	s0 =	simm.s32 @!p1 $0x50;
	[sflag:s13] =	ssyncadd.s32 @!p1 $0xFFFFD800  }
0xd8: {  	[spmem:s2] =	stream.indirect.scatter.add.f32 @!p1 [tilespmem:s28], [sflag:$0x3], $0x80, s1, s0, $0xb8;
	[tilespmem:$0x1B900] =	vst v63  }
0xd9: {  	s0 =	simm.s32 @!p1 $0x3  }
0xda: {  	_ =	swait.ge @!p1 [sflag:s0], $0x2800  }
0xdb: {  	[sflag:s0] =	ssyncset.done @!p1 $0x0  }
0xdc: {  	[sflag:s0] =	ssyncadd.s32 @!p1 $0xFFFFD800  }
0xdd: {  	[bflag:$0x0] =	sbarrier.arrive $0xFFFF  }
0xde: {  	s3 =	sld [smem:$0x7F8];
	_ =	sdelay $0x1  }
0xdf: {  	s2 =	rddreg [dreg:$0xa]  }
0xe0: {  	[hbm:s2], [sflag:s25] =	dma.local [spmem:s3], $0x500  }
0xe1: {  	_ =	swait.ge [sflag:s7], $0x500  }
0xe2: {  	s28 =	sld [smem:$0x7F9]  }
0xe3: {  	[sflag:s7] =	ssyncset.done $0x0  }
0xe4: {  	s13 =	rddreg [dreg:$0xb];
	[sflag:s7] =	ssyncadd.s32 $0xFFFFFB00  }
0xe5: {  	[hbm:s13], [sflag:s25] =	dma.local [spmem:s28], $0x500  }
0xe6: {  	_ =	swait.ge [sflag:s7], $0x500  }
0xe7: {  	s3 =	sld [smem:$0x7FA]  }
0xe8: {  	[sflag:s7] =	ssyncset.done $0x0  }
0xe9: {  	s2 =	rddreg [dreg:$0xc];
	[sflag:s7] =	ssyncadd.s32 $0xFFFFFB00  }
0xea: {  	[hbm:s2], [sflag:s25] =	dma.local [spmem:s3], $0x500  }
0xeb: {  	_ =	swait.ge [sflag:s7], $0x500  }
0xec: {  	s28 =	sld [smem:$0x7FB]  }
0xed: {  	[sflag:s7] =	ssyncset.done $0x0  }
0xee: {  	s13 =	rddreg [dreg:$0xd];
	[sflag:s7] =	ssyncadd.s32 $0xFFFFFB00  }
0xef: {  	[hbm:s13], [sflag:s25] =	dma.local [spmem:s28], $0x500  }
0xf0: {  	_ =	swait.ge [sflag:s7], $0x500  }
0xf1: {  	s2 =	sld [smem:$0x7FC]  }
0xf2: {  	[sflag:s7] =	ssyncset.done $0x0  }
0xf3: {  	s1 =	rddreg [dreg:$0xe];
	[sflag:s7] =	ssyncadd.s32 $0xFFFFFB00  }
0xf4: {  	[hbm:s1], [sflag:s25] =	dma.local [spmem:s2], $0x500  }
0xf5: {  	_ =	swait.ge [sflag:s7], $0x500  }
0xf6: {  	[sflag:s7] =	ssyncset.done $0x0  }
0xf7: {  	s3 =	rddreg [dreg:$0xf];
	[sflag:s7] =	ssyncadd.s32 $0xFFFFFB00  }
0xf8: {  	[hbm:s3], [sflag:s25] =	dma.local [spmem:s4], $0x500  }
0xf9: {  	_ =	swait.ge [sflag:s7], $0x500  }
0xfa: {  	[sflag:s7] =	ssyncset.done $0x0  }
0xfb: {  	s13 =	rddreg [dreg:$0x10];
	[sflag:s7] =	ssyncadd.s32 $0xFFFFFB00  }
0xfc: {  	[hbm:s13], [sflag:s25] =	dma.local [spmem:s6], $0x500  }
0xfd: {  	_ =	swait.ge [sflag:s7], $0x500  }
0xfe: {  	[sflag:s7] =	ssyncset.done $0x0  }
0xff: {  	s0 =	rddreg [dreg:$0x11];
	[sflag:s7] =	ssyncadd.s32 $0xFFFFFB00  }
0x100: {  	[hbm:s0], [sflag:s25] =	dma.local @!p0 [spmem:s15], $0x500  }
0x101: {  	s0 =	simm.s32 @!p0 $0x3  }
0x102: {  	_ =	swait.ge @!p0 [sflag:s0], $0x500  }
0x103: {  	[sflag:s0] =	ssyncset.done @!p0 $0x0  }
0x104: {  	s15 =	rddreg [dreg:$0x13];
	[sflag:s0] =	ssyncadd.s32 @!p0 $0xFFFFFB00  }
0x105: {  	[hbm:s15], [sflag:s25] =	dma.local [spmem:s5], $0x200  }
0x106: {  	_ =	swait.ge [sflag:s7], $0x200  }
0x107: {  	s31 =	sadd.s32 $0x1, s31;
	s28 =	rddreg [dreg:$0x14]  }
0x108: {  	p2 =	sne.s32 s31, s28  }
.Ltmp2:
0x109: {  	_ = 	snop;
	(pc) =	sbr.rel @p2 .LBB2_1-.Ltmp2, $3  }
0x10a: {  	_ =	sdelay $0x1  }
0x10b: {  	[sflag:s7] =	ssyncset.done $0x0  }
0x10c: {  	[sflag:s7] =	ssyncadd.s32 $0xFFFFFE00  }
0x10d: {  	_ =	sfence.sel $0x180000  }
0x10e: {  	[bflag:$0x0] =	sbarrier.arrive $0xFFFF  }
0x10f: {  	_ =	strace $0x90000047  }
0x110: {  	s0 =	stileid.u32;
	[bflag:$0x2] =	sbarrier.arrive $0xFFFF  }
0x111: {  	p0 =	sne.s32 s0, $0x0;
	s0 =	rddreg [dreg:$0x5]  }
0x112: {  	s0 =	sadd.s32 @!p0 $0x100000, s0  }
0x113: {  	[sflag:s0] =	ssyncadd.tile.s32 @!p0 $0x1;
	_ =	shalt  }
.Lfunc_end2:
_tile_overlayer_lowered:
.L_overlay_start_2:
0x114: {  	(tag) =	ssettag $0x2  }
0x115: {  	s0 =	rddreg [dreg:$0x0];
	s2 =	stileid.u32  }
0x116: {  	s1 =	rddreg [dreg:$0x1];
	p0 =	sne.s32 s2, $0x0  }
0x117: {  	s3 =	rddreg [dreg:$0x2];
	[bflag:$0x3] =	sbarrier.arrive $0xFFFF;
	s2 =	simm.s32 @!p0 $0x1C03  }
0x118: {  	[timem:s3], [sflag:s2] =	dma.local @!p0 [hbm:s0], s1  }
0x119: {  	s0 =	simm.s32 @!p0 $0x3  }
0x11a: {  	_ =	swait.ge @!p0 [sflag:s0], s1  }
0x11b: {  	s1 =	ssub.s32 @!p0 $0x0, s1;
	[sflag:s0] =	ssyncset.done @!p0 $0x0  }
0x11c: {  	[sflag:s0] =	ssyncadd.s32 @!p0 s1  }
0x11d: {  	[bflag:$0x3] =	sbarrier.arrive $0xFFFF  }
0x11e: {  	_ =	shalt  }

// kernel: kernel.14.cloned.1.call-start
scs
__scs_entry_jumppad:
0x0: {  	(pc) =	sbr.rel $0x88, $3  }
0x1: {  	(tag) =	ssettag $0x0;
	lr =	simm.s32 $0x1  }
0x2: {  	[smem:$0x3F8C] =	sst lr;
	_ =	strace $0xD0000000  }
0x3: {  	_ = 	snop  }
0x4: {  	_ = 	snop  }
0x5: {  	_ = 	snop  }
0x6: {  	_ = 	snop  }
0x7: {  	_ = 	snop  }
__scs_overlays_trampoline_lowered:
0x8: {  	[smem:$0x3F9B] =	sst s0  }
0x9: {  	[smem:$0x3F9C] =	sst s1  }
0xa: {  	[smem:$0x3F9D] =	sst s2  }
0xb: {  	[smem:$0x3F9E] =	sst s3  }
0xc: {  	[smem:$0x3F9F] =	sst s4  }
0xd: {  	[smem:$0x3FA0] =	sst s5  }
0xe: {  	[smem:$0x3FA1] =	sst s6  }
0xf: {  	[smem:$0x3FA2] =	sst s7  }
0x10: {  	[smem:$0x3FA3] =	sst s8  }
0x11: {  	[smem:$0x3FA4] =	sst s9;
	s0 =	simm.s32 @!p0 $0x0  }
0x12: {  	s1 =	sld [smem:$0x3F8A];
	s0 =	simm.s32 @p0 $0x1  }
0x13: {  	[smem:$0x3FA5] =	sst s0;
	s0 =	simm.s32 @!p1 $0x0  }
0x14: {  	s2 =	sld [smem:$0x3F89];
	s0 =	simm.s32 @p1 $0x1  }
0x15: {  	[smem:$0x3FA6] =	sst s0;
	s0 =	simm.s32 @!p2 $0x0  }
0x16: {  	s3 =	sld [smem:$0x3FDB];
	s0 =	simm.s32 @p2 $0x1  }
0x17: {  	s4 =	simm.s32 $0x1BF5;
	[smem:$0x3FA8] =	sst s0  }
0x18: {  	s0 =	sld [smem:$0x3F8B];
	_ =	swait.ge [sflag:s4], $0x0  }
0x19: {  	s7 =	sld [smem:$0x3F8C]  }
0x1a: {  	s8 =	sadd.s32 $0xFFFFE003, lr  }
0x1b: {  	s9 =	sadd.s32 $0xFFFFFEF7, lr;
	s5 =	simm.s32 $0xFFFFFFFF;
	p2 =	slt.u32 s8, $0xFFFFF086  }
0x1c: {  	p1 =	slt.u32 s9, $0xF7A;
	s5 =	simm.s32 @!p2 $0x0  }
0x1d: {  	s5 =	simm.s32 @p1 $0x1;
	p0 =	seq.s32 s7, s2  }
0x1e: {  	s7 =	smul.u32 @!p0 $0xF7A, s2;
	p2 =	seq.s32 @!p0 s5, $0x0  }
0x1f: {  	s9 =	smul.u32 $0xF7A, s1;
	s8 =	simm.s32 @!p0 $0x1BF5;
	p2 =	por !p2, p0  }
0x20: {  	[sflag:s8] =	ssyncset.s32 @!p0 $0xFFFFF086;
	s6 =	sadd.s32 @!p0 s3, s7;
	s7 =	simm.s32 @!p0 $0x108  }
0x21: {  	s3 =	sadd.s32 s3, s9;
	s6 =	sadd.s32 @!p0 $0x88, s6;
	s7 =	simm.s32 @p2 $0x1082  }
0x22: {  	[simem:s7], [sflag:s8] =	dma.local @!p0 [hbm:s6], $0xF7A  }
0x23: {  	s9 =	sor.u32 $0xD0000000, s2;
	s6 =	simm.s32 $0x108;
	_ =	swait.ge @!p0 [sflag:s8], $0x0  }
0x24: {  	s3 =	sadd.s32 $0x88, s3;
	s6 =	simm.s32 @!p1 $0x1082;
	[sflag:s4] =	ssyncset.s32 $0xFFFFF086  }
0x25: {  	[simem:s6], [sflag:s4] =	dma.local [hbm:s3], $0xF7A  }
0x26: {  	[smem:$0x3F8C] =	sst s1;
	(tag) =	ssettag s2;
	_ =	strace s9  }
0x27: {  	s1 =	sld [smem:$0x3F9C]  }
0x28: {  	s2 =	sld [smem:$0x3F9D]  }
0x29: {  	s4 =	sld [smem:$0x3F9F]  }
0x2a: {  	p0 =	seq.s32 s5, $0x0;
	s5 =	sld [smem:$0x3FA0]  }
0x2b: {  	s6 =	sld [smem:$0x3FA1]  }
0x2c: {  	s7 =	sld [smem:$0x3FA2]  }
0x2d: {  	s3 =	simm.s32 $0x108;
	s8 =	sld [smem:$0x3FA3]  }
0x2e: {  	s3 =	simm.s32 @!p0 $0x1082;
	s9 =	sld [smem:$0x3FA4]  }
0x2f: {  	lr =	sadd.s32 s0, s3;
	s0 =	sld [smem:$0x3F9B]  }
0x30: {  	s3 =	sld [smem:$0x3F9E]  }
0x31: {  	[smem:$0x3FA7] =	sst s10  }
0x32: {  	s10 =	sld [smem:$0x3FA5];
	_ =	sdelay $0x3  }
0x33: {  	p0 =	seq.s32 s10, $0x1;
	s10 =	sld [smem:$0x3FA7];
	_ =	sdelay $0x3  }
0x34: {  	[smem:$0x3FA7] =	sst s10  }
0x35: {  	s10 =	sld [smem:$0x3FA6];
	_ =	sdelay $0x3  }
0x36: {  	p1 =	seq.s32 s10, $0x1;
	s10 =	sld [smem:$0x3FA7];
	_ =	sdelay $0x3  }
0x37: {  	[smem:$0x3FA7] =	sst s10  }
0x38: {  	s10 =	sld [smem:$0x3FA8]  }
0x39: {  	_ = 	snop;
	(pc) =	sbr.ind lr, $3  }
0x3a: {  	_ = 	snop  }
0x3b: {  	_ = 	snop  }
0x3c: {  	p2 =	seq.s32 s10, $0x1;
	s10 =	sld [smem:$0x3FA7]  }
0x3d: {  	_ =	shalt  }
0x3e: {  	_ =	shalt  }
0x3f: {  	_ =	shalt  }
0x40: {  	_ =	shalt  }
0x41: {  	_ =	shalt  }
0x42: {  	_ =	shalt  }
0x43: {  	_ =	shalt  }
0x44: {  	_ =	shalt  }
0x45: {  	_ =	shalt  }
0x46: {  	_ =	shalt  }
0x47: {  	_ =	shalt  }
0x48: {  	_ =	shalt  }
0x49: {  	_ =	shalt  }
0x4a: {  	_ =	shalt  }
0x4b: {  	_ =	shalt  }
0x4c: {  	_ =	shalt  }
0x4d: {  	_ =	shalt  }
0x4e: {  	_ =	shalt  }
0x4f: {  	_ =	shalt  }
0x50: {  	_ =	shalt  }
0x51: {  	_ =	shalt  }
0x52: {  	_ =	shalt  }
0x53: {  	_ =	shalt  }
0x54: {  	_ =	shalt  }
0x55: {  	_ =	shalt  }
0x56: {  	_ =	shalt  }
0x57: {  	_ =	shalt  }
0x58: {  	_ =	shalt  }
0x59: {  	_ =	shalt  }
0x5a: {  	_ =	shalt  }
0x5b: {  	_ =	shalt  }
0x5c: {  	_ =	shalt  }
0x5d: {  	_ =	shalt  }
0x5e: {  	_ =	shalt  }
0x5f: {  	_ =	shalt  }
0x60: {  	_ =	shalt  }
0x61: {  	_ =	shalt  }
0x62: {  	_ =	shalt  }
0x63: {  	_ =	shalt  }
0x64: {  	_ =	shalt  }
0x65: {  	_ =	shalt  }
0x66: {  	_ =	shalt  }
0x67: {  	_ =	shalt  }
0x68: {  	_ =	shalt  }
0x69: {  	_ =	shalt  }
0x6a: {  	_ =	shalt  }
0x6b: {  	_ =	shalt  }
0x6c: {  	_ =	shalt  }
0x6d: {  	_ =	shalt  }
0x6e: {  	_ =	shalt  }
0x6f: {  	_ =	shalt  }
0x70: {  	_ =	shalt  }
0x71: {  	_ =	shalt  }
0x72: {  	_ =	shalt  }
0x73: {  	_ =	shalt  }
0x74: {  	_ =	shalt  }
0x75: {  	_ =	shalt  }
0x76: {  	_ =	shalt  }
0x77: {  	_ =	shalt  }
0x78: {  	_ =	shalt  }
0x79: {  	_ =	shalt  }
0x7a: {  	_ =	shalt  }
0x7b: {  	_ =	shalt  }
0x7c: {  	_ =	shalt  }
0x7d: {  	_ =	shalt  }
0x7e: {  	_ =	shalt  }
0x7f: {  	_ =	shalt  }
0x80: {  	_ =	shalt  }
0x81: {  	_ =	shalt  }
0x82: {  	_ =	shalt  }
0x83: {  	_ =	shalt  }
0x84: {  	_ =	shalt  }
0x85: {  	_ =	shalt  }
0x86: {  	_ =	shalt  }
0x87: {  	_ =	shalt  }
.Lfunc_end0:
.L_simem_size_0:
called_computation.1_lowered:
.L_overlay_start_0:
0x88: {  	s2 =	sld [smem:$0x3FD9]  }
0x89: {  	s3 =	sld [smem:$0x3FFE];
	_ =	sdelay $0x1  }
0x8a: {  	s1 =	srdreg.scid  }
0x8b: {  	s0 =	sand.u32 $0x1, s1  }
0x8c: {  	s17 =	sshll.u32 s0, $0xA;
	s2 =	sadd.s32 s3, s2  }
0x8d: {  	s2 =	sadd.s32 s2, s17  }
0x8e: {  	[smem:$0x3FB3] =	sst s2  }
0x8f: {  	_ = 	snop  }
0x90: {  	s2 =	sld [smem:$0x3FC1]  }
0x91: {  	s18 =	sld [smem:$0x3FD0];
	(tm) =	ssettm $0x1  }
0x92: {  	s4 =	sld [smem:$0x3FFB];
	_ =	sdelay $0x3  }
0x93: {  	_ =	strace s4  }
0x94: {  	s4 =	sld [smem:$0x3FFC];
	_ =	sdelay $0x3  }
0x95: {  	_ =	strace s4  }
0x96: {  	s4 =	sld [smem:$0x3FFD];
	_ =	sdelay $0x3  }
0x97: {  	_ =	strace s4  }
0x98: {  	_ =	strace $0x8FFFFFFF  }
0x99: {  	s19 =	sld [smem:$0x3FDB];
	_ =	sdelay $0x1  }
0x9a: {  	s5 =	simm.s32 $_scs_section_size  }
0x9b: {  	s6 =	simm.s32 $_size__tile_overlayer_lowered;
	s7 =	simm.s32 $_tile_overlayer_lowered  }
0x9c: {  	s22 =	simm.s32 $0x1BFF;
	s21 =	sshll.u32 s7, $0x1;
	s4 =	sadd.s32 s5, s19  }
0x9d: {  	s8 =	simm.s32 $0x0;
	s20 =	sshll.u32 s6, $0x1;
	s6 =	sadd.s32 s21, s4  }
0x9e: {  	[timem:s8], [sflag:s22] =	dma.local [hbm:s6], s20  }
0x9f: {  	_ =	swait.ge [sflag:s22], s20  }
0xa0: {  	s5 =	ssub.s32 $0x0, s20;
	[sflag:s22] =	ssyncset.done $0x0  }
0xa1: {  	[sflag:s22] =	ssyncadd.s32 s5;
	_ =	sdelay $0x1  }
0xa2: {  	s23 =	simm.s32 $0x1B8B  }
0xa3: {  	_ =	swait.ge [sflag:s23], $0x1  }
0xa4: {  	[sflag:s23] =	ssyncset.done $0x0  }
0xa5: {  	s25 =	simm.s32 $0x1B8E;
	s24 =	sld [smem:$0x3FFE];
	[sflag:s23] =	ssyncadd.s32 $0xFFFFFFFF  }
0xa6: {  	s26 =	simm.s32 $execute0_lowered;
	[smem:$0x3FD2] =	sst s25  }
0xa7: {  	s6 =	sshll.u32 s26, $0x1;
	_ =	strace $0x80000049;
	[dreg:$0x1] =	wrdreg $0xFFFFFFFF  }
0xa8: {  	s28 =	simm.s32 $_size_execute0_lowered;
	s4 =	sadd.s32 s4, s6;
	[dreg:$0x0] =	wrdreg $0x0  }
0xa9: {  	s6 =	sshll.u32 s28, $0x1;
	[dreg:$0x2] =	wrdreg s4  }
0xaa: {  	[dreg:$0x3] =	wrdreg s6  }
0xab: {  	[dreg:$0x4] =	wrdreg $0xC0  }
0xac: {  	_ =	task [dreg:s8], $0x5FFFF  }
0xad: {  	[dreg:$0x1] =	wrdreg $0xFFFFFFFF  }
0xae: {  	[dreg:$0x0] =	wrdreg $0x60  }
0xaf: {  	[dreg:$0x2] =	wrdreg s24  }
0xb0: {  	[dreg:$0x3] =	wrdreg s2  }
0xb1: {  	[dreg:$0x4] =	wrdreg s18  }
0xb2: {  	[dreg:$0x5] =	wrdreg $0x70800  }
0xb3: {  	[dreg:$0x6] =	wrdreg $0x1A9000  }
0xb4: {  	[dreg:$0x7] =	wrdreg $0x9  }
0xb5: {  	_ =	task.clear_ibuf [dreg:s8], $0x8FFFF;
	_ =	strace $0x90000049  }
0xb6: {  	s29 =	simm.s32 $0x9;
	_ =	strace $0x8000004B  }
0xb7: {  	_ =	swait.ge [sflag:s29], $0x1  }
0xb8: {  	[sflag:s29] =	ssyncadd.s32 $0xFFFFFFFF  }
0xb9: {  	_ =	strace $0x9000004B  }
0xba: {  	_ =	sfence  }
0xbb: {  	s30 =	sld [smem:$0x0];
	_ =	sdelay $0x2  }
0xbc: {  	s31 =	sshll.u32 s1, $0xD;
	s1 =	sshrl.u32 s1, $0x2  }
0xbd: {  	s3 =	sand.u32 $0x4000, s31;
	s1 =	sadd.s32 s1, s30  }
0xbe: {  	s0 =	sor.u32 s3, s0;
	s1 =	sshll.u32 s1, $0x11  }
0xbf: {  	s0 =	sor.u32 s1, s0  }
0xc0: {  	s0 =	sadd.s32 $0x8F2B, s0  }
0xc1: {  	[sflag:s0] =	ssyncadd.remote.s32 $0x1  }
0xc2: {  	_ =	sfence.sel $0xFFFF  }
0xc3: {  	[dreg:$0x0] =	wrdreg $0xFFFFFFFF;
	(pc) =	sbr.abs _section_cstart, $3  }
0xc4: {  	[dreg:$0x1] =	wrdreg $0xFFFFFFFF  }
0xc5: {  	_ =	task.clear_ibuf [dreg:s8], $0x2FFFF;
	_ =	strace $0x9FFFFFFF  }
0xc6: {  	(tm) =	ssettm $0x7FFFFFFF  }
0xc7: {  	_ =	shalt  }
tec
execute0_lowered:
.L_overlay_start_1:
0x0: {  	(tag) =	ssettag $0x1  }
0x1: {  	s4 =	rddreg [dreg:$0x0];
	s24 =	stileid.u32  }
0x2: {  	s0 =	srdreg.scid;
	s9 =	rddreg [dreg:$0x1]  }
0x3: {  	s30 =	simm.s32 $0x4;
	s3 =	sand.u32 $0x1, s0;
	s18 =	smul.u32 $0x2800, s24  }
0x4: {  	s19 =	sshll.u32 s24, $0x1;
	s15 =	sor.u32 $0x10, s24;
	s10 =	smul.u32 $0x138800, s3  }
0x5: {  	s17 =	sor.u32 $0x30, s24;
	s0 =	sor.u32 s3, s19;
	s19 =	smul.u32 $0x2800, s15  }
0x6: {  	s31 =	simm.s32 $0x0;
	s21 =	sor.u32 $0x40, s24;
	s23 =	smul.u32 $0x2800, s17  }
0x7: {  	s1 =	sshll.u32 s24, $0x9;
	s16 =	sor.u32 $0x20, s24;
	s26 =	smul.u32 $0x2800, s21  }
0x8: {  	s1 =	sadd.s32 s1, s4;
	s2 =	ssub.s32 $0x2, s3;
	s11 =	smul.u32 $0xA, s0  }
0x9: {  	s6 =	sshll.u32 s3, $0xD;
	s3 =	sor.u32 $0x40, s0;
	s29 =	smul.u32 $0x5000, s0  }
0xa: {  	s8 =	sadd.s32 s6, s1;
	s1 =	sor.u32 $0x60, s0;
	s13 =	smul.u32 $0xA, s3  }
0xb: {  	s22 =	sor.u32 $0x50, s24;
	s5 =	sshrl.u32 s2, $0x1;
	s14 =	smul.u32 $0xA, s1  }
0xc: {  	s5 =	ssub.s32 s2, s5;
	s2 =	sor.u32 $0x20, s0;
	s0 =	smul.u32 $0x500, s0  }
0xd: {  	s7 =	sor.u32 $0x60, s24;
	s6 =	sor.u32 $0x70, s24;
	s3 =	smul.u32 $0x500, s3  }
0xe: {  	s25 =	sadd.s32 s10, s18;
	p1 =	sgt.u32 s1, $0x7C;
	s1 =	smul.u32 $0x500, s1  }
0xf: {  	s28 =	sadd.s32 s10, s19;
	s8 =	sadd.s32 $0x7A800, s8;
	s12 =	smul.u32 $0xA, s2  }
0x10: {  	p0 =	sgt.u32 s6, $0x7C;
	s11 =	sadd.s32 s9, s11;
	s2 =	smul.u32 $0x500, s2  }
0x11: {  	s5 =	smax.u32 s5, $0x1;
	[dreg:$0x6] =	wrdreg s11;
	s11 =	smul.u32 $0x2800, s16  }
0x12: {  	s20 =	sadd.s32 s9, s13;
	s13 =	sadd.s32 s10, s26;
	s12 =	sadd.s32 s9, s12  }
0x13: {  	[dreg:$0x8] =	wrdreg s20;
	s9 =	sadd.s32 s9, s14;
	s20 =	smul.u32 $0x2800, s22  }
0x14: {  	s14 =	sshrl.u32 s13, $0x3;
	s13 =	sshll.u32 s24, $0x6;
	[dreg:$0x7] =	wrdreg s12  }
0x15: {  	[dreg:$0x9] =	wrdreg s9;
	s12 =	sadd.s32 s10, s23;
	s23 =	smul.u32 $0x2800, s7  }
0x16: {  	s9 =	sshrl.u32 s25, $0x3;
	s11 =	sadd.s32 s10, s11;
	s7 =	smul.u32 $0xA000, s7  }
0x17: {  	s25 =	simm.s32 $0x0;
	s18 =	sadd.s32 s10, s20;
	s20 =	smul.u32 $0x2800, s6  }
0x18: {  	[smem:$0x7FF] =	sst s25;
	s25 =	sshrl.u32 s28, $0x3;
	s26 =	sshrl.u32 s11, $0x3  }
0x19: {  	s11 =	smul.u32 $0xA000, s16;
	s19 =	sadd.s32 s10, s23;
	s23 =	sadd.s32 $0x2C600, s4  }
0x1a: {  	s28 =	sshrl.u32 s12, $0x3;
	s16 =	smul.u32 $0xA000, s17;
	s9 =	sadd.s32 s23, s9  }
0x1b: {  	s20 =	sadd.s32 s10, s20;
	s10 =	sadd.s32 s23, s26;
	[dreg:$0xa] =	wrdreg s9  }
0x1c: {  	s6 =	smul.u32 $0xA000, s6;
	s12 =	sadd.s32 s23, s28;
	[dreg:$0xc] =	wrdreg s10  }
0x1d: {  	s18 =	sshrl.u32 s18, $0x3;
	s26 =	sshrl.u32 s19, $0x3;
	[dreg:$0xd] =	wrdreg s12  }
0x1e: {  	s19 =	sadd.s32 $0xA6800, s4;
	s9 =	sadd.s32 s23, s25;
	s10 =	rddreg [dreg:$0x2]  }
0x1f: {  	s25 =	sadd.s32 s23, s18;
	s28 =	sshrl.u32 s20, $0x3;
	s12 =	rddreg [dreg:$0x4]  }
0x20: {  	s18 =	sadd.s32 $0x5400, s4;
	s20 =	sadd.s32 $0xBA800, s4;
	[dreg:$0xb] =	wrdreg s9  }
0x21: {  	s4 =	sshrl.u32 s11, $0x2;
	s11 =	simm.s32 $0x2080;
	[dreg:$0xf] =	wrdreg s25  }
0x22: {  	s9 =	sadd.s32 s23, s14;
	s14 =	rddreg [dreg:$0x3];
	s25 =	sshll.u32 s24, $0xC  }
0x23: {  	s0 =	sadd.s32 s18, s0;
	[dreg:$0xe] =	wrdreg s9;
	s9 =	sadd.s32 s23, s26  }
0x24: {  	s23 =	sadd.s32 s23, s28;
	s26 =	smul.u32 $0xA000, s24;
	[dreg:$0x10] =	wrdreg s9  }
0x25: {  	s28 =	sadd.s32 s25, s12;
	s25 =	sor.u32 $0x1C03, s13;
	[dreg:$0x11] =	wrdreg s23  }
0x26: {  	s4 =	sadd.s32 s4, s14;
	_ =	strace $0x8000004A;
	[dreg:$0x12] =	wrdreg s28  }
0x27: {  	s24 =	sadd.s32 s18, s2;
	s9 =	smul.u32 $0xA000, s15;
	[dreg:$0x13] =	wrdreg s8  }
0x28: {  	s12 =	simm.s32 $0x80;
	s23 =	smul.u32 $0xA000, s21;
	[dreg:$0x14] =	wrdreg s5  }
0x29: {  	s21 =	sshrl.u32 s7, $0x2;
	s7 =	simm.s32 $0x3;
	[dreg:$0x17] =	wrdreg s4  }
0x2a: {  	s15 =	sshrl.u32 s26, $0x2;
	s28 =	smul.u32 $0xA000, s22;
	[dreg:$0x1d] =	wrdreg s0  }
0x2b: {  	s22 =	sshrl.u32 s6, $0x2;
	[dreg:$0x1e] =	wrdreg s24;
	s24 =	simm.s32 $0x1B80  }
0x2c: {  	s17 =	sadd.s32 s15, s14;
	s26 =	sshrl.u32 s9, $0x2;
	s15 =	sshrl.u32 s16, $0x2  }
0x2d: {  	s16 =	sshrl.u32 s23, $0x2;
	s23 =	sadd.s32 s22, s14;
	[dreg:$0x15] =	wrdreg s17  }
0x2e: {  	s9 =	simm.s32 $0x50;
	s8 =	sadd.s32 s26, s14;
	[dreg:$0x1c] =	wrdreg s23  }
0x2f: {  	s22 =	simm.s32 $0x1B00;
	s4 =	sadd.s32 s15, s14;
	[dreg:$0x16] =	wrdreg s8  }
0x30: {  	s17 =	sshrl.u32 s28, $0x2;
	s26 =	sadd.s32 s18, s3;
	[dreg:$0x18] =	wrdreg s4  }
0x31: {  	s28 =	sadd.s32 s18, s1;
	s23 =	simm.s32 $0xC00;
	[dreg:$0x1f] =	wrdreg s26  }
0x32: {  	s4 =	sadd.s32 s16, s14;
	[smem:$0x7FD] =	sst s28;
	s8 =	simm.s32 $0x1000  }
0x33: {  	s16 =	simm.s32 $0x4880;
	[dreg:$0x19] =	wrdreg s4;
	s4 =	sadd.s32 s17, s14  }
0x34: {  	s26 =	simm.s32 $0x1C00;
	[dreg:$0x1a] =	wrdreg s4;
	s4 =	sadd.s32 s21, s14  }
0x35: {  	s17 =	simm.s32 $0x1;
	s21 =	simm.s32 $0x2;
	[dreg:$0x1b] =	wrdreg s4  }
.LBB2_1:
0x36: {  	s0 =	rddreg [dreg:$0x15]  }
0x37: {  	s0 =	sshrl.u32 s0, $0x3  }
0x38: {  	[smem:$0x7F8] =	sst s0  }
0x39: {  	[spmem:s0], [sflag:s25] =	dma.local [hbm:s10], $0x500  }
0x3a: {  	_ =	swait.ge [sflag:s7], $0x500  }
0x3b: {  	s1 =	rddreg [dreg:$0x16]  }
0x3c: {  	[sflag:s7] =	ssyncset.done $0x0;
	s0 =	sshrl.u32 s1, $0x3  }
0x3d: {  	[sflag:s7] =	ssyncadd.s32 $0xFFFFFB00;
	[smem:$0x7F9] =	sst s0  }
0x3e: {  	[spmem:s0], [sflag:s25] =	dma.local [hbm:s10], $0x500  }
0x3f: {  	_ =	swait.ge [sflag:s7], $0x500  }
0x40: {  	s2 =	rddreg [dreg:$0x17]  }
0x41: {  	[sflag:s7] =	ssyncset.done $0x0;
	s0 =	sshrl.u32 s2, $0x3  }
0x42: {  	[sflag:s7] =	ssyncadd.s32 $0xFFFFFB00;
	[smem:$0x7FA] =	sst s0  }
0x43: {  	[spmem:s0], [sflag:s25] =	dma.local [hbm:s10], $0x500  }
0x44: {  	_ =	swait.ge [sflag:s7], $0x500  }
0x45: {  	s3 =	rddreg [dreg:$0x18]  }
0x46: {  	[sflag:s7] =	ssyncset.done $0x0;
	s0 =	sshrl.u32 s3, $0x3  }
0x47: {  	[sflag:s7] =	ssyncadd.s32 $0xFFFFFB00;
	[smem:$0x7FB] =	sst s0  }
0x48: {  	[spmem:s0], [sflag:s25] =	dma.local [hbm:s10], $0x500  }
0x49: {  	_ =	swait.ge [sflag:s7], $0x500  }
0x4a: {  	s4 =	rddreg [dreg:$0x19]  }
0x4b: {  	[sflag:s7] =	ssyncset.done $0x0;
	s0 =	sshrl.u32 s4, $0x3  }
0x4c: {  	[sflag:s7] =	ssyncadd.s32 $0xFFFFFB00;
	[smem:$0x7FC] =	sst s0  }
0x4d: {  	[spmem:s0], [sflag:s25] =	dma.local [hbm:s10], $0x500  }
0x4e: {  	_ =	swait.ge [sflag:s7], $0x500  }
0x4f: {  	[sflag:s7] =	ssyncset.done $0x0;
	s5 =	rddreg [dreg:$0x1a]  }
0x50: {  	[sflag:s7] =	ssyncadd.s32 $0xFFFFFB00;
	s4 =	sshrl.u32 s5, $0x3  }
0x51: {  	[spmem:s4], [sflag:s25] =	dma.local [hbm:s10], $0x500  }
0x52: {  	_ =	swait.ge [sflag:s7], $0x500  }
0x53: {  	[sflag:s7] =	ssyncset.done $0x0;
	s6 =	rddreg [dreg:$0x1b]  }
0x54: {  	[sflag:s7] =	ssyncadd.s32 $0xFFFFFB00;
	s6 =	sshrl.u32 s6, $0x3  }
0x55: {  	[spmem:s6], [sflag:s25] =	dma.local [hbm:s10], $0x500  }
0x56: {  	_ =	swait.ge [sflag:s7], $0x500  }
0x57: {  	[sflag:s7] =	ssyncset.done $0x0;
	s0 =	rddreg [dreg:$0x1c]  }
0x58: {  	[sflag:s7] =	ssyncadd.s32 $0xFFFFFB00;
	s15 =	sshrl.u32 @!p0 s0, $0x3;
	s0 =	simm.s32 @!p0 $0x3  }
0x59: {  	[spmem:s15], [sflag:s25] =	dma.local @!p0 [hbm:s10], $0x500  }
0x5a: {  	_ =	swait.ge @!p0 [sflag:s0], $0x500  }
0x5b: {  	[sflag:s0] =	ssyncset.done @!p0 $0x0;
	s13 =	rddreg [dreg:$0x12]  }
0x5c: {  	[sflag:s0] =	ssyncadd.s32 @!p0 $0xFFFFFB00;
	s5 =	sshrl.u32 s13, $0x3  }
0x5d: {  	[spmem:s5], [sflag:s25] =	dma.local [hbm:s10], $0x200  }
0x5e: {  	_ =	swait.ge [sflag:s7], $0x200  }
0x5f: {  	[sflag:s7] =	ssyncset.done $0x0  }
0x60: {  	[sflag:s7] =	ssyncadd.s32 $0xFFFFFE00  }
0x61: {  	s28 =	simm.s32 $0x0;
	[bflag:$0x0] =	sbarrier.arrive $0xFFFF  }
.LBB2_2:
0x62: {  	s0 =	sshll.u32 s28, $0xC  }
0x63: {  	s0 =	sadd.s32 s29, s0  }
0x64: {  	s0 =	sshrl.u32 s0, $0x3  }
0x65: {  	s1 =	simm.s32 $0x0;
	s13 =	sadd.s32 s19, s0  }
0x66: {  	[tilespmem:s1], [sflag:$0x3] =	stream.linear.gather [hbm4b:s13+s1], $0xC80, $0x38;
	[tilespmem:$0x1B900] =	vst v63  }
0x67: {  	_ =	swait.ge [sflag:s7], $0xC80  }
0x68: {  	[sflag:s7] =	ssyncset.done $0x0  }
0x69: {  	s0 =	sadd.s32 s20, s0;
	[sflag:s7] =	ssyncadd.s32 $0xFFFFF380  }
0x6a: {  	[tilespmem:s8], [sflag:$0x3] =	stream.linear.gather [hbm4b:s0+s1], $0xC80, $0x38;
	[tilespmem:$0x1B900] =	vst v63  }
0x6b: {  	_ =	swait.ge [sflag:s7], $0xC80  }
0x6c: {  	[sflag:s7] =	ssyncset.done $0x0  }
0x6d: {  	[sflag:s7] =	ssyncadd.s32 $0xFFFFF380  }
0x6e: {  	[tilespmem:s11], [sflag:$0x1] =	stream.indirect.gather [hbm4b:s18+s9], $0x80, s1, s9, $0xb8;
	[tilespmem:$0x1B900] =	vst v63  }
0x6f: {  	_ = 	snop  }
0x70: {  	[tilespmem:s16], [sflag:$0x2] =	stream.indirect.gather [hbm4b:s18+s9], $0x80, s12, s9, $0xb8;
	[tilespmem:$0x1B900] =	vst v63  }
0x71: {  	_ =	swait.ge [sflag:s17], $0x2800  }
0x72: {  	[sflag:s17] =	ssyncset.done $0x0  }
0x73: {  	s2 =	simm.s32 $0x1000;
	[sflag:s17] =	ssyncadd.s32 $0xFFFFD800  }
0x74: {  	[spmem:s14] =	stream.indirect.scatter.add.f32 [tilespmem:s11], [sflag:$0x3], $0x80, s2, s9, $0xb8;
	[tilespmem:$0x1B900] =	vst v63  }
0x75: {  	_ =	swait.ge [sflag:s7], $0x2800  }
0x76: {  	[sflag:s7] =	ssyncset.done $0x0  }
0x77: {  	s3 =	simm.s32 $0x100;
	[sflag:s7] =	ssyncadd.s32 $0xFFFFD800  }
0x78: {  	[tilespmem:s11], [sflag:$0x1] =	stream.indirect.gather [hbm4b:s18+s9], $0x80, s3, s9, $0xb8;
	[tilespmem:$0x1B900] =	vst v63  }
0x79: {  	_ =	swait.ge [sflag:s21], $0x2800  }
0x7a: {  	[sflag:s21] =	ssyncset.done $0x0  }
0x7b: {  	s13 =	simm.s32 $0x1080;
	[sflag:s21] =	ssyncadd.s32 $0xFFFFD800  }
0x7c: {  	[spmem:s14] =	stream.indirect.scatter.add.f32 [tilespmem:s16], [sflag:$0x3], $0x80, s13, s9, $0xb8;
	[tilespmem:$0x1B900] =	vst v63  }
0x7d: {  	_ =	swait.ge [sflag:s7], $0x2800  }
0x7e: {  	[sflag:s7] =	ssyncset.done $0x0  }
0x7f: {  	s0 =	simm.s32 $0x180;
	s13 =	simm.s32 $0x400;
	[sflag:s7] =	ssyncadd.s32 $0xFFFFD800  }
.LBB2_3:
0x80: {  	[tilespmem:s16], [sflag:$0x2] =	stream.indirect.gather [hbm4b:s18+s9], $0x80, s0, s9, $0xb8;
	[tilespmem:$0x1B900] =	vst v63  }
0x81: {  	s0 =	smov.u32 s13  }
0x82: {  	p2 =	sne.s32 s13, $0x2800;
	s13 =	sadd.s32 $0x400, s13;
	_ =	swait.ge [sflag:s17], $0x2800  }
0x83: {  	s0 =	sshra.s32 s0, $0x2;
	[sflag:s17] =	ssyncset.done $0x0  }
0x84: {  	s1 =	sadd.s32 $0x1000, s0;
	[sflag:s17] =	ssyncadd.s32 $0xFFFFD800  }
0x85: {  	[spmem:s14] =	stream.indirect.scatter.add.f32 [tilespmem:s11], [sflag:$0x3], $0x80, s1, s9, $0xb8;
	[tilespmem:$0x1B900] =	vst v63  }
0x86: {  	_ =	swait.ge [sflag:s7], $0x2800  }
0x87: {  	[sflag:s7] =	ssyncset.done $0x0  }
0x88: {  	s1 =	sadd.s32 $0x100, s0;
	[sflag:s7] =	ssyncadd.s32 $0xFFFFD800  }
0x89: {  	[tilespmem:s11], [sflag:$0x1] =	stream.indirect.gather [hbm4b:s18+s9], $0x80, s1, s9, $0xb8;
	[tilespmem:$0x1B900] =	vst v63  }
0x8a: {  	_ =	swait.ge [sflag:s21], $0x2800  }
0x8b: {  	[sflag:s21] =	ssyncset.done $0x0  }
.Ltmp0:
0x8c: {  	s1 =	sadd.s32 $0x1080, s0;
	[sflag:s21] =	ssyncadd.s32 $0xFFFFD800;
	(pc) =	sbr.rel @p2 .LBB2_3-.Ltmp0, $4  }
0x8d: {  	[spmem:s14] =	stream.indirect.scatter.add.f32 [tilespmem:s16], [sflag:$0x3], $0x80, s1, s9, $0xb8;
	[tilespmem:$0x1B900] =	vst v63  }
0x8e: {  	_ =	swait.ge [sflag:s7], $0x2800  }
0x8f: {  	[sflag:s7] =	ssyncset.done $0x0  }
0x90: {  	s0 =	sadd.s32 $0x180, s0;
	[sflag:s7] =	ssyncadd.s32 $0xFFFFD800  }
0x91: {  	[tilespmem:s16], [sflag:$0x2] =	stream.indirect.gather [hbm4b:s18+s9], $0x80, s0, s9, $0xb8;
	[tilespmem:$0x1B900] =	vst v63  }
0x92: {  	_ =	swait.ge [sflag:s17], $0x2800  }
0x93: {  	[sflag:s17] =	ssyncset.done $0x0  }
0x94: {  	[sflag:s17] =	ssyncadd.s32 $0xFFFFD800  }
0x95: {  	[spmem:s14] =	stream.indirect.scatter.add.f32 [tilespmem:s11], [sflag:$0x3], $0x80, s22, s9, $0xb8;
	[tilespmem:$0x1B900] =	vst v63  }
0x96: {  	_ =	swait.ge [sflag:s7], $0x2800  }
0x97: {  	[sflag:s7] =	ssyncset.done $0x0  }
0x98: {  	[sflag:s7] =	ssyncadd.s32 $0xFFFFD800  }
0x99: {  	[tilespmem:s11], [sflag:$0x1] =	stream.indirect.gather [hbm4b:s18+s9], $0x80, s23, s9, $0xb8;
	[tilespmem:$0x1B900] =	vst v63  }
0x9a: {  	_ =	swait.ge [sflag:s21], $0x2800  }
0x9b: {  	[sflag:s21] =	ssyncset.done $0x0  }
0x9c: {  	[sflag:s21] =	ssyncadd.s32 $0xFFFFD800  }
0x9d: {  	[spmem:s14] =	stream.indirect.scatter.add.f32 [tilespmem:s16], [sflag:$0x3], $0x80, s24, s9, $0xb8;
	[tilespmem:$0x1B900] =	vst v63  }
0x9e: {  	_ =	swait.ge [sflag:s7], $0x2800  }
0x9f: {  	[sflag:s7] =	ssyncset.done $0x0  }
0xa0: {  	[sflag:s7] =	ssyncadd.s32 $0xFFFFD800  }
0xa1: {  	s28 =	sadd.s32 $0x1, s28;
	_ =	swait.ge [sflag:s17], $0x2800  }
0xa2: {  	p2 =	sne.s32 s28, $0x5;
	[sflag:s17] =	ssyncset.done $0x0  }
.Ltmp1:
0xa3: {  	[sflag:s17] =	ssyncadd.s32 $0xFFFFD800;
	(pc) =	sbr.rel @p2 .LBB2_2-.Ltmp1, $4  }
0xa4: {  	[spmem:s14] =	stream.indirect.scatter.add.f32 [tilespmem:s11], [sflag:$0x3], $0x80, s26, s9, $0xb8;
	[tilespmem:$0x1B900] =	vst v63  }
0xa5: {  	_ =	swait.ge [sflag:s7], $0x2800  }
0xa6: {  	[sflag:s7] =	ssyncset.done $0x0  }
0xa7: {  	[sflag:s7] =	ssyncadd.s32 $0xFFFFD800  }
0xa8: {  	s0 =	rddreg [dreg:$0x6];
	s1 =	simm.s32 $0x0;
	s3 =	simm.s32 $0x2000  }
0xa9: {  	[tilespmem:s3], [sflag:$0x4] =	stream.linear.gather [hbm4b:s0+s1], $0x50, $0x38;
	[tilespmem:$0x1B900] =	vst v63  }
0xaa: {  	_ =	swait.ge [sflag:s30], $0x50  }
0xab: {  	[sflag:s30] =	ssyncset.done $0x0  }
0xac: {  	s2 =	rddreg [dreg:$0x1d];
	[sflag:s30] =	ssyncadd.s32 $0xFFFFFFB0  }
0xad: {  	[tilespmem:s11], [sflag:$0x4] =	stream.linear.gather [hbm4b:s2+s1], $0x2800, $0x38;
	[tilespmem:$0x1B900] =	vst v63  }
0xae: {  	_ =	swait.ge [sflag:s30], $0x2800  }
0xaf: {  	[sflag:s30] =	ssyncset.done $0x0  }
0xb0: {  	[sflag:s30] =	ssyncadd.s32 $0xFFFFD800  }
0xb1: {  	s2 =	rddreg [dreg:$0x4]  }
0xb2: {  	[spmem:s2] =	stream.indirect.scatter.add.f32 [tilespmem:s11], [sflag:$0x3], $0x80, s3, s9, $0xb8;
	[tilespmem:$0x1B900] =	vst v63  }
0xb3: {  	_ =	swait.ge [sflag:s7], $0x2800  }
0xb4: {  	[sflag:s7] =	ssyncset.done $0x0  }
0xb5: {  	s13 =	rddreg [dreg:$0x7];
	[sflag:s7] =	ssyncadd.s32 $0xFFFFD800  }
0xb6: {  	[tilespmem:s3], [sflag:$0x4] =	stream.linear.gather [hbm4b:s13+s1], $0x50, $0x38;
	[tilespmem:$0x1B900] =	vst v63  }
0xb7: {  	_ =	swait.ge [sflag:s30], $0x50  }
0xb8: {  	[sflag:s30] =	ssyncset.done $0x0  }
0xb9: {  	s28 =	rddreg [dreg:$0x1e];
	[sflag:s30] =	ssyncadd.s32 $0xFFFFFFB0  }
0xba: {  	[tilespmem:s11], [sflag:$0x4] =	stream.linear.gather [hbm4b:s28+s1], $0x2800, $0x38;
	[tilespmem:$0x1B900] =	vst v63  }
0xbb: {  	_ =	swait.ge [sflag:s30], $0x2800  }
0xbc: {  	[sflag:s30] =	ssyncset.done $0x0  }
0xbd: {  	[sflag:s30] =	ssyncadd.s32 $0xFFFFD800  }
0xbe: {  	[spmem:s2] =	stream.indirect.scatter.add.f32 [tilespmem:s11], [sflag:$0x3], $0x80, s3, s9, $0xb8;
	[tilespmem:$0x1B900] =	vst v63  }
0xbf: {  	_ =	swait.ge [sflag:s7], $0x2800  }
0xc0: {  	[sflag:s7] =	ssyncset.done $0x0  }
0xc1: {  	s13 =	rddreg [dreg:$0x8];
	[sflag:s7] =	ssyncadd.s32 $0xFFFFD800  }
0xc2: {  	[tilespmem:s3], [sflag:$0x4] =	stream.linear.gather [hbm4b:s13+s1], $0x50, $0x38;
	[tilespmem:$0x1B900] =	vst v63  }
0xc3: {  	_ =	swait.ge [sflag:s30], $0x50  }
0xc4: {  	[sflag:s30] =	ssyncset.done $0x0  }
0xc5: {  	s28 =	rddreg [dreg:$0x1f];
	[sflag:s30] =	ssyncadd.s32 $0xFFFFFFB0  }
0xc6: {  	[tilespmem:s11], [sflag:$0x4] =	stream.linear.gather [hbm4b:s28+s1], $0x2800, $0x38;
	[tilespmem:$0x1B900] =	vst v63  }
0xc7: {  	_ =	swait.ge [sflag:s30], $0x2800  }
0xc8: {  	[sflag:s30] =	ssyncset.done $0x0  }
0xc9: {  	[sflag:s30] =	ssyncadd.s32 $0xFFFFD800  }
0xca: {  	[spmem:s2] =	stream.indirect.scatter.add.f32 [tilespmem:s11], [sflag:$0x3], $0x80, s3, s9, $0xb8;
	[tilespmem:$0x1B900] =	vst v63  }
0xcb: {  	_ =	swait.ge [sflag:s7], $0x2800  }
0xcc: {  	s0 =	simm.s32 @!p1 $0x0;
	[sflag:s7] =	ssyncset.done $0x0  }
0xcd: {  	s1 =	simm.s32 @!p1 $0x2000;
	s13 =	rddreg [dreg:$0x9];
	[sflag:s7] =	ssyncadd.s32 $0xFFFFD800  }
0xce: {  	[tilespmem:s1], [sflag:$0x4] =	stream.linear.gather @!p1 [hbm4b:s13+s0], $0x50, $0x38;
	[tilespmem:$0x1B900] =	vst v63  }
0xcf: {  	s13 =	simm.s32 @!p1 $0x4  }
0xd0: {  	_ =	swait.ge @!p1 [sflag:s13], $0x50  }
0xd1: {  	s3 =	sld [smem:$0x7FD]  }
0xd2: {  	[sflag:s13] =	ssyncset.done @!p1 $0x0  }
0xd3: {  	s28 =	simm.s32 @!p1 $0x2080;
	[sflag:s13] =	ssyncadd.s32 @!p1 $0xFFFFFFB0  }
0xd4: {  	[tilespmem:s28], [sflag:$0x4] =	stream.linear.gather @!p1 [hbm4b:s3+s0], $0x2800, $0x38;
	[tilespmem:$0x1B900] =	vst v63  }
0xd5: {  	_ =	swait.ge @!p1 [sflag:s13], $0x2800  }
0xd6: {  	[sflag:s13] =	ssyncset.done @!p1 $0x0  }
0xd7: {  	s0 =	simm.s32 @!p1 $0x50;
	[sflag:s13] =	ssyncadd.s32 @!p1 $0xFFFFD800  }
0xd8: {  	[spmem:s2] =	stream.indirect.scatter.add.f32 @!p1 [tilespmem:s28], [sflag:$0x3], $0x80, s1, s0, $0xb8;
	[tilespmem:$0x1B900] =	vst v63  }
0xd9: {  	s0 =	simm.s32 @!p1 $0x3  }
0xda: {  	_ =	swait.ge @!p1 [sflag:s0], $0x2800  }
0xdb: {  	[sflag:s0] =	ssyncset.done @!p1 $0x0  }
0xdc: {  	[sflag:s0] =	ssyncadd.s32 @!p1 $0xFFFFD800  }
0xdd: {  	[bflag:$0x0] =	sbarrier.arrive $0xFFFF  }
0xde: {  	s3 =	sld [smem:$0x7F8];
	_ =	sdelay $0x1  }
0xdf: {  	s2 =	rddreg [dreg:$0xa]  }
0xe0: {  	[hbm:s2], [sflag:s25] =	dma.local [spmem:s3], $0x500  }
0xe1: {  	_ =	swait.ge [sflag:s7], $0x500  }
0xe2: {  	s28 =	sld [smem:$0x7F9]  }
0xe3: {  	[sflag:s7] =	ssyncset.done $0x0  }
0xe4: {  	s13 =	rddreg [dreg:$0xb];
	[sflag:s7] =	ssyncadd.s32 $0xFFFFFB00  }
0xe5: {  	[hbm:s13], [sflag:s25] =	dma.local [spmem:s28], $0x500  }
0xe6: {  	_ =	swait.ge [sflag:s7], $0x500  }
0xe7: {  	s3 =	sld [smem:$0x7FA]  }
0xe8: {  	[sflag:s7] =	ssyncset.done $0x0  }
0xe9: {  	s2 =	rddreg [dreg:$0xc];
	[sflag:s7] =	ssyncadd.s32 $0xFFFFFB00  }
0xea: {  	[hbm:s2], [sflag:s25] =	dma.local [spmem:s3], $0x500  }
0xeb: {  	_ =	swait.ge [sflag:s7], $0x500  }
0xec: {  	s28 =	sld [smem:$0x7FB]  }
0xed: {  	[sflag:s7] =	ssyncset.done $0x0  }
0xee: {  	s13 =	rddreg [dreg:$0xd];
	[sflag:s7] =	ssyncadd.s32 $0xFFFFFB00  }
0xef: {  	[hbm:s13], [sflag:s25] =	dma.local [spmem:s28], $0x500  }
0xf0: {  	_ =	swait.ge [sflag:s7], $0x500  }
0xf1: {  	s2 =	sld [smem:$0x7FC]  }
0xf2: {  	[sflag:s7] =	ssyncset.done $0x0  }
0xf3: {  	s1 =	rddreg [dreg:$0xe];
	[sflag:s7] =	ssyncadd.s32 $0xFFFFFB00  }
0xf4: {  	[hbm:s1], [sflag:s25] =	dma.local [spmem:s2], $0x500  }
0xf5: {  	_ =	swait.ge [sflag:s7], $0x500  }
0xf6: {  	[sflag:s7] =	ssyncset.done $0x0  }
0xf7: {  	s3 =	rddreg [dreg:$0xf];
	[sflag:s7] =	ssyncadd.s32 $0xFFFFFB00  }
0xf8: {  	[hbm:s3], [sflag:s25] =	dma.local [spmem:s4], $0x500  }
0xf9: {  	_ =	swait.ge [sflag:s7], $0x500  }
0xfa: {  	[sflag:s7] =	ssyncset.done $0x0  }
0xfb: {  	s13 =	rddreg [dreg:$0x10];
	[sflag:s7] =	ssyncadd.s32 $0xFFFFFB00  }
0xfc: {  	[hbm:s13], [sflag:s25] =	dma.local [spmem:s6], $0x500  }
0xfd: {  	_ =	swait.ge [sflag:s7], $0x500  }
0xfe: {  	[sflag:s7] =	ssyncset.done $0x0  }
0xff: {  	s0 =	rddreg [dreg:$0x11];
	[sflag:s7] =	ssyncadd.s32 $0xFFFFFB00  }
0x100: {  	[hbm:s0], [sflag:s25] =	dma.local @!p0 [spmem:s15], $0x500  }
0x101: {  	s0 =	simm.s32 @!p0 $0x3  }
0x102: {  	_ =	swait.ge @!p0 [sflag:s0], $0x500  }
0x103: {  	[sflag:s0] =	ssyncset.done @!p0 $0x0  }
0x104: {  	s15 =	rddreg [dreg:$0x13];
	[sflag:s0] =	ssyncadd.s32 @!p0 $0xFFFFFB00  }
0x105: {  	[hbm:s15], [sflag:s25] =	dma.local [spmem:s5], $0x200  }
0x106: {  	_ =	swait.ge [sflag:s7], $0x200  }
0x107: {  	s31 =	sadd.s32 $0x1, s31;
	s28 =	rddreg [dreg:$0x14]  }
0x108: {  	p2 =	sne.s32 s31, s28  }
.Ltmp2:
0x109: {  	_ = 	snop;
	(pc) =	sbr.rel @p2 .LBB2_1-.Ltmp2, $3  }
0x10a: {  	_ =	sdelay $0x1  }
0x10b: {  	[sflag:s7] =	ssyncset.done $0x0  }
0x10c: {  	[sflag:s7] =	ssyncadd.s32 $0xFFFFFE00  }
0x10d: {  	_ =	sfence.sel $0x180000  }
0x10e: {  	[bflag:$0x0] =	sbarrier.arrive $0xFFFF  }
0x10f: {  	_ =	strace $0x9000004A  }
0x110: {  	s0 =	stileid.u32;
	[bflag:$0x2] =	sbarrier.arrive $0xFFFF  }
0x111: {  	p0 =	sne.s32 s0, $0x0;
	s0 =	rddreg [dreg:$0x5]  }
0x112: {  	s0 =	sadd.s32 @!p0 $0x100000, s0  }
0x113: {  	[sflag:s0] =	ssyncadd.tile.s32 @!p0 $0x1;
	_ =	shalt  }
.Lfunc_end2:
_tile_overlayer_lowered:
.L_overlay_start_2:
0x114: {  	(tag) =	ssettag $0x2  }
0x115: {  	s0 =	rddreg [dreg:$0x0];
	s2 =	stileid.u32  }
0x116: {  	s1 =	rddreg [dreg:$0x1];
	p0 =	sne.s32 s2, $0x0  }
0x117: {  	s3 =	rddreg [dreg:$0x2];
	[bflag:$0x3] =	sbarrier.arrive $0xFFFF;
	s2 =	simm.s32 @!p0 $0x1C03  }
0x118: {  	[timem:s3], [sflag:s2] =	dma.local @!p0 [hbm:s0], s1  }
0x119: {  	s0 =	simm.s32 @!p0 $0x3  }
0x11a: {  	_ =	swait.ge @!p0 [sflag:s0], s1  }
0x11b: {  	s1 =	ssub.s32 @!p0 $0x0, s1;
	[sflag:s0] =	ssyncset.done @!p0 $0x0  }
0x11c: {  	[sflag:s0] =	ssyncadd.s32 @!p0 s1  }
0x11d: {  	[bflag:$0x3] =	sbarrier.arrive $0xFFFF  }
0x11e: {  	_ =	shalt  }

// kernel: kernel.17.cloned.1.call-start
scs
__scs_entry_jumppad:
0x0: {  	(pc) =	sbr.rel $0x88, $3  }
0x1: {  	(tag) =	ssettag $0x0;
	lr =	simm.s32 $0x1  }
0x2: {  	[smem:$0x3F8C] =	sst lr;
	_ =	strace $0xD0000000  }
0x3: {  	_ = 	snop  }
0x4: {  	_ = 	snop  }
0x5: {  	_ = 	snop  }
0x6: {  	_ = 	snop  }
0x7: {  	_ = 	snop  }
__scs_overlays_trampoline_lowered:
0x8: {  	[smem:$0x3F9B] =	sst s0  }
0x9: {  	[smem:$0x3F9C] =	sst s1  }
0xa: {  	[smem:$0x3F9D] =	sst s2  }
0xb: {  	[smem:$0x3F9E] =	sst s3  }
0xc: {  	[smem:$0x3F9F] =	sst s4  }
0xd: {  	[smem:$0x3FA0] =	sst s5  }
0xe: {  	[smem:$0x3FA1] =	sst s6  }
0xf: {  	[smem:$0x3FA2] =	sst s7  }
0x10: {  	[smem:$0x3FA3] =	sst s8  }
0x11: {  	[smem:$0x3FA4] =	sst s9;
	s0 =	simm.s32 @!p0 $0x0  }
0x12: {  	s1 =	sld [smem:$0x3F8A];
	s0 =	simm.s32 @p0 $0x1  }
0x13: {  	[smem:$0x3FA5] =	sst s0;
	s0 =	simm.s32 @!p1 $0x0  }
0x14: {  	s2 =	sld [smem:$0x3F89];
	s0 =	simm.s32 @p1 $0x1  }
0x15: {  	[smem:$0x3FA6] =	sst s0;
	s0 =	simm.s32 @!p2 $0x0  }
0x16: {  	s3 =	sld [smem:$0x3FDB];
	s0 =	simm.s32 @p2 $0x1  }
0x17: {  	s4 =	simm.s32 $0x1BF5;
	[smem:$0x3FA8] =	sst s0  }
0x18: {  	s0 =	sld [smem:$0x3F8B];
	_ =	swait.ge [sflag:s4], $0x0  }
0x19: {  	s7 =	sld [smem:$0x3F8C]  }
0x1a: {  	s8 =	sadd.s32 $0xFFFFE003, lr  }
0x1b: {  	s9 =	sadd.s32 $0xFFFFFEF7, lr;
	s5 =	simm.s32 $0xFFFFFFFF;
	p2 =	slt.u32 s8, $0xFFFFF086  }
0x1c: {  	p1 =	slt.u32 s9, $0xF7A;
	s5 =	simm.s32 @!p2 $0x0  }
0x1d: {  	s5 =	simm.s32 @p1 $0x1;
	p0 =	seq.s32 s7, s2  }
0x1e: {  	s7 =	smul.u32 @!p0 $0xF7A, s2;
	p2 =	seq.s32 @!p0 s5, $0x0  }
0x1f: {  	s9 =	smul.u32 $0xF7A, s1;
	s8 =	simm.s32 @!p0 $0x1BF5;
	p2 =	por !p2, p0  }
0x20: {  	[sflag:s8] =	ssyncset.s32 @!p0 $0xFFFFF086;
	s6 =	sadd.s32 @!p0 s3, s7;
	s7 =	simm.s32 @!p0 $0x108  }
0x21: {  	s3 =	sadd.s32 s3, s9;
	s6 =	sadd.s32 @!p0 $0x88, s6;
	s7 =	simm.s32 @p2 $0x1082  }
0x22: {  	[simem:s7], [sflag:s8] =	dma.local @!p0 [hbm:s6], $0xF7A  }
0x23: {  	s9 =	sor.u32 $0xD0000000, s2;
	s6 =	simm.s32 $0x108;
	_ =	swait.ge @!p0 [sflag:s8], $0x0  }
0x24: {  	s3 =	sadd.s32 $0x88, s3;
	s6 =	simm.s32 @!p1 $0x1082;
	[sflag:s4] =	ssyncset.s32 $0xFFFFF086  }
0x25: {  	[simem:s6], [sflag:s4] =	dma.local [hbm:s3], $0xF7A  }
0x26: {  	[smem:$0x3F8C] =	sst s1;
	(tag) =	ssettag s2;
	_ =	strace s9  }
0x27: {  	s1 =	sld [smem:$0x3F9C]  }
0x28: {  	s2 =	sld [smem:$0x3F9D]  }
0x29: {  	s4 =	sld [smem:$0x3F9F]  }
0x2a: {  	p0 =	seq.s32 s5, $0x0;
	s5 =	sld [smem:$0x3FA0]  }
0x2b: {  	s6 =	sld [smem:$0x3FA1]  }
0x2c: {  	s7 =	sld [smem:$0x3FA2]  }
0x2d: {  	s3 =	simm.s32 $0x108;
	s8 =	sld [smem:$0x3FA3]  }
0x2e: {  	s3 =	simm.s32 @!p0 $0x1082;
	s9 =	sld [smem:$0x3FA4]  }
0x2f: {  	lr =	sadd.s32 s0, s3;
	s0 =	sld [smem:$0x3F9B]  }
0x30: {  	s3 =	sld [smem:$0x3F9E]  }
0x31: {  	[smem:$0x3FA7] =	sst s10  }
0x32: {  	s10 =	sld [smem:$0x3FA5];
	_ =	sdelay $0x3  }
0x33: {  	p0 =	seq.s32 s10, $0x1;
	s10 =	sld [smem:$0x3FA7];
	_ =	sdelay $0x3  }
0x34: {  	[smem:$0x3FA7] =	sst s10  }
0x35: {  	s10 =	sld [smem:$0x3FA6];
	_ =	sdelay $0x3  }
0x36: {  	p1 =	seq.s32 s10, $0x1;
	s10 =	sld [smem:$0x3FA7];
	_ =	sdelay $0x3  }
0x37: {  	[smem:$0x3FA7] =	sst s10  }
0x38: {  	s10 =	sld [smem:$0x3FA8]  }
0x39: {  	_ = 	snop;
	(pc) =	sbr.ind lr, $3  }
0x3a: {  	_ = 	snop  }
0x3b: {  	_ = 	snop  }
0x3c: {  	p2 =	seq.s32 s10, $0x1;
	s10 =	sld [smem:$0x3FA7]  }
0x3d: {  	_ =	shalt  }
0x3e: {  	_ =	shalt  }
0x3f: {  	_ =	shalt  }
0x40: {  	_ =	shalt  }
0x41: {  	_ =	shalt  }
0x42: {  	_ =	shalt  }
0x43: {  	_ =	shalt  }
0x44: {  	_ =	shalt  }
0x45: {  	_ =	shalt  }
0x46: {  	_ =	shalt  }
0x47: {  	_ =	shalt  }
0x48: {  	_ =	shalt  }
0x49: {  	_ =	shalt  }
0x4a: {  	_ =	shalt  }
0x4b: {  	_ =	shalt  }
0x4c: {  	_ =	shalt  }
0x4d: {  	_ =	shalt  }
0x4e: {  	_ =	shalt  }
0x4f: {  	_ =	shalt  }
0x50: {  	_ =	shalt  }
0x51: {  	_ =	shalt  }
0x52: {  	_ =	shalt  }
0x53: {  	_ =	shalt  }
0x54: {  	_ =	shalt  }
0x55: {  	_ =	shalt  }
0x56: {  	_ =	shalt  }
0x57: {  	_ =	shalt  }
0x58: {  	_ =	shalt  }
0x59: {  	_ =	shalt  }
0x5a: {  	_ =	shalt  }
0x5b: {  	_ =	shalt  }
0x5c: {  	_ =	shalt  }
0x5d: {  	_ =	shalt  }
0x5e: {  	_ =	shalt  }
0x5f: {  	_ =	shalt  }
0x60: {  	_ =	shalt  }
0x61: {  	_ =	shalt  }
0x62: {  	_ =	shalt  }
0x63: {  	_ =	shalt  }
0x64: {  	_ =	shalt  }
0x65: {  	_ =	shalt  }
0x66: {  	_ =	shalt  }
0x67: {  	_ =	shalt  }
0x68: {  	_ =	shalt  }
0x69: {  	_ =	shalt  }
0x6a: {  	_ =	shalt  }
0x6b: {  	_ =	shalt  }
0x6c: {  	_ =	shalt  }
0x6d: {  	_ =	shalt  }
0x6e: {  	_ =	shalt  }
0x6f: {  	_ =	shalt  }
0x70: {  	_ =	shalt  }
0x71: {  	_ =	shalt  }
0x72: {  	_ =	shalt  }
0x73: {  	_ =	shalt  }
0x74: {  	_ =	shalt  }
0x75: {  	_ =	shalt  }
0x76: {  	_ =	shalt  }
0x77: {  	_ =	shalt  }
0x78: {  	_ =	shalt  }
0x79: {  	_ =	shalt  }
0x7a: {  	_ =	shalt  }
0x7b: {  	_ =	shalt  }
0x7c: {  	_ =	shalt  }
0x7d: {  	_ =	shalt  }
0x7e: {  	_ =	shalt  }
0x7f: {  	_ =	shalt  }
0x80: {  	_ =	shalt  }
0x81: {  	_ =	shalt  }
0x82: {  	_ =	shalt  }
0x83: {  	_ =	shalt  }
0x84: {  	_ =	shalt  }
0x85: {  	_ =	shalt  }
0x86: {  	_ =	shalt  }
0x87: {  	_ =	shalt  }
.Lfunc_end0:
.L_simem_size_0:
called_computation.2_lowered:
.L_overlay_start_0:
0x88: {  	s2 =	sld [smem:$0x3FD9]  }
0x89: {  	s3 =	sld [smem:$0x3FFE];
	_ =	sdelay $0x1  }
0x8a: {  	s1 =	srdreg.scid  }
0x8b: {  	s0 =	sand.u32 $0x1, s1  }
0x8c: {  	s17 =	sshll.u32 s0, $0xA;
	s2 =	sadd.s32 s3, s2  }
0x8d: {  	s2 =	sadd.s32 s2, s17  }
0x8e: {  	[smem:$0x3FB3] =	sst s2  }
0x8f: {  	_ = 	snop  }
0x90: {  	s2 =	sld [smem:$0x3FC0]  }
0x91: {  	s18 =	sld [smem:$0x3FD0];
	(tm) =	ssettm $0x1  }
0x92: {  	s4 =	sld [smem:$0x3FFB];
	_ =	sdelay $0x3  }
0x93: {  	_ =	strace s4  }
0x94: {  	s4 =	sld [smem:$0x3FFC];
	_ =	sdelay $0x3  }
0x95: {  	_ =	strace s4  }
0x96: {  	s4 =	sld [smem:$0x3FFD];
	_ =	sdelay $0x3  }
0x97: {  	_ =	strace s4  }
0x98: {  	_ =	strace $0x8FFFFFFF  }
0x99: {  	s19 =	sld [smem:$0x3FDB];
	_ =	sdelay $0x1  }
0x9a: {  	s5 =	simm.s32 $_scs_section_size  }
0x9b: {  	s6 =	simm.s32 $_size__tile_overlayer_lowered;
	s7 =	simm.s32 $_tile_overlayer_lowered  }
0x9c: {  	s22 =	simm.s32 $0x1BFF;
	s21 =	sshll.u32 s7, $0x1;
	s4 =	sadd.s32 s5, s19  }
0x9d: {  	s8 =	simm.s32 $0x0;
	s20 =	sshll.u32 s6, $0x1;
	s6 =	sadd.s32 s21, s4  }
0x9e: {  	[timem:s8], [sflag:s22] =	dma.local [hbm:s6], s20  }
0x9f: {  	_ =	swait.ge [sflag:s22], s20  }
0xa0: {  	s5 =	ssub.s32 $0x0, s20;
	[sflag:s22] =	ssyncset.done $0x0  }
0xa1: {  	[sflag:s22] =	ssyncadd.s32 s5;
	_ =	sdelay $0x1  }
0xa2: {  	s23 =	simm.s32 $0x1B8B  }
0xa3: {  	_ =	swait.ge [sflag:s23], $0x1  }
0xa4: {  	[sflag:s23] =	ssyncset.done $0x0  }
0xa5: {  	s25 =	simm.s32 $0x1B8E;
	s24 =	sld [smem:$0x3FFE];
	[sflag:s23] =	ssyncadd.s32 $0xFFFFFFFF  }
0xa6: {  	s26 =	simm.s32 $execute0_lowered;
	[smem:$0x3FD2] =	sst s25  }
0xa7: {  	s6 =	sshll.u32 s26, $0x1;
	_ =	strace $0x8000004C;
	[dreg:$0x1] =	wrdreg $0xFFFFFFFF  }
0xa8: {  	s28 =	simm.s32 $_size_execute0_lowered;
	s4 =	sadd.s32 s4, s6;
	[dreg:$0x0] =	wrdreg $0x0  }
0xa9: {  	s6 =	sshll.u32 s28, $0x1;
	[dreg:$0x2] =	wrdreg s4  }
0xaa: {  	[dreg:$0x3] =	wrdreg s6  }
0xab: {  	[dreg:$0x4] =	wrdreg $0xC0  }
0xac: {  	_ =	task [dreg:s8], $0x5FFFF  }
0xad: {  	[dreg:$0x1] =	wrdreg $0xFFFFFFFF  }
0xae: {  	[dreg:$0x0] =	wrdreg $0x60  }
0xaf: {  	[dreg:$0x2] =	wrdreg s24  }
0xb0: {  	[dreg:$0x3] =	wrdreg s2  }
0xb1: {  	[dreg:$0x4] =	wrdreg s18  }
0xb2: {  	[dreg:$0x5] =	wrdreg $0x70800  }
0xb3: {  	[dreg:$0x6] =	wrdreg $0x1A9000  }
0xb4: {  	[dreg:$0x7] =	wrdreg $0x9  }
0xb5: {  	_ =	task.clear_ibuf [dreg:s8], $0x8FFFF;
	_ =	strace $0x9000004C  }
0xb6: {  	s29 =	simm.s32 $0x9;
	_ =	strace $0x8000004E  }
0xb7: {  	_ =	swait.ge [sflag:s29], $0x1  }
0xb8: {  	[sflag:s29] =	ssyncadd.s32 $0xFFFFFFFF  }
0xb9: {  	_ =	strace $0x9000004E  }
0xba: {  	_ =	sfence  }
0xbb: {  	s30 =	sld [smem:$0x0];
	_ =	sdelay $0x2  }
0xbc: {  	s31 =	sshll.u32 s1, $0xD;
	s1 =	sshrl.u32 s1, $0x2  }
0xbd: {  	s3 =	sand.u32 $0x4000, s31;
	s1 =	sadd.s32 s1, s30  }
0xbe: {  	s0 =	sor.u32 s3, s0;
	s1 =	sshll.u32 s1, $0x11  }
0xbf: {  	s0 =	sor.u32 s1, s0  }
0xc0: {  	s0 =	sadd.s32 $0x8F2B, s0  }
0xc1: {  	[sflag:s0] =	ssyncadd.remote.s32 $0x1  }
0xc2: {  	_ =	sfence.sel $0xFFFF  }
0xc3: {  	[dreg:$0x0] =	wrdreg $0xFFFFFFFF;
	(pc) =	sbr.abs _section_cstart, $3  }
0xc4: {  	[dreg:$0x1] =	wrdreg $0xFFFFFFFF  }
0xc5: {  	_ =	task.clear_ibuf [dreg:s8], $0x2FFFF;
	_ =	strace $0x9FFFFFFF  }
0xc6: {  	(tm) =	ssettm $0x7FFFFFFF  }
0xc7: {  	_ =	shalt  }
tec
execute0_lowered:
.L_overlay_start_1:
0x0: {  	(tag) =	ssettag $0x1  }
0x1: {  	s4 =	rddreg [dreg:$0x0];
	s24 =	stileid.u32  }
0x2: {  	s0 =	srdreg.scid;
	s9 =	rddreg [dreg:$0x1]  }
0x3: {  	s30 =	simm.s32 $0x4;
	s3 =	sand.u32 $0x1, s0;
	s18 =	smul.u32 $0x2800, s24  }
0x4: {  	s19 =	sshll.u32 s24, $0x1;
	s15 =	sor.u32 $0x10, s24;
	s10 =	smul.u32 $0x138800, s3  }
0x5: {  	s17 =	sor.u32 $0x30, s24;
	s0 =	sor.u32 s3, s19;
	s19 =	smul.u32 $0x2800, s15  }
0x6: {  	s31 =	simm.s32 $0x0;
	s21 =	sor.u32 $0x40, s24;
	s23 =	smul.u32 $0x2800, s17  }
0x7: {  	s1 =	sshll.u32 s24, $0x9;
	s16 =	sor.u32 $0x20, s24;
	s26 =	smul.u32 $0x2800, s21  }
0x8: {  	s1 =	sadd.s32 s1, s4;
	s2 =	ssub.s32 $0x2, s3;
	s11 =	smul.u32 $0xA, s0  }
0x9: {  	s6 =	sshll.u32 s3, $0xD;
	s3 =	sor.u32 $0x40, s0;
	s29 =	smul.u32 $0x5000, s0  }
0xa: {  	s8 =	sadd.s32 s6, s1;
	s1 =	sor.u32 $0x60, s0;
	s13 =	smul.u32 $0xA, s3  }
0xb: {  	s22 =	sor.u32 $0x50, s24;
	s5 =	sshrl.u32 s2, $0x1;
	s14 =	smul.u32 $0xA, s1  }
0xc: {  	s5 =	ssub.s32 s2, s5;
	s2 =	sor.u32 $0x20, s0;
	s0 =	smul.u32 $0x500, s0  }
0xd: {  	s7 =	sor.u32 $0x60, s24;
	s6 =	sor.u32 $0x70, s24;
	s3 =	smul.u32 $0x500, s3  }
0xe: {  	s25 =	sadd.s32 s10, s18;
	p1 =	sgt.u32 s1, $0x7C;
	s1 =	smul.u32 $0x500, s1  }
0xf: {  	s28 =	sadd.s32 s10, s19;
	s8 =	sadd.s32 $0x92800, s8;
	s12 =	smul.u32 $0xA, s2  }
0x10: {  	p0 =	sgt.u32 s6, $0x7C;
	s11 =	sadd.s32 s9, s11;
	s2 =	smul.u32 $0x500, s2  }
0x11: {  	s5 =	smax.u32 s5, $0x1;
	[dreg:$0x6] =	wrdreg s11;
	s11 =	smul.u32 $0x2800, s16  }
0x12: {  	s20 =	sadd.s32 s9, s13;
	s13 =	sadd.s32 s10, s26;
	s12 =	sadd.s32 s9, s12  }
0x13: {  	[dreg:$0x8] =	wrdreg s20;
	s9 =	sadd.s32 s9, s14;
	s20 =	smul.u32 $0x2800, s22  }
0x14: {  	s14 =	sshrl.u32 s13, $0x3;
	s13 =	sshll.u32 s24, $0x6;
	[dreg:$0x7] =	wrdreg s12  }
0x15: {  	[dreg:$0x9] =	wrdreg s9;
	s12 =	sadd.s32 s10, s23;
	s23 =	smul.u32 $0x2800, s7  }
0x16: {  	s9 =	sshrl.u32 s25, $0x3;
	s11 =	sadd.s32 s10, s11;
	s7 =	smul.u32 $0xA000, s7  }
0x17: {  	s25 =	simm.s32 $0x0;
	s18 =	sadd.s32 s10, s20;
	s20 =	smul.u32 $0x2800, s6  }
0x18: {  	[smem:$0x7FF] =	sst s25;
	s25 =	sshrl.u32 s28, $0x3;
	s26 =	sshrl.u32 s11, $0x3  }
0x19: {  	s11 =	smul.u32 $0xA000, s16;
	s19 =	sadd.s32 s10, s23;
	s23 =	sadd.s32 $0x5400, s4  }
0x1a: {  	s28 =	sshrl.u32 s12, $0x3;
	s16 =	smul.u32 $0xA000, s17;
	s9 =	sadd.s32 s23, s9  }
0x1b: {  	s20 =	sadd.s32 s10, s20;
	s10 =	sadd.s32 s23, s26;
	[dreg:$0xa] =	wrdreg s9  }
0x1c: {  	s6 =	smul.u32 $0xA000, s6;
	s12 =	sadd.s32 s23, s28;
	[dreg:$0xc] =	wrdreg s10  }
0x1d: {  	s18 =	sshrl.u32 s18, $0x3;
	s26 =	sshrl.u32 s19, $0x3;
	[dreg:$0xd] =	wrdreg s12  }
0x1e: {  	s19 =	sadd.s32 $0x7E800, s4;
	s9 =	sadd.s32 s23, s25;
	s10 =	rddreg [dreg:$0x2]  }
0x1f: {  	s25 =	sadd.s32 s23, s18;
	s28 =	sshrl.u32 s20, $0x3;
	s12 =	rddreg [dreg:$0x4]  }
0x20: {  	s18 =	sadd.s32 $0xA6800, s4;
	s20 =	sadd.s32 $0xCE800, s4;
	[dreg:$0xb] =	wrdreg s9  }
0x21: {  	s4 =	sshrl.u32 s11, $0x2;
	s11 =	simm.s32 $0x2080;
	[dreg:$0xf] =	wrdreg s25  }
0x22: {  	s9 =	sadd.s32 s23, s14;
	s14 =	rddreg [dreg:$0x3];
	s25 =	sshll.u32 s24, $0xC  }
0x23: {  	s0 =	sadd.s32 s18, s0;
	[dreg:$0xe] =	wrdreg s9;
	s9 =	sadd.s32 s23, s26  }
0x24: {  	s23 =	sadd.s32 s23, s28;
	s26 =	smul.u32 $0xA000, s24;
	[dreg:$0x10] =	wrdreg s9  }
0x25: {  	s28 =	sadd.s32 s25, s12;
	s25 =	sor.u32 $0x1C03, s13;
	[dreg:$0x11] =	wrdreg s23  }
0x26: {  	s4 =	sadd.s32 s4, s14;
	_ =	strace $0x8000004D;
	[dreg:$0x12] =	wrdreg s28  }
0x27: {  	s24 =	sadd.s32 s18, s2;
	s9 =	smul.u32 $0xA000, s15;
	[dreg:$0x13] =	wrdreg s8  }
0x28: {  	s12 =	simm.s32 $0x80;
	s23 =	smul.u32 $0xA000, s21;
	[dreg:$0x14] =	wrdreg s5  }
0x29: {  	s21 =	sshrl.u32 s7, $0x2;
	s7 =	simm.s32 $0x3;
	[dreg:$0x17] =	wrdreg s4  }
0x2a: {  	s15 =	sshrl.u32 s26, $0x2;
	s28 =	smul.u32 $0xA000, s22;
	[dreg:$0x1d] =	wrdreg s0  }
0x2b: {  	s22 =	sshrl.u32 s6, $0x2;
	[dreg:$0x1e] =	wrdreg s24;
	s24 =	simm.s32 $0x1B80  }
0x2c: {  	s17 =	sadd.s32 s15, s14;
	s26 =	sshrl.u32 s9, $0x2;
	s15 =	sshrl.u32 s16, $0x2  }
0x2d: {  	s16 =	sshrl.u32 s23, $0x2;
	s23 =	sadd.s32 s22, s14;
	[dreg:$0x15] =	wrdreg s17  }
0x2e: {  	s9 =	simm.s32 $0x50;
	s8 =	sadd.s32 s26, s14;
	[dreg:$0x1c] =	wrdreg s23  }
0x2f: {  	s22 =	simm.s32 $0x1B00;
	s4 =	sadd.s32 s15, s14;
	[dreg:$0x16] =	wrdreg s8  }
0x30: {  	s17 =	sshrl.u32 s28, $0x2;
	s26 =	sadd.s32 s18, s3;
	[dreg:$0x18] =	wrdreg s4  }
0x31: {  	s28 =	sadd.s32 s18, s1;
	s23 =	simm.s32 $0xC00;
	[dreg:$0x1f] =	wrdreg s26  }
0x32: {  	s4 =	sadd.s32 s16, s14;
	[smem:$0x7FD] =	sst s28;
	s8 =	simm.s32 $0x1000  }
0x33: {  	s16 =	simm.s32 $0x4880;
	[dreg:$0x19] =	wrdreg s4;
	s4 =	sadd.s32 s17, s14  }
0x34: {  	s26 =	simm.s32 $0x1C00;
	[dreg:$0x1a] =	wrdreg s4;
	s4 =	sadd.s32 s21, s14  }
0x35: {  	s17 =	simm.s32 $0x1;
	s21 =	simm.s32 $0x2;
	[dreg:$0x1b] =	wrdreg s4  }
.LBB2_1:
0x36: {  	s0 =	rddreg [dreg:$0x15]  }
0x37: {  	s0 =	sshrl.u32 s0, $0x3  }
0x38: {  	[smem:$0x7F8] =	sst s0  }
0x39: {  	[spmem:s0], [sflag:s25] =	dma.local [hbm:s10], $0x500  }
0x3a: {  	_ =	swait.ge [sflag:s7], $0x500  }
0x3b: {  	s1 =	rddreg [dreg:$0x16]  }
0x3c: {  	[sflag:s7] =	ssyncset.done $0x0;
	s0 =	sshrl.u32 s1, $0x3  }
0x3d: {  	[sflag:s7] =	ssyncadd.s32 $0xFFFFFB00;
	[smem:$0x7F9] =	sst s0  }
0x3e: {  	[spmem:s0], [sflag:s25] =	dma.local [hbm:s10], $0x500  }
0x3f: {  	_ =	swait.ge [sflag:s7], $0x500  }
0x40: {  	s2 =	rddreg [dreg:$0x17]  }
0x41: {  	[sflag:s7] =	ssyncset.done $0x0;
	s0 =	sshrl.u32 s2, $0x3  }
0x42: {  	[sflag:s7] =	ssyncadd.s32 $0xFFFFFB00;
	[smem:$0x7FA] =	sst s0  }
0x43: {  	[spmem:s0], [sflag:s25] =	dma.local [hbm:s10], $0x500  }
0x44: {  	_ =	swait.ge [sflag:s7], $0x500  }
0x45: {  	s3 =	rddreg [dreg:$0x18]  }
0x46: {  	[sflag:s7] =	ssyncset.done $0x0;
	s0 =	sshrl.u32 s3, $0x3  }
0x47: {  	[sflag:s7] =	ssyncadd.s32 $0xFFFFFB00;
	[smem:$0x7FB] =	sst s0  }
0x48: {  	[spmem:s0], [sflag:s25] =	dma.local [hbm:s10], $0x500  }
0x49: {  	_ =	swait.ge [sflag:s7], $0x500  }
0x4a: {  	s4 =	rddreg [dreg:$0x19]  }
0x4b: {  	[sflag:s7] =	ssyncset.done $0x0;
	s0 =	sshrl.u32 s4, $0x3  }
0x4c: {  	[sflag:s7] =	ssyncadd.s32 $0xFFFFFB00;
	[smem:$0x7FC] =	sst s0  }
0x4d: {  	[spmem:s0], [sflag:s25] =	dma.local [hbm:s10], $0x500  }
0x4e: {  	_ =	swait.ge [sflag:s7], $0x500  }
0x4f: {  	[sflag:s7] =	ssyncset.done $0x0;
	s5 =	rddreg [dreg:$0x1a]  }
0x50: {  	[sflag:s7] =	ssyncadd.s32 $0xFFFFFB00;
	s4 =	sshrl.u32 s5, $0x3  }
0x51: {  	[spmem:s4], [sflag:s25] =	dma.local [hbm:s10], $0x500  }
0x52: {  	_ =	swait.ge [sflag:s7], $0x500  }
0x53: {  	[sflag:s7] =	ssyncset.done $0x0;
	s6 =	rddreg [dreg:$0x1b]  }
0x54: {  	[sflag:s7] =	ssyncadd.s32 $0xFFFFFB00;
	s6 =	sshrl.u32 s6, $0x3  }
0x55: {  	[spmem:s6], [sflag:s25] =	dma.local [hbm:s10], $0x500  }
0x56: {  	_ =	swait.ge [sflag:s7], $0x500  }
0x57: {  	[sflag:s7] =	ssyncset.done $0x0;
	s0 =	rddreg [dreg:$0x1c]  }
0x58: {  	[sflag:s7] =	ssyncadd.s32 $0xFFFFFB00;
	s15 =	sshrl.u32 @!p0 s0, $0x3;
	s0 =	simm.s32 @!p0 $0x3  }
0x59: {  	[spmem:s15], [sflag:s25] =	dma.local @!p0 [hbm:s10], $0x500  }
0x5a: {  	_ =	swait.ge @!p0 [sflag:s0], $0x500  }
0x5b: {  	[sflag:s0] =	ssyncset.done @!p0 $0x0;
	s13 =	rddreg [dreg:$0x12]  }
0x5c: {  	[sflag:s0] =	ssyncadd.s32 @!p0 $0xFFFFFB00;
	s5 =	sshrl.u32 s13, $0x3  }
0x5d: {  	[spmem:s5], [sflag:s25] =	dma.local [hbm:s10], $0x200  }
0x5e: {  	_ =	swait.ge [sflag:s7], $0x200  }
0x5f: {  	[sflag:s7] =	ssyncset.done $0x0  }
0x60: {  	[sflag:s7] =	ssyncadd.s32 $0xFFFFFE00  }
0x61: {  	s28 =	simm.s32 $0x0;
	[bflag:$0x0] =	sbarrier.arrive $0xFFFF  }
.LBB2_2:
0x62: {  	s0 =	sshll.u32 s28, $0xC  }
0x63: {  	s0 =	sadd.s32 s29, s0  }
0x64: {  	s0 =	sshrl.u32 s0, $0x3  }
0x65: {  	s1 =	simm.s32 $0x0;
	s13 =	sadd.s32 s19, s0  }
0x66: {  	[tilespmem:s1], [sflag:$0x3] =	stream.linear.gather [hbm4b:s13+s1], $0xC80, $0x38;
	[tilespmem:$0x1B900] =	vst v63  }
0x67: {  	_ =	swait.ge [sflag:s7], $0xC80  }
0x68: {  	[sflag:s7] =	ssyncset.done $0x0  }
0x69: {  	s0 =	sadd.s32 s20, s0;
	[sflag:s7] =	ssyncadd.s32 $0xFFFFF380  }
0x6a: {  	[tilespmem:s8], [sflag:$0x3] =	stream.linear.gather [hbm4b:s0+s1], $0xC80, $0x38;
	[tilespmem:$0x1B900] =	vst v63  }
0x6b: {  	_ =	swait.ge [sflag:s7], $0xC80  }
0x6c: {  	[sflag:s7] =	ssyncset.done $0x0  }
0x6d: {  	[sflag:s7] =	ssyncadd.s32 $0xFFFFF380  }
0x6e: {  	[tilespmem:s11], [sflag:$0x1] =	stream.indirect.gather [hbm4b:s18+s9], $0x80, s1, s9, $0xb8;
	[tilespmem:$0x1B900] =	vst v63  }
0x6f: {  	_ = 	snop  }
0x70: {  	[tilespmem:s16], [sflag:$0x2] =	stream.indirect.gather [hbm4b:s18+s9], $0x80, s12, s9, $0xb8;
	[tilespmem:$0x1B900] =	vst v63  }
0x71: {  	_ =	swait.ge [sflag:s17], $0x2800  }
0x72: {  	[sflag:s17] =	ssyncset.done $0x0  }
0x73: {  	s2 =	simm.s32 $0x1000;
	[sflag:s17] =	ssyncadd.s32 $0xFFFFD800  }
0x74: {  	[spmem:s14] =	stream.indirect.scatter.add.f32 [tilespmem:s11], [sflag:$0x3], $0x80, s2, s9, $0xb8;
	[tilespmem:$0x1B900] =	vst v63  }
0x75: {  	_ =	swait.ge [sflag:s7], $0x2800  }
0x76: {  	[sflag:s7] =	ssyncset.done $0x0  }
0x77: {  	s3 =	simm.s32 $0x100;
	[sflag:s7] =	ssyncadd.s32 $0xFFFFD800  }
0x78: {  	[tilespmem:s11], [sflag:$0x1] =	stream.indirect.gather [hbm4b:s18+s9], $0x80, s3, s9, $0xb8;
	[tilespmem:$0x1B900] =	vst v63  }
0x79: {  	_ =	swait.ge [sflag:s21], $0x2800  }
0x7a: {  	[sflag:s21] =	ssyncset.done $0x0  }
0x7b: {  	s13 =	simm.s32 $0x1080;
	[sflag:s21] =	ssyncadd.s32 $0xFFFFD800  }
0x7c: {  	[spmem:s14] =	stream.indirect.scatter.add.f32 [tilespmem:s16], [sflag:$0x3], $0x80, s13, s9, $0xb8;
	[tilespmem:$0x1B900] =	vst v63  }
0x7d: {  	_ =	swait.ge [sflag:s7], $0x2800  }
0x7e: {  	[sflag:s7] =	ssyncset.done $0x0  }
0x7f: {  	s0 =	simm.s32 $0x180;
	s13 =	simm.s32 $0x400;
	[sflag:s7] =	ssyncadd.s32 $0xFFFFD800  }
.LBB2_3:
0x80: {  	[tilespmem:s16], [sflag:$0x2] =	stream.indirect.gather [hbm4b:s18+s9], $0x80, s0, s9, $0xb8;
	[tilespmem:$0x1B900] =	vst v63  }
0x81: {  	s0 =	smov.u32 s13  }
0x82: {  	p2 =	sne.s32 s13, $0x2800;
	s13 =	sadd.s32 $0x400, s13;
	_ =	swait.ge [sflag:s17], $0x2800  }
0x83: {  	s0 =	sshra.s32 s0, $0x2;
	[sflag:s17] =	ssyncset.done $0x0  }
0x84: {  	s1 =	sadd.s32 $0x1000, s0;
	[sflag:s17] =	ssyncadd.s32 $0xFFFFD800  }
0x85: {  	[spmem:s14] =	stream.indirect.scatter.add.f32 [tilespmem:s11], [sflag:$0x3], $0x80, s1, s9, $0xb8;
	[tilespmem:$0x1B900] =	vst v63  }
0x86: {  	_ =	swait.ge [sflag:s7], $0x2800  }
0x87: {  	[sflag:s7] =	ssyncset.done $0x0  }
0x88: {  	s1 =	sadd.s32 $0x100, s0;
	[sflag:s7] =	ssyncadd.s32 $0xFFFFD800  }
0x89: {  	[tilespmem:s11], [sflag:$0x1] =	stream.indirect.gather [hbm4b:s18+s9], $0x80, s1, s9, $0xb8;
	[tilespmem:$0x1B900] =	vst v63  }
0x8a: {  	_ =	swait.ge [sflag:s21], $0x2800  }
0x8b: {  	[sflag:s21] =	ssyncset.done $0x0  }
.Ltmp0:
0x8c: {  	s1 =	sadd.s32 $0x1080, s0;
	[sflag:s21] =	ssyncadd.s32 $0xFFFFD800;
	(pc) =	sbr.rel @p2 .LBB2_3-.Ltmp0, $4  }
0x8d: {  	[spmem:s14] =	stream.indirect.scatter.add.f32 [tilespmem:s16], [sflag:$0x3], $0x80, s1, s9, $0xb8;
	[tilespmem:$0x1B900] =	vst v63  }
0x8e: {  	_ =	swait.ge [sflag:s7], $0x2800  }
0x8f: {  	[sflag:s7] =	ssyncset.done $0x0  }
0x90: {  	s0 =	sadd.s32 $0x180, s0;
	[sflag:s7] =	ssyncadd.s32 $0xFFFFD800  }
0x91: {  	[tilespmem:s16], [sflag:$0x2] =	stream.indirect.gather [hbm4b:s18+s9], $0x80, s0, s9, $0xb8;
	[tilespmem:$0x1B900] =	vst v63  }
0x92: {  	_ =	swait.ge [sflag:s17], $0x2800  }
0x93: {  	[sflag:s17] =	ssyncset.done $0x0  }
0x94: {  	[sflag:s17] =	ssyncadd.s32 $0xFFFFD800  }
0x95: {  	[spmem:s14] =	stream.indirect.scatter.add.f32 [tilespmem:s11], [sflag:$0x3], $0x80, s22, s9, $0xb8;
	[tilespmem:$0x1B900] =	vst v63  }
0x96: {  	_ =	swait.ge [sflag:s7], $0x2800  }
0x97: {  	[sflag:s7] =	ssyncset.done $0x0  }
0x98: {  	[sflag:s7] =	ssyncadd.s32 $0xFFFFD800  }
0x99: {  	[tilespmem:s11], [sflag:$0x1] =	stream.indirect.gather [hbm4b:s18+s9], $0x80, s23, s9, $0xb8;
	[tilespmem:$0x1B900] =	vst v63  }
0x9a: {  	_ =	swait.ge [sflag:s21], $0x2800  }
0x9b: {  	[sflag:s21] =	ssyncset.done $0x0  }
0x9c: {  	[sflag:s21] =	ssyncadd.s32 $0xFFFFD800  }
0x9d: {  	[spmem:s14] =	stream.indirect.scatter.add.f32 [tilespmem:s16], [sflag:$0x3], $0x80, s24, s9, $0xb8;
	[tilespmem:$0x1B900] =	vst v63  }
0x9e: {  	_ =	swait.ge [sflag:s7], $0x2800  }
0x9f: {  	[sflag:s7] =	ssyncset.done $0x0  }
0xa0: {  	[sflag:s7] =	ssyncadd.s32 $0xFFFFD800  }
0xa1: {  	s28 =	sadd.s32 $0x1, s28;
	_ =	swait.ge [sflag:s17], $0x2800  }
0xa2: {  	p2 =	sne.s32 s28, $0x5;
	[sflag:s17] =	ssyncset.done $0x0  }
.Ltmp1:
0xa3: {  	[sflag:s17] =	ssyncadd.s32 $0xFFFFD800;
	(pc) =	sbr.rel @p2 .LBB2_2-.Ltmp1, $4  }
0xa4: {  	[spmem:s14] =	stream.indirect.scatter.add.f32 [tilespmem:s11], [sflag:$0x3], $0x80, s26, s9, $0xb8;
	[tilespmem:$0x1B900] =	vst v63  }
0xa5: {  	_ =	swait.ge [sflag:s7], $0x2800  }
0xa6: {  	[sflag:s7] =	ssyncset.done $0x0  }
0xa7: {  	[sflag:s7] =	ssyncadd.s32 $0xFFFFD800  }
0xa8: {  	s0 =	rddreg [dreg:$0x6];
	s1 =	simm.s32 $0x0;
	s3 =	simm.s32 $0x2000  }
0xa9: {  	[tilespmem:s3], [sflag:$0x4] =	stream.linear.gather [hbm4b:s0+s1], $0x50, $0x38;
	[tilespmem:$0x1B900] =	vst v63  }
0xaa: {  	_ =	swait.ge [sflag:s30], $0x50  }
0xab: {  	[sflag:s30] =	ssyncset.done $0x0  }
0xac: {  	s2 =	rddreg [dreg:$0x1d];
	[sflag:s30] =	ssyncadd.s32 $0xFFFFFFB0  }
0xad: {  	[tilespmem:s11], [sflag:$0x4] =	stream.linear.gather [hbm4b:s2+s1], $0x2800, $0x38;
	[tilespmem:$0x1B900] =	vst v63  }
0xae: {  	_ =	swait.ge [sflag:s30], $0x2800  }
0xaf: {  	[sflag:s30] =	ssyncset.done $0x0  }
0xb0: {  	[sflag:s30] =	ssyncadd.s32 $0xFFFFD800  }
0xb1: {  	s2 =	rddreg [dreg:$0x4]  }
0xb2: {  	[spmem:s2] =	stream.indirect.scatter.add.f32 [tilespmem:s11], [sflag:$0x3], $0x80, s3, s9, $0xb8;
	[tilespmem:$0x1B900] =	vst v63  }
0xb3: {  	_ =	swait.ge [sflag:s7], $0x2800  }
0xb4: {  	[sflag:s7] =	ssyncset.done $0x0  }
0xb5: {  	s13 =	rddreg [dreg:$0x7];
	[sflag:s7] =	ssyncadd.s32 $0xFFFFD800  }
0xb6: {  	[tilespmem:s3], [sflag:$0x4] =	stream.linear.gather [hbm4b:s13+s1], $0x50, $0x38;
	[tilespmem:$0x1B900] =	vst v63  }
0xb7: {  	_ =	swait.ge [sflag:s30], $0x50  }
0xb8: {  	[sflag:s30] =	ssyncset.done $0x0  }
0xb9: {  	s28 =	rddreg [dreg:$0x1e];
	[sflag:s30] =	ssyncadd.s32 $0xFFFFFFB0  }
0xba: {  	[tilespmem:s11], [sflag:$0x4] =	stream.linear.gather [hbm4b:s28+s1], $0x2800, $0x38;
	[tilespmem:$0x1B900] =	vst v63  }
0xbb: {  	_ =	swait.ge [sflag:s30], $0x2800  }
0xbc: {  	[sflag:s30] =	ssyncset.done $0x0  }
0xbd: {  	[sflag:s30] =	ssyncadd.s32 $0xFFFFD800  }
0xbe: {  	[spmem:s2] =	stream.indirect.scatter.add.f32 [tilespmem:s11], [sflag:$0x3], $0x80, s3, s9, $0xb8;
	[tilespmem:$0x1B900] =	vst v63  }
0xbf: {  	_ =	swait.ge [sflag:s7], $0x2800  }
0xc0: {  	[sflag:s7] =	ssyncset.done $0x0  }
0xc1: {  	s13 =	rddreg [dreg:$0x8];
	[sflag:s7] =	ssyncadd.s32 $0xFFFFD800  }
0xc2: {  	[tilespmem:s3], [sflag:$0x4] =	stream.linear.gather [hbm4b:s13+s1], $0x50, $0x38;
	[tilespmem:$0x1B900] =	vst v63  }
0xc3: {  	_ =	swait.ge [sflag:s30], $0x50  }
0xc4: {  	[sflag:s30] =	ssyncset.done $0x0  }
0xc5: {  	s28 =	rddreg [dreg:$0x1f];
	[sflag:s30] =	ssyncadd.s32 $0xFFFFFFB0  }
0xc6: {  	[tilespmem:s11], [sflag:$0x4] =	stream.linear.gather [hbm4b:s28+s1], $0x2800, $0x38;
	[tilespmem:$0x1B900] =	vst v63  }
0xc7: {  	_ =	swait.ge [sflag:s30], $0x2800  }
0xc8: {  	[sflag:s30] =	ssyncset.done $0x0  }
0xc9: {  	[sflag:s30] =	ssyncadd.s32 $0xFFFFD800  }
0xca: {  	[spmem:s2] =	stream.indirect.scatter.add.f32 [tilespmem:s11], [sflag:$0x3], $0x80, s3, s9, $0xb8;
	[tilespmem:$0x1B900] =	vst v63  }
0xcb: {  	_ =	swait.ge [sflag:s7], $0x2800  }
0xcc: {  	s0 =	simm.s32 @!p1 $0x0;
	[sflag:s7] =	ssyncset.done $0x0  }
0xcd: {  	s1 =	simm.s32 @!p1 $0x2000;
	s13 =	rddreg [dreg:$0x9];
	[sflag:s7] =	ssyncadd.s32 $0xFFFFD800  }
0xce: {  	[tilespmem:s1], [sflag:$0x4] =	stream.linear.gather @!p1 [hbm4b:s13+s0], $0x50, $0x38;
	[tilespmem:$0x1B900] =	vst v63  }
0xcf: {  	s13 =	simm.s32 @!p1 $0x4  }
0xd0: {  	_ =	swait.ge @!p1 [sflag:s13], $0x50  }
0xd1: {  	s3 =	sld [smem:$0x7FD]  }
0xd2: {  	[sflag:s13] =	ssyncset.done @!p1 $0x0  }
0xd3: {  	s28 =	simm.s32 @!p1 $0x2080;
	[sflag:s13] =	ssyncadd.s32 @!p1 $0xFFFFFFB0  }
0xd4: {  	[tilespmem:s28], [sflag:$0x4] =	stream.linear.gather @!p1 [hbm4b:s3+s0], $0x2800, $0x38;
	[tilespmem:$0x1B900] =	vst v63  }
0xd5: {  	_ =	swait.ge @!p1 [sflag:s13], $0x2800  }
0xd6: {  	[sflag:s13] =	ssyncset.done @!p1 $0x0  }
0xd7: {  	s0 =	simm.s32 @!p1 $0x50;
	[sflag:s13] =	ssyncadd.s32 @!p1 $0xFFFFD800  }
0xd8: {  	[spmem:s2] =	stream.indirect.scatter.add.f32 @!p1 [tilespmem:s28], [sflag:$0x3], $0x80, s1, s0, $0xb8;
	[tilespmem:$0x1B900] =	vst v63  }
0xd9: {  	s0 =	simm.s32 @!p1 $0x3  }
0xda: {  	_ =	swait.ge @!p1 [sflag:s0], $0x2800  }
0xdb: {  	[sflag:s0] =	ssyncset.done @!p1 $0x0  }
0xdc: {  	[sflag:s0] =	ssyncadd.s32 @!p1 $0xFFFFD800  }
0xdd: {  	[bflag:$0x0] =	sbarrier.arrive $0xFFFF  }
0xde: {  	s3 =	sld [smem:$0x7F8];
	_ =	sdelay $0x1  }
0xdf: {  	s2 =	rddreg [dreg:$0xa]  }
0xe0: {  	[hbm:s2], [sflag:s25] =	dma.local [spmem:s3], $0x500  }
0xe1: {  	_ =	swait.ge [sflag:s7], $0x500  }
0xe2: {  	s28 =	sld [smem:$0x7F9]  }
0xe3: {  	[sflag:s7] =	ssyncset.done $0x0  }
0xe4: {  	s13 =	rddreg [dreg:$0xb];
	[sflag:s7] =	ssyncadd.s32 $0xFFFFFB00  }
0xe5: {  	[hbm:s13], [sflag:s25] =	dma.local [spmem:s28], $0x500  }
0xe6: {  	_ =	swait.ge [sflag:s7], $0x500  }
0xe7: {  	s3 =	sld [smem:$0x7FA]  }
0xe8: {  	[sflag:s7] =	ssyncset.done $0x0  }
0xe9: {  	s2 =	rddreg [dreg:$0xc];
	[sflag:s7] =	ssyncadd.s32 $0xFFFFFB00  }
0xea: {  	[hbm:s2], [sflag:s25] =	dma.local [spmem:s3], $0x500  }
0xeb: {  	_ =	swait.ge [sflag:s7], $0x500  }
0xec: {  	s28 =	sld [smem:$0x7FB]  }
0xed: {  	[sflag:s7] =	ssyncset.done $0x0  }
0xee: {  	s13 =	rddreg [dreg:$0xd];
	[sflag:s7] =	ssyncadd.s32 $0xFFFFFB00  }
0xef: {  	[hbm:s13], [sflag:s25] =	dma.local [spmem:s28], $0x500  }
0xf0: {  	_ =	swait.ge [sflag:s7], $0x500  }
0xf1: {  	s2 =	sld [smem:$0x7FC]  }
0xf2: {  	[sflag:s7] =	ssyncset.done $0x0  }
0xf3: {  	s1 =	rddreg [dreg:$0xe];
	[sflag:s7] =	ssyncadd.s32 $0xFFFFFB00  }
0xf4: {  	[hbm:s1], [sflag:s25] =	dma.local [spmem:s2], $0x500  }
0xf5: {  	_ =	swait.ge [sflag:s7], $0x500  }
0xf6: {  	[sflag:s7] =	ssyncset.done $0x0  }
0xf7: {  	s3 =	rddreg [dreg:$0xf];
	[sflag:s7] =	ssyncadd.s32 $0xFFFFFB00  }
0xf8: {  	[hbm:s3], [sflag:s25] =	dma.local [spmem:s4], $0x500  }
0xf9: {  	_ =	swait.ge [sflag:s7], $0x500  }
0xfa: {  	[sflag:s7] =	ssyncset.done $0x0  }
0xfb: {  	s13 =	rddreg [dreg:$0x10];
	[sflag:s7] =	ssyncadd.s32 $0xFFFFFB00  }
0xfc: {  	[hbm:s13], [sflag:s25] =	dma.local [spmem:s6], $0x500  }
0xfd: {  	_ =	swait.ge [sflag:s7], $0x500  }
0xfe: {  	[sflag:s7] =	ssyncset.done $0x0  }
0xff: {  	s0 =	rddreg [dreg:$0x11];
	[sflag:s7] =	ssyncadd.s32 $0xFFFFFB00  }
0x100: {  	[hbm:s0], [sflag:s25] =	dma.local @!p0 [spmem:s15], $0x500  }
0x101: {  	s0 =	simm.s32 @!p0 $0x3  }
0x102: {  	_ =	swait.ge @!p0 [sflag:s0], $0x500  }
0x103: {  	[sflag:s0] =	ssyncset.done @!p0 $0x0  }
0x104: {  	s15 =	rddreg [dreg:$0x13];
	[sflag:s0] =	ssyncadd.s32 @!p0 $0xFFFFFB00  }
0x105: {  	[hbm:s15], [sflag:s25] =	dma.local [spmem:s5], $0x200  }
0x106: {  	_ =	swait.ge [sflag:s7], $0x200  }
0x107: {  	s31 =	sadd.s32 $0x1, s31;
	s28 =	rddreg [dreg:$0x14]  }
0x108: {  	p2 =	sne.s32 s31, s28  }
.Ltmp2:
0x109: {  	_ = 	snop;
	(pc) =	sbr.rel @p2 .LBB2_1-.Ltmp2, $3  }
0x10a: {  	_ =	sdelay $0x1  }
0x10b: {  	[sflag:s7] =	ssyncset.done $0x0  }
0x10c: {  	[sflag:s7] =	ssyncadd.s32 $0xFFFFFE00  }
0x10d: {  	_ =	sfence.sel $0x180000  }
0x10e: {  	[bflag:$0x0] =	sbarrier.arrive $0xFFFF  }
0x10f: {  	_ =	strace $0x9000004D  }
0x110: {  	s0 =	stileid.u32;
	[bflag:$0x2] =	sbarrier.arrive $0xFFFF  }
0x111: {  	p0 =	sne.s32 s0, $0x0;
	s0 =	rddreg [dreg:$0x5]  }
0x112: {  	s0 =	sadd.s32 @!p0 $0x100000, s0  }
0x113: {  	[sflag:s0] =	ssyncadd.tile.s32 @!p0 $0x1;
	_ =	shalt  }
.Lfunc_end2:
_tile_overlayer_lowered:
.L_overlay_start_2:
0x114: {  	(tag) =	ssettag $0x2  }
0x115: {  	s0 =	rddreg [dreg:$0x0];
	s2 =	stileid.u32  }
0x116: {  	s1 =	rddreg [dreg:$0x1];
	p0 =	sne.s32 s2, $0x0  }
0x117: {  	s3 =	rddreg [dreg:$0x2];
	[bflag:$0x3] =	sbarrier.arrive $0xFFFF;
	s2 =	simm.s32 @!p0 $0x1C03  }
0x118: {  	[timem:s3], [sflag:s2] =	dma.local @!p0 [hbm:s0], s1  }
0x119: {  	s0 =	simm.s32 @!p0 $0x3  }
0x11a: {  	_ =	swait.ge @!p0 [sflag:s0], s1  }
0x11b: {  	s1 =	ssub.s32 @!p0 $0x0, s1;
	[sflag:s0] =	ssyncset.done @!p0 $0x0  }
0x11c: {  	[sflag:s0] =	ssyncadd.s32 @!p0 s1  }
0x11d: {  	[bflag:$0x3] =	sbarrier.arrive $0xFFFF  }
0x11e: {  	_ =	shalt  }

// kernel: kernel.20.cloned.1.call-start
scs
__scs_entry_jumppad:
0x0: {  	(pc) =	sbr.rel $0x88, $3  }
0x1: {  	(tag) =	ssettag $0x0;
	lr =	simm.s32 $0x1  }
0x2: {  	[smem:$0x3F8C] =	sst lr;
	_ =	strace $0xD0000000  }
0x3: {  	_ = 	snop  }
0x4: {  	_ = 	snop  }
0x5: {  	_ = 	snop  }
0x6: {  	_ = 	snop  }
0x7: {  	_ = 	snop  }
__scs_overlays_trampoline_lowered:
0x8: {  	[smem:$0x3F9B] =	sst s0  }
0x9: {  	[smem:$0x3F9C] =	sst s1  }
0xa: {  	[smem:$0x3F9D] =	sst s2  }
0xb: {  	[smem:$0x3F9E] =	sst s3  }
0xc: {  	[smem:$0x3F9F] =	sst s4  }
0xd: {  	[smem:$0x3FA0] =	sst s5  }
0xe: {  	[smem:$0x3FA1] =	sst s6  }
0xf: {  	[smem:$0x3FA2] =	sst s7  }
0x10: {  	[smem:$0x3FA3] =	sst s8  }
0x11: {  	[smem:$0x3FA4] =	sst s9;
	s0 =	simm.s32 @!p0 $0x0  }
0x12: {  	s1 =	sld [smem:$0x3F8A];
	s0 =	simm.s32 @p0 $0x1  }
0x13: {  	[smem:$0x3FA5] =	sst s0;
	s0 =	simm.s32 @!p1 $0x0  }
0x14: {  	s2 =	sld [smem:$0x3F89];
	s0 =	simm.s32 @p1 $0x1  }
0x15: {  	[smem:$0x3FA6] =	sst s0;
	s0 =	simm.s32 @!p2 $0x0  }
0x16: {  	s3 =	sld [smem:$0x3FDB];
	s0 =	simm.s32 @p2 $0x1  }
0x17: {  	s4 =	simm.s32 $0x1BF5;
	[smem:$0x3FA8] =	sst s0  }
0x18: {  	s0 =	sld [smem:$0x3F8B];
	_ =	swait.ge [sflag:s4], $0x0  }
0x19: {  	s7 =	sld [smem:$0x3F8C]  }
0x1a: {  	s8 =	sadd.s32 $0xFFFFE003, lr  }
0x1b: {  	s9 =	sadd.s32 $0xFFFFFEF7, lr;
	s5 =	simm.s32 $0xFFFFFFFF;
	p2 =	slt.u32 s8, $0xFFFFF086  }
0x1c: {  	p1 =	slt.u32 s9, $0xF7A;
	s5 =	simm.s32 @!p2 $0x0  }
0x1d: {  	s5 =	simm.s32 @p1 $0x1;
	p0 =	seq.s32 s7, s2  }
0x1e: {  	s7 =	smul.u32 @!p0 $0xF7A, s2;
	p2 =	seq.s32 @!p0 s5, $0x0  }
0x1f: {  	s9 =	smul.u32 $0xF7A, s1;
	s8 =	simm.s32 @!p0 $0x1BF5;
	p2 =	por !p2, p0  }
0x20: {  	[sflag:s8] =	ssyncset.s32 @!p0 $0xFFFFF086;
	s6 =	sadd.s32 @!p0 s3, s7;
	s7 =	simm.s32 @!p0 $0x108  }
0x21: {  	s3 =	sadd.s32 s3, s9;
	s6 =	sadd.s32 @!p0 $0x88, s6;
	s7 =	simm.s32 @p2 $0x1082  }
0x22: {  	[simem:s7], [sflag:s8] =	dma.local @!p0 [hbm:s6], $0xF7A  }
0x23: {  	s9 =	sor.u32 $0xD0000000, s2;
	s6 =	simm.s32 $0x108;
	_ =	swait.ge @!p0 [sflag:s8], $0x0  }
0x24: {  	s3 =	sadd.s32 $0x88, s3;
	s6 =	simm.s32 @!p1 $0x1082;
	[sflag:s4] =	ssyncset.s32 $0xFFFFF086  }
0x25: {  	[simem:s6], [sflag:s4] =	dma.local [hbm:s3], $0xF7A  }
0x26: {  	[smem:$0x3F8C] =	sst s1;
	(tag) =	ssettag s2;
	_ =	strace s9  }
0x27: {  	s1 =	sld [smem:$0x3F9C]  }
0x28: {  	s2 =	sld [smem:$0x3F9D]  }
0x29: {  	s4 =	sld [smem:$0x3F9F]  }
0x2a: {  	p0 =	seq.s32 s5, $0x0;
	s5 =	sld [smem:$0x3FA0]  }
0x2b: {  	s6 =	sld [smem:$0x3FA1]  }
0x2c: {  	s7 =	sld [smem:$0x3FA2]  }
0x2d: {  	s3 =	simm.s32 $0x108;
	s8 =	sld [smem:$0x3FA3]  }
0x2e: {  	s3 =	simm.s32 @!p0 $0x1082;
	s9 =	sld [smem:$0x3FA4]  }
0x2f: {  	lr =	sadd.s32 s0, s3;
	s0 =	sld [smem:$0x3F9B]  }
0x30: {  	s3 =	sld [smem:$0x3F9E]  }
0x31: {  	[smem:$0x3FA7] =	sst s10  }
0x32: {  	s10 =	sld [smem:$0x3FA5];
	_ =	sdelay $0x3  }
0x33: {  	p0 =	seq.s32 s10, $0x1;
	s10 =	sld [smem:$0x3FA7];
	_ =	sdelay $0x3  }
0x34: {  	[smem:$0x3FA7] =	sst s10  }
0x35: {  	s10 =	sld [smem:$0x3FA6];
	_ =	sdelay $0x3  }
0x36: {  	p1 =	seq.s32 s10, $0x1;
	s10 =	sld [smem:$0x3FA7];
	_ =	sdelay $0x3  }
0x37: {  	[smem:$0x3FA7] =	sst s10  }
0x38: {  	s10 =	sld [smem:$0x3FA8]  }
0x39: {  	_ = 	snop;
	(pc) =	sbr.ind lr, $3  }
0x3a: {  	_ = 	snop  }
0x3b: {  	_ = 	snop  }
0x3c: {  	p2 =	seq.s32 s10, $0x1;
	s10 =	sld [smem:$0x3FA7]  }
0x3d: {  	_ =	shalt  }
0x3e: {  	_ =	shalt  }
0x3f: {  	_ =	shalt  }
0x40: {  	_ =	shalt  }
0x41: {  	_ =	shalt  }
0x42: {  	_ =	shalt  }
0x43: {  	_ =	shalt  }
0x44: {  	_ =	shalt  }
0x45: {  	_ =	shalt  }
0x46: {  	_ =	shalt  }
0x47: {  	_ =	shalt  }
0x48: {  	_ =	shalt  }
0x49: {  	_ =	shalt  }
0x4a: {  	_ =	shalt  }
0x4b: {  	_ =	shalt  }
0x4c: {  	_ =	shalt  }
0x4d: {  	_ =	shalt  }
0x4e: {  	_ =	shalt  }
0x4f: {  	_ =	shalt  }
0x50: {  	_ =	shalt  }
0x51: {  	_ =	shalt  }
0x52: {  	_ =	shalt  }
0x53: {  	_ =	shalt  }
0x54: {  	_ =	shalt  }
0x55: {  	_ =	shalt  }
0x56: {  	_ =	shalt  }
0x57: {  	_ =	shalt  }
0x58: {  	_ =	shalt  }
0x59: {  	_ =	shalt  }
0x5a: {  	_ =	shalt  }
0x5b: {  	_ =	shalt  }
0x5c: {  	_ =	shalt  }
0x5d: {  	_ =	shalt  }
0x5e: {  	_ =	shalt  }
0x5f: {  	_ =	shalt  }
0x60: {  	_ =	shalt  }
0x61: {  	_ =	shalt  }
0x62: {  	_ =	shalt  }
0x63: {  	_ =	shalt  }
0x64: {  	_ =	shalt  }
0x65: {  	_ =	shalt  }
0x66: {  	_ =	shalt  }
0x67: {  	_ =	shalt  }
0x68: {  	_ =	shalt  }
0x69: {  	_ =	shalt  }
0x6a: {  	_ =	shalt  }
0x6b: {  	_ =	shalt  }
0x6c: {  	_ =	shalt  }
0x6d: {  	_ =	shalt  }
0x6e: {  	_ =	shalt  }
0x6f: {  	_ =	shalt  }
0x70: {  	_ =	shalt  }
0x71: {  	_ =	shalt  }
0x72: {  	_ =	shalt  }
0x73: {  	_ =	shalt  }
0x74: {  	_ =	shalt  }
0x75: {  	_ =	shalt  }
0x76: {  	_ =	shalt  }
0x77: {  	_ =	shalt  }
0x78: {  	_ =	shalt  }
0x79: {  	_ =	shalt  }
0x7a: {  	_ =	shalt  }
0x7b: {  	_ =	shalt  }
0x7c: {  	_ =	shalt  }
0x7d: {  	_ =	shalt  }
0x7e: {  	_ =	shalt  }
0x7f: {  	_ =	shalt  }
0x80: {  	_ =	shalt  }
0x81: {  	_ =	shalt  }
0x82: {  	_ =	shalt  }
0x83: {  	_ =	shalt  }
0x84: {  	_ =	shalt  }
0x85: {  	_ =	shalt  }
0x86: {  	_ =	shalt  }
0x87: {  	_ =	shalt  }
.Lfunc_end0:
.L_simem_size_0:
called_computation.3_lowered:
.L_overlay_start_0:
0x88: {  	s2 =	sld [smem:$0x3FD9]  }
0x89: {  	s3 =	sld [smem:$0x3FFE];
	_ =	sdelay $0x1  }
0x8a: {  	s1 =	srdreg.scid  }
0x8b: {  	s0 =	sand.u32 $0x1, s1  }
0x8c: {  	s17 =	sshll.u32 s0, $0xA;
	s2 =	sadd.s32 s3, s2  }
0x8d: {  	s2 =	sadd.s32 s2, s17  }
0x8e: {  	[smem:$0x3FB3] =	sst s2  }
0x8f: {  	_ = 	snop  }
0x90: {  	s2 =	sld [smem:$0x3FBF]  }
0x91: {  	s18 =	sld [smem:$0x3FD0];
	(tm) =	ssettm $0x1  }
0x92: {  	s4 =	sld [smem:$0x3FFB];
	_ =	sdelay $0x3  }
0x93: {  	_ =	strace s4  }
0x94: {  	s4 =	sld [smem:$0x3FFC];
	_ =	sdelay $0x3  }
0x95: {  	_ =	strace s4  }
0x96: {  	s4 =	sld [smem:$0x3FFD];
	_ =	sdelay $0x3  }
0x97: {  	_ =	strace s4  }
0x98: {  	_ =	strace $0x8FFFFFFF  }
0x99: {  	s19 =	sld [smem:$0x3FDB];
	_ =	sdelay $0x1  }
0x9a: {  	s5 =	simm.s32 $_scs_section_size  }
0x9b: {  	s6 =	simm.s32 $_size__tile_overlayer_lowered;
	s7 =	simm.s32 $_tile_overlayer_lowered  }
0x9c: {  	s22 =	simm.s32 $0x1BFF;
	s21 =	sshll.u32 s7, $0x1;
	s4 =	sadd.s32 s5, s19  }
0x9d: {  	s8 =	simm.s32 $0x0;
	s20 =	sshll.u32 s6, $0x1;
	s6 =	sadd.s32 s21, s4  }
0x9e: {  	[timem:s8], [sflag:s22] =	dma.local [hbm:s6], s20  }
0x9f: {  	_ =	swait.ge [sflag:s22], s20  }
0xa0: {  	s5 =	ssub.s32 $0x0, s20;
	[sflag:s22] =	ssyncset.done $0x0  }
0xa1: {  	[sflag:s22] =	ssyncadd.s32 s5;
	_ =	sdelay $0x1  }
0xa2: {  	s23 =	simm.s32 $0x1B8B  }
0xa3: {  	_ =	swait.ge [sflag:s23], $0x1  }
0xa4: {  	[sflag:s23] =	ssyncset.done $0x0  }
0xa5: {  	s25 =	simm.s32 $0x1B8E;
	s24 =	sld [smem:$0x3FFE];
	[sflag:s23] =	ssyncadd.s32 $0xFFFFFFFF  }
0xa6: {  	s26 =	simm.s32 $execute0_lowered;
	[smem:$0x3FD2] =	sst s25  }
0xa7: {  	s6 =	sshll.u32 s26, $0x1;
	_ =	strace $0x8000004F;
	[dreg:$0x1] =	wrdreg $0xFFFFFFFF  }
0xa8: {  	s28 =	simm.s32 $_size_execute0_lowered;
	s4 =	sadd.s32 s4, s6;
	[dreg:$0x0] =	wrdreg $0x0  }
0xa9: {  	s6 =	sshll.u32 s28, $0x1;
	[dreg:$0x2] =	wrdreg s4  }
0xaa: {  	[dreg:$0x3] =	wrdreg s6  }
0xab: {  	[dreg:$0x4] =	wrdreg $0xC0  }
0xac: {  	_ =	task [dreg:s8], $0x5FFFF  }
0xad: {  	[dreg:$0x1] =	wrdreg $0xFFFFFFFF  }
0xae: {  	[dreg:$0x0] =	wrdreg $0x60  }
0xaf: {  	[dreg:$0x2] =	wrdreg s24  }
0xb0: {  	[dreg:$0x3] =	wrdreg s2  }
0xb1: {  	[dreg:$0x4] =	wrdreg s18  }
0xb2: {  	[dreg:$0x5] =	wrdreg $0x28800  }
0xb3: {  	[dreg:$0x6] =	wrdreg $0x9  }
0xb4: {  	_ =	task.clear_ibuf [dreg:s8], $0x7FFFF;
	_ =	strace $0x9000004F  }
0xb5: {  	s29 =	simm.s32 $0x9;
	_ =	strace $0x80000051  }
0xb6: {  	_ =	swait.ge [sflag:s29], $0x1  }
0xb7: {  	[sflag:s29] =	ssyncadd.s32 $0xFFFFFFFF  }
0xb8: {  	_ =	strace $0x90000051  }
0xb9: {  	_ =	sfence  }
0xba: {  	s30 =	sld [smem:$0x0];
	_ =	sdelay $0x2  }
0xbb: {  	s31 =	sshll.u32 s1, $0xD;
	s1 =	sshrl.u32 s1, $0x2  }
0xbc: {  	s3 =	sand.u32 $0x4000, s31;
	s1 =	sadd.s32 s1, s30  }
0xbd: {  	s0 =	sor.u32 s3, s0;
	s1 =	sshll.u32 s1, $0x11  }
0xbe: {  	s0 =	sor.u32 s1, s0  }
0xbf: {  	s0 =	sadd.s32 $0x8F2B, s0  }
0xc0: {  	[sflag:s0] =	ssyncadd.remote.s32 $0x1  }
0xc1: {  	_ =	sfence.sel $0xFFFF  }
0xc2: {  	[dreg:$0x0] =	wrdreg $0xFFFFFFFF;
	(pc) =	sbr.abs _section_cstart, $3  }
0xc3: {  	[dreg:$0x1] =	wrdreg $0xFFFFFFFF  }
0xc4: {  	_ =	task.clear_ibuf [dreg:s8], $0x2FFFF;
	_ =	strace $0x9FFFFFFF  }
0xc5: {  	(tm) =	ssettm $0x7FFFFFFF  }
tec
execute0_lowered:
.L_overlay_start_1:
0x0: {  	(tag) =	ssettag $0x1  }
0x1: {  	s24 =	rddreg [dreg:$0x0]  }
0x2: {  	s17 =	rddreg [dreg:$0x1]  }
0x3: {  	s2 =	rddreg [dreg:$0x2]  }
0x4: {  	s3 =	rddreg [dreg:$0x3]  }
0x5: {  	s0 =	rddreg [dreg:$0x4];
	s4 =	simm.s32 $0x0;
	s1 =	stileid.u32  }
0x6: {  	s5 =	srdreg.scid;
	[smem:$0x7FF] =	sst s4  }
0x7: {  	s25 =	sand.u32 $0x1, s5;
	s28 =	sshll.u32 s1, $0xC;
	s8 =	sshll.u32 s1, $0x1  }
0x8: {  	s29 =	sshll.u32 s1, $0x6;
	_ =	strace $0x80000050;
	s6 =	sadd.s32 s28, s3  }
0x9: {  	s5 =	sor.u32 $0x1C01, s29;
	s7 =	sshrl.u32 s6, $0x3;
	s6 =	simm.s32 $0x1  }
0xa: {  	[spmem:s7], [sflag:s5] =	dma.local [hbm:s2], $0x200  }
0xb: {  	s18 =	sor.u32 s25, s8;
	_ =	swait.ge [sflag:s6], $0x200  }
0xc: {  	s8 =	smul.u32 $0xA, s18;
	[sflag:s6] =	ssyncset.done $0x0  }
0xd: {  	[sflag:s6] =	ssyncadd.s32 $0xFFFFFE00  }
0xe: {  	s9 =	simm.s32 $0x2;
	s8 =	sadd.s32 s17, s8;
	[bflag:$0x0] =	sbarrier.arrive $0xFFFF  }
0xf: {  	[tilespmem:s4], [sflag:$0x2] =	stream.linear.gather [hbm4b:s8+s4], $0x50, $0x38;
	[tilespmem:$0x3880] =	vst v63  }
0x10: {  	s10 =	smul.u32 $0x500, s18;
	_ =	swait.ge [sflag:s9], $0x50  }
0x11: {  	s20 =	sadd.s32 $0x5400, s24;
	[sflag:s9] =	ssyncset.done $0x0  }
0x12: {  	s11 =	simm.s32 $0x80;
	s10 =	sadd.s32 s20, s10;
	[sflag:s9] =	ssyncadd.s32 $0xFFFFFFB0  }
0x13: {  	[tilespmem:s11], [sflag:$0x2] =	stream.linear.gather [hbm4b:s10+s4], $0x2800, $0x38;
	[tilespmem:$0x3880] =	vst v63  }
0x14: {  	_ =	swait.ge [sflag:s9], $0x2800  }
0x15: {  	[sflag:s9] =	ssyncset.done $0x0  }
0x16: {  	s12 =	simm.s32 $0x50;
	s14 =	sor.u32 $0x20, s18;
	[sflag:s9] =	ssyncadd.s32 $0xFFFFD800  }
0x17: {  	[spmem:s3] =	stream.indirect.scatter.add.f32 [tilespmem:s11], [sflag:$0x1], $0x80, s4, s12, $0xb8;
	[tilespmem:$0x3880] =	vst v63  }
0x18: {  	s13 =	smul.u32 $0xA, s14;
	_ =	swait.ge [sflag:s6], $0x2800  }
0x19: {  	[sflag:s6] =	ssyncset.done $0x0  }
0x1a: {  	s13 =	sadd.s32 s17, s13;
	[sflag:s6] =	ssyncadd.s32 $0xFFFFD800  }
0x1b: {  	[tilespmem:s4], [sflag:$0x2] =	stream.linear.gather [hbm4b:s13+s4], $0x50, $0x38;
	[tilespmem:$0x3880] =	vst v63  }
0x1c: {  	s14 =	smul.u32 $0x500, s14;
	_ =	swait.ge [sflag:s9], $0x50  }
0x1d: {  	[sflag:s9] =	ssyncset.done $0x0  }
0x1e: {  	s14 =	sadd.s32 s20, s14;
	[sflag:s9] =	ssyncadd.s32 $0xFFFFFFB0  }
0x1f: {  	[tilespmem:s11], [sflag:$0x2] =	stream.linear.gather [hbm4b:s14+s4], $0x2800, $0x38;
	[tilespmem:$0x3880] =	vst v63  }
0x20: {  	_ =	swait.ge [sflag:s9], $0x2800  }
0x21: {  	[sflag:s9] =	ssyncset.done $0x0  }
0x22: {  	s16 =	sor.u32 $0x40, s18;
	[sflag:s9] =	ssyncadd.s32 $0xFFFFD800  }
0x23: {  	[spmem:s3] =	stream.indirect.scatter.add.f32 [tilespmem:s11], [sflag:$0x1], $0x80, s4, s12, $0xb8;
	[tilespmem:$0x3880] =	vst v63  }
0x24: {  	s15 =	smul.u32 $0xA, s16;
	_ =	swait.ge [sflag:s6], $0x2800  }
0x25: {  	[sflag:s6] =	ssyncset.done $0x0  }
0x26: {  	s15 =	sadd.s32 s17, s15;
	[sflag:s6] =	ssyncadd.s32 $0xFFFFD800  }
0x27: {  	[tilespmem:s4], [sflag:$0x2] =	stream.linear.gather [hbm4b:s15+s4], $0x50, $0x38;
	[tilespmem:$0x3880] =	vst v63  }
0x28: {  	s16 =	smul.u32 $0x500, s16;
	_ =	swait.ge [sflag:s9], $0x50  }
0x29: {  	[sflag:s9] =	ssyncset.done $0x0  }
0x2a: {  	s16 =	sadd.s32 s20, s16;
	[sflag:s9] =	ssyncadd.s32 $0xFFFFFFB0  }
0x2b: {  	[tilespmem:s11], [sflag:$0x2] =	stream.linear.gather [hbm4b:s16+s4], $0x2800, $0x38;
	[tilespmem:$0x3880] =	vst v63  }
0x2c: {  	_ =	swait.ge [sflag:s9], $0x2800  }
0x2d: {  	[sflag:s9] =	ssyncset.done $0x0  }
0x2e: {  	s21 =	sor.u32 $0x60, s18;
	[sflag:s9] =	ssyncadd.s32 $0xFFFFD800  }
0x2f: {  	[spmem:s3] =	stream.indirect.scatter.add.f32 [tilespmem:s11], [sflag:$0x1], $0x80, s4, s12, $0xb8;
	[tilespmem:$0x3880] =	vst v63  }
0x30: {  	s18 =	smul.u32 $0xA, s21;
	p0 =	sgt.u32 s21, $0x7C;
	_ =	swait.ge [sflag:s6], $0x2800  }
0x31: {  	s19 =	simm.s32 @!p0 $0x2;
	[sflag:s6] =	ssyncset.done $0x0  }
0x32: {  	s17 =	sadd.s32 s17, s18;
	s18 =	simm.s32 @!p0 $0x0;
	[sflag:s6] =	ssyncadd.s32 $0xFFFFD800  }
0x33: {  	[tilespmem:s18], [sflag:$0x2] =	stream.linear.gather @!p0 [hbm4b:s17+s18], $0x50, $0x38;
	[tilespmem:$0x3880] =	vst v63  }
0x34: {  	s26 =	sshll.u32 s1, $0x9;
	s21 =	smul.u32 $0x500, s21;
	_ =	swait.ge @!p0 [sflag:s19], $0x50  }
0x35: {  	s28 =	ssub.s32 $0x2, s25;
	s24 =	sadd.s32 s26, s24;
	[sflag:s19] =	ssyncset.done @!p0 $0x0  }
0x36: {  	s20 =	sadd.s32 s20, s21;
	s21 =	simm.s32 @!p0 $0x80;
	[sflag:s19] =	ssyncadd.s32 @!p0 $0xFFFFFFB0  }
0x37: {  	[tilespmem:s21], [sflag:$0x2] =	stream.linear.gather @!p0 [hbm4b:s20+s18], $0x2800, $0x38;
	[tilespmem:$0x3880] =	vst v63  }
0x38: {  	s25 =	sshll.u32 s25, $0xD;
	s30 =	sshrl.u32 s28, $0x1;
	_ =	swait.ge @!p0 [sflag:s19], $0x2800  }
0x39: {  	s26 =	ssub.s32 s28, s30;
	s22 =	simm.s32 @!p0 $0x50;
	[sflag:s19] =	ssyncset.done @!p0 $0x0  }
0x3a: {  	s23 =	simm.s32 @!p0 $0x1;
	s31 =	smax.u32 s26, $0x1;
	[sflag:s19] =	ssyncadd.s32 @!p0 $0xFFFFD800  }
0x3b: {  	[spmem:s3] =	stream.indirect.scatter.add.f32 @!p0 [tilespmem:s21], [sflag:$0x1], $0x80, s18, s22, $0xb8;
	[tilespmem:$0x3880] =	vst v63  }
0x3c: {  	s24 =	sadd.s32 s25, s24;
	s25 =	sadd.s32 $0xFFFFFFFF, s31;
	_ =	swait.ge @!p0 [sflag:s23], $0x2800  }
0x3d: {  	p1 =	sne.s32 s25, $0x0;
	[sflag:s23] =	ssyncset.done @!p0 $0x0  }
.Ltmp0:
0x3e: {  	[sflag:s23] =	ssyncadd.s32 @!p0 $0xFFFFD800;
	(pc) =	sbr.rel @!p1 .LBB2_2-.Ltmp0, $4  }
0x3f: {  	s24 =	sadd.s32 $0x96800, s24;
	[bflag:$0x0] =	sbarrier.arrive $0xFFFF  }
0x40: {  	[hbm:s24], [sflag:s5] =	dma.local [spmem:s7], $0x200  }
0x41: {  	_ =	swait.ge [sflag:s6], $0x200  }
0x42: {  	[sflag:s6] =	ssyncset.done $0x0  }
.LBB2_1:
0x43: {  	s25 =	sadd.s32 $0xFFFFFFFF, s25;
	[sflag:s6] =	ssyncadd.s32 $0xFFFFFE00  }
0x44: {  	[spmem:s7], [sflag:s5] =	dma.local [hbm:s2], $0x200  }
0x45: {  	p1 =	sne.s32 s25, $0x0;
	_ =	swait.ge [sflag:s6], $0x200  }
0x46: {  	[sflag:s6] =	ssyncset.done $0x0  }
0x47: {  	[sflag:s6] =	ssyncadd.s32 $0xFFFFFE00  }
0x48: {  	[bflag:$0x0] =	sbarrier.arrive $0xFFFF  }
0x49: {  	[tilespmem:s4], [sflag:$0x2] =	stream.linear.gather [hbm4b:s8+s4], $0x50, $0x38;
	[tilespmem:$0x3880] =	vst v63  }
0x4a: {  	_ =	swait.ge [sflag:s9], $0x50  }
0x4b: {  	[sflag:s9] =	ssyncset.done $0x0  }
0x4c: {  	[sflag:s9] =	ssyncadd.s32 $0xFFFFFFB0  }
0x4d: {  	[tilespmem:s11], [sflag:$0x2] =	stream.linear.gather [hbm4b:s10+s4], $0x2800, $0x38;
	[tilespmem:$0x3880] =	vst v63  }
0x4e: {  	_ =	swait.ge [sflag:s9], $0x2800  }
0x4f: {  	[sflag:s9] =	ssyncset.done $0x0  }
0x50: {  	[sflag:s9] =	ssyncadd.s32 $0xFFFFD800  }
0x51: {  	[spmem:s3] =	stream.indirect.scatter.add.f32 [tilespmem:s11], [sflag:$0x1], $0x80, s4, s12, $0xb8;
	[tilespmem:$0x3880] =	vst v63  }
0x52: {  	_ =	swait.ge [sflag:s6], $0x2800  }
0x53: {  	[sflag:s6] =	ssyncset.done $0x0  }
0x54: {  	[sflag:s6] =	ssyncadd.s32 $0xFFFFD800  }
0x55: {  	[tilespmem:s4], [sflag:$0x2] =	stream.linear.gather [hbm4b:s13+s4], $0x50, $0x38;
	[tilespmem:$0x3880] =	vst v63  }
0x56: {  	_ =	swait.ge [sflag:s9], $0x50  }
0x57: {  	[sflag:s9] =	ssyncset.done $0x0  }
0x58: {  	[sflag:s9] =	ssyncadd.s32 $0xFFFFFFB0  }
0x59: {  	[tilespmem:s11], [sflag:$0x2] =	stream.linear.gather [hbm4b:s14+s4], $0x2800, $0x38;
	[tilespmem:$0x3880] =	vst v63  }
0x5a: {  	_ =	swait.ge [sflag:s9], $0x2800  }
0x5b: {  	[sflag:s9] =	ssyncset.done $0x0  }
0x5c: {  	[sflag:s9] =	ssyncadd.s32 $0xFFFFD800  }
0x5d: {  	[spmem:s3] =	stream.indirect.scatter.add.f32 [tilespmem:s11], [sflag:$0x1], $0x80, s4, s12, $0xb8;
	[tilespmem:$0x3880] =	vst v63  }
0x5e: {  	_ =	swait.ge [sflag:s6], $0x2800  }
0x5f: {  	[sflag:s6] =	ssyncset.done $0x0  }
0x60: {  	[sflag:s6] =	ssyncadd.s32 $0xFFFFD800  }
0x61: {  	[tilespmem:s4], [sflag:$0x2] =	stream.linear.gather [hbm4b:s15+s4], $0x50, $0x38;
	[tilespmem:$0x3880] =	vst v63  }
0x62: {  	_ =	swait.ge [sflag:s9], $0x50  }
0x63: {  	[sflag:s9] =	ssyncset.done $0x0  }
0x64: {  	[sflag:s9] =	ssyncadd.s32 $0xFFFFFFB0  }
0x65: {  	[tilespmem:s11], [sflag:$0x2] =	stream.linear.gather [hbm4b:s16+s4], $0x2800, $0x38;
	[tilespmem:$0x3880] =	vst v63  }
0x66: {  	_ =	swait.ge [sflag:s9], $0x2800  }
0x67: {  	[sflag:s9] =	ssyncset.done $0x0  }
0x68: {  	[sflag:s9] =	ssyncadd.s32 $0xFFFFD800  }
0x69: {  	[spmem:s3] =	stream.indirect.scatter.add.f32 [tilespmem:s11], [sflag:$0x1], $0x80, s4, s12, $0xb8;
	[tilespmem:$0x3880] =	vst v63  }
0x6a: {  	_ =	swait.ge [sflag:s6], $0x2800  }
0x6b: {  	[sflag:s6] =	ssyncset.done $0x0  }
0x6c: {  	[sflag:s6] =	ssyncadd.s32 $0xFFFFD800  }
0x6d: {  	[tilespmem:s18], [sflag:$0x2] =	stream.linear.gather @!p0 [hbm4b:s17+s18], $0x50, $0x38;
	[tilespmem:$0x3880] =	vst v63  }
0x6e: {  	_ =	swait.ge @!p0 [sflag:s19], $0x50  }
0x6f: {  	[sflag:s19] =	ssyncset.done @!p0 $0x0  }
0x70: {  	[sflag:s19] =	ssyncadd.s32 @!p0 $0xFFFFFFB0  }
0x71: {  	[tilespmem:s21], [sflag:$0x2] =	stream.linear.gather @!p0 [hbm4b:s20+s18], $0x2800, $0x38;
	[tilespmem:$0x3880] =	vst v63  }
0x72: {  	_ =	swait.ge @!p0 [sflag:s19], $0x2800  }
0x73: {  	[sflag:s19] =	ssyncset.done @!p0 $0x0  }
0x74: {  	[sflag:s19] =	ssyncadd.s32 @!p0 $0xFFFFD800  }
0x75: {  	[spmem:s3] =	stream.indirect.scatter.add.f32 @!p0 [tilespmem:s21], [sflag:$0x1], $0x80, s18, s22, $0xb8;
	[tilespmem:$0x3880] =	vst v63  }
0x76: {  	_ =	swait.ge @!p0 [sflag:s23], $0x2800  }
0x77: {  	[sflag:s23] =	ssyncset.done @!p0 $0x0  }
.Ltmp1:
0x78: {  	[sflag:s23] =	ssyncadd.s32 @!p0 $0xFFFFD800;
	(pc) =	sbr.rel @p1 .LBB2_1-.Ltmp1, $4  }
0x79: {  	[bflag:$0x0] =	sbarrier.arrive $0xFFFF  }
0x7a: {  	[hbm:s24], [sflag:s5] =	dma.local [spmem:s7], $0x200  }
0x7b: {  	_ =	swait.ge [sflag:s6], $0x200  }
0x7c: {  	[sflag:s6] =	ssyncset.done $0x0  }
.LBB2_2:
0x7d: {  	[sflag:s6] =	ssyncadd.s32 $0xFFFFFE00  }
0x7e: {  	_ =	sfence.sel $0x180000  }
0x7f: {  	[bflag:$0x0] =	sbarrier.arrive $0xFFFF  }
0x80: {  	p0 =	sne.s32 s1, $0x0;
	_ =	strace $0x90000050  }
0x81: {  	s0 =	sadd.s32 @!p0 $0x100000, s0;
	[bflag:$0x2] =	sbarrier.arrive $0xFFFF  }
0x82: {  	[sflag:s0] =	ssyncadd.tile.s32 @!p0 $0x1;
	_ =	shalt  }
.Lfunc_end2:
_tile_overlayer_lowered:
.L_overlay_start_2:
0x83: {  	(tag) =	ssettag $0x2  }
0x84: {  	s0 =	rddreg [dreg:$0x0];
	s2 =	stileid.u32  }
0x85: {  	s1 =	rddreg [dreg:$0x1];
	p0 =	sne.s32 s2, $0x0  }
0x86: {  	s3 =	rddreg [dreg:$0x2];
	[bflag:$0x3] =	sbarrier.arrive $0xFFFF;
	s2 =	simm.s32 @!p0 $0x1C01  }
0x87: {  	[timem:s3], [sflag:s2] =	dma.local @!p0 [hbm:s0], s1  }
0x88: {  	s0 =	simm.s32 @!p0 $0x1  }
0x89: {  	_ =	swait.ge @!p0 [sflag:s0], s1  }
0x8a: {  	s1 =	ssub.s32 @!p0 $0x0, s1;
	[sflag:s0] =	ssyncset.done @!p0 $0x0  }
0x8b: {  	[sflag:s0] =	ssyncadd.s32 @!p0 s1  }
0x8c: {  	[bflag:$0x3] =	sbarrier.arrive $0xFFFF  }
0x8d: {  	_ =	shalt  }

</sc_bundles>
